<compile_context>
chip_gen: v7x
topology: tpu7x:2x2x1
jax: 0.10.2.dev20260603
libtpu: 0.0.44.dev20260713+nightly
codegen_flags: <defaults>
</compile_context>

<pallas_src>
import functools

import jax
import jax.numpy as jnp
from jax import lax
from jax.experimental import pallas as pl
from jax.experimental.pallas import tpu as pltpu

N = 10000
E = 160000
D = 256


_BR = 1000


def _layernorm_in(h, w, b, eps=1e-5):
    mu = jnp.mean(h, axis=-1, keepdims=True)
    var = jnp.mean((h - mu) ** 2, axis=-1, keepdims=True)
    return (h - mu) / jnp.sqrt(var + eps) * w + b


def _dense_body(agg_ref, x_ref, wrel_ref, brel_ref, wroot_ref, lnw_ref,
                lnb_ref, wlin_ref, blin_ref, out_ref):
    agg = agg_ref[...].astype(jnp.float32)
    agg = jnp.where(jnp.isfinite(agg), agg, 0.0)
    x = x_ref[...]
    h = (lax.dot_general(agg, wrel_ref[...], (((1,), (1,)), ((), ())),
                         preferred_element_type=jnp.float32)
         + brel_ref[...][None, :]
         + lax.dot_general(x, wroot_ref[...], (((1,), (1,)), ((), ())),
                           preferred_element_type=jnp.float32))
    h = jax.nn.gelu(h)
    h = h + x
    h = _layernorm_in(h, lnw_ref[...][None, :], lnb_ref[...][None, :])
    h2 = lax.dot_general(h, wlin_ref[...], (((1,), (1,)), ((), ())),
                         preferred_element_type=jnp.float32) + blin_ref[...][None, :]
    h2 = jax.nn.gelu(h2) + h
    out_ref[...] = _layernorm_in(h2, lnw_ref[...][None, :], lnb_ref[...][None, :])


def _dense_chain(agg, x, W_rel, b_rel, W_root, ln_w, ln_b, W_lin, b_lin):
    full = lambda s: pl.BlockSpec(s, lambda i: (0,) * len(s))
    return pl.pallas_call(
        _dense_body,
        grid=(N // _BR,),
        in_specs=[
            pl.BlockSpec((_BR, D), lambda i: (i, 0)),
            pl.BlockSpec((_BR, D), lambda i: (i, 0)),
            full((D, D)), full((D,)), full((D, D)),
            full((D,)), full((D,)), full((D, D)), full((D,)),
        ],
        out_specs=pl.BlockSpec((_BR, D), lambda i: (i, 0)),
        out_shape=jax.ShapeDtypeStruct((N, D), jnp.float32),
    )(agg, x, W_rel, b_rel, W_root, ln_w, ln_b, W_lin, b_lin)



from jax.experimental.pallas import tpu_sc as plsc

_NC = 2
_NS = 16
_NW = _NC * _NS
_R = 320
_C = 4000
_G = 32
_L = 16


_DW = D // 2
_NINF2 = -8323200


def _f16(v, dtype=jnp.int32):
    return jnp.full((_L,), v, dtype)


def _seg_max_body(x_hbm, src_hbm, dst_hbm, ew_hbm, out_hbm,
                  dst_v, src_v, w_v, lsrc, lw, ldst, gidx, rows_v, acc,
                  sem_c, sem_g):
    wid = lax.axis_index("s") * _NC + lax.axis_index("c")
    base = wid * _R
    base_v = jnp.full((_L,), base, jnp.int32)
    iota = lax.iota(jnp.int32, _L)
    ninf = jnp.full((_L,), _NINF2, jnp.int32)
    NCH = E // _C

    @plsc.parallel_loop(0, _R, 1, unroll=4)
    def init_row(i):
        rb = i * _DW
        for j in range(_DW // _L):
            plsc.store_scatter(acc, [rb + iota + j * _L], ninf)

    @plsc.parallel_loop(0, _C // _L, 1, unroll=4)
    def init_lsrc(i):
        plsc.store_scatter(lsrc, [iota + i * _L], _f16(0))

    def chunk_copies(c, pb):
        off = pl.multiple_of(c * _C, 8)
        return [
            pltpu.make_async_copy(dst_hbm.at[pl.ds(off, _C)], dst_v.at[pb], sem_c),
            pltpu.make_async_copy(src_hbm.at[pl.ds(off, _C)], src_v.at[pb], sem_c),
            pltpu.make_async_copy(ew_hbm.at[pl.ds(off, _C)], w_v.at[pb], sem_c),
        ]

    for d in chunk_copies(0, 0):
        d.start()

    def do_chunk(c, _):
        pb = c & 1
        for d in chunk_copies(c, pb):
            d.wait()

        @pl.when(c + 1 < NCH)
        def _():
            for d in chunk_copies(c + 1, (c + 1) & 1):
                d.start()

        def scan_group(i, cnt_vec):
            for u in range(2):
                s = i * (2 * _L) + u * _L
                vd = dst_v[pb, pl.ds(s, _L)]
                t = vd - base_v
                m = plsc.bitcast(t, jnp.uint32) < jnp.uint32(_R)
                mi = m.astype(jnp.int32)
                pos = cnt_vec + plsc.cumsum(mi) - 1
                plsc.store_scatter(lsrc, [pos], src_v[pb, pl.ds(s, _L)], mask=m)
                plsc.store_scatter(lw, [pos], w_v[pb, pl.ds(s, _L)], mask=m)
                plsc.store_scatter(ldst, [pos], t * _DW, mask=m)
                cnt_vec = cnt_vec + plsc.all_reduce_population_count(m)
            return cnt_vec
        cnt_vec = plsc.parallel_loop(
            0, _C // (2 * _L), 1, unroll=4, carry=_f16(0))(scan_group)
        cnt = lax.reduce_max(cnt_vec, (0,))

        nb = (cnt + _G - 1) >> 5

        def fill_gidx(b):
            gb = (b & 1) * _G
            boff = pl.multiple_of(b * _G, _G)
            for k in range(_G // _L):
                gidx[pl.ds(gb + k * _L, _L)] = lsrc[pl.ds(boff + k * _L, _L)]

        def gdesc(b):
            gb = (b & 1) * _G
            return pltpu.make_async_copy(
                x_hbm.at[gidx.at[pl.ds(gb, _G)]],
                rows_v.at[pl.ds(gb, _G)], sem_g)

        @pl.when(nb > 0)
        def _():
            fill_gidx(0)
            gdesc(0).start()

        def do_batch(b, _):
            gdesc(b).wait()

            @pl.when(b + 1 < nb)
            def _():
                fill_gidx(b + 1)
                gdesc(b + 1).start()

            rmax = jnp.minimum(cnt - b * _G, _G)
            rbase = (b & 1) * _G
            boff = pl.multiple_of(b * _G, _G)
            NJ = _DW // _L
            JB = 4

            def one_edge(r):
                e = _f16(0) + (boff + r)
                wb = plsc.load_gather(lw, [e])
                wb2 = plsc.pack(wb, wb, format=plsc.PackFormat.INTERLEAVED)
                db = plsc.load_gather(ldst, [e]) + iota
                cur = [plsc.load_gather(acc, [db + j * _L]) for j in range(NJ)]
                val = [plsc.bitcast(rows_v[rbase + r, pl.ds(j * _L, _L)],
                                    jnp.bfloat16) * wb2 for j in range(NJ)]
                for j in range(NJ):
                    mx = jnp.maximum(plsc.bitcast(cur[j], jnp.bfloat16),
                                     val[j])
                    plsc.store_scatter(acc, [db + j * _L],
                                       plsc.bitcast(mx, jnp.int32))

            def two_edges(p):
                r0 = 2 * p
                r1 = r0 + 1
                e0 = _f16(0) + (boff + r0)
                e1 = _f16(0) + (boff + r1)
                wb0 = plsc.load_gather(lw, [e0])
                wb1 = plsc.load_gather(lw, [e1])
                w20 = plsc.pack(wb0, wb0, format=plsc.PackFormat.INTERLEAVED)
                w21 = plsc.pack(wb1, wb1, format=plsc.PackFormat.INTERLEAVED)
                db0 = plsc.load_gather(ldst, [e0]) + iota
                db1 = plsc.load_gather(ldst, [e1]) + iota
                eqv = db0 == db1
                for g in range(NJ // JB):
                    js = range(g * JB, (g + 1) * JB)
                    cur0 = [plsc.load_gather(acc, [db0 + j * _L]) for j in js]
                    cur1 = [plsc.load_gather(acc, [db1 + j * _L]) for j in js]
                    for jj, j in enumerate(js):
                        v0 = plsc.bitcast(
                            rows_v[rbase + r0, pl.ds(j * _L, _L)],
                            jnp.bfloat16) * w20
                        v1 = plsc.bitcast(
                            rows_v[rbase + r1, pl.ds(j * _L, _L)],
                            jnp.bfloat16) * w21
                        v0 = plsc.bitcast(
                            jnp.where(eqv,
                                      plsc.bitcast(jnp.maximum(v0, v1),
                                                   jnp.int32),
                                      plsc.bitcast(v0, jnp.int32)),
                            jnp.bfloat16)
                        mx1 = jnp.maximum(
                            plsc.bitcast(cur1[jj], jnp.bfloat16), v1)
                        mx0 = jnp.maximum(
                            plsc.bitcast(cur0[jj], jnp.bfloat16), v0)
                        plsc.store_scatter(acc, [db1 + j * _L],
                                           plsc.bitcast(mx1, jnp.int32))
                        plsc.store_scatter(acc, [db0 + j * _L],
                                           plsc.bitcast(mx0, jnp.int32))

            def do_pair(p, _):
                two_edges(p)
                return 0
            lax.fori_loop(0, rmax >> 1, do_pair, 0)

            @pl.when((rmax & 1) == 1)
            def _():
                one_edge(rmax - 1)
            return 0
        lax.fori_loop(0, nb, do_batch, 0)
        return 0

    lax.fori_loop(0, NCH, do_chunk, 0)

    pltpu.sync_copy(acc, out_hbm.at[pl.ds(base * _DW, _R * _DW)])


@functools.partial(jax.jit, static_argnums=())
def _segment_max(x, src, dst, ew):
    mesh = plsc.VectorSubcoreMesh(core_axis_name="c", subcore_axis_name="s")
    f = pl.kernel(
        _seg_max_body,
        out_type=jax.ShapeDtypeStruct((_NW * _R * _DW,), jnp.int32),
        mesh=mesh,
        compiler_params=pltpu.CompilerParams(use_tc_tiling_on_sc=False,
                                             needs_layout_passes=False),
        scratch_types=[
            pltpu.VMEM((2, _C), jnp.int32),
            pltpu.VMEM((2, _C), jnp.int32),
            pltpu.VMEM((2, _C), jnp.float32),
            pltpu.VMEM((_C,), jnp.int32),
            pltpu.VMEM((_C,), jnp.float32),
            pltpu.VMEM((_C,), jnp.int32),
            pltpu.VMEM((2 * _G,), jnp.int32),
            pltpu.VMEM((2 * _G, _DW), jnp.int32),
            pltpu.VMEM((_R * _DW,), jnp.int32),
            pltpu.SemaphoreType.DMA,
            pltpu.SemaphoreType.DMA,
        ],
    )
    out_u = f(x, src, dst, ew)
    agg_bf = lax.bitcast_convert_type(
        out_u.reshape(_NW * _R, _DW), jnp.bfloat16)
    return agg_bf.reshape(_NW * _R, D)


def kernel(x, edge_index, edge_weight, W_rel, b_rel, W_root, ln_w, ln_b,
           W_lin, b_lin):
    x_u = lax.bitcast_convert_type(
        x.astype(jnp.bfloat16).reshape(N, _DW, 2), jnp.int32)
    agg = _segment_max(x_u, edge_index[0], edge_index[1], edge_weight)[:N]
    h2 = _dense_chain(agg, x, W_rel, b_rel, W_root, ln_w, ln_b, W_lin, b_lin)
    return (h2, edge_weight)

# --- scband reference (transcript-rebuilt; emitter-appended) ---
"""Pipeline reference for scband-graph-conv-block-86036784873943 (READ-ONLY COPY).

The authoritative reference and input builder live on the scoring server;
editing this copy changes nothing except your own understanding.
"""

import jax, jax.numpy as jnp
import numpy as np

N = 10000
E = 160000
D = 256


def _layernorm(h, w, b, eps=1e-5):
    mu = jnp.mean(h, axis=-1, keepdims=True)
    var = jnp.mean((h - mu) ** 2, axis=-1, keepdims=True)
    return (h - mu) / jnp.sqrt(var + eps) * w + b


def setup_inputs(seed: int = 0) -> dict:
    key = jax.random.key(seed)
    ks = jax.random.split(key, 10)
    x = jax.random.normal(ks[0], (N, D), dtype=jnp.float32)
    edge_index = jax.random.randint(ks[1], (2, E), 0, N, dtype=jnp.int32)
    edge_weight = jax.random.uniform(ks[2], (E,), dtype=jnp.float32)
    s = 1.0 / np.sqrt(D)
    W_rel = jax.random.uniform(ks[3], (D, D), minval=-s, maxval=s, dtype=jnp.float32)
    b_rel = jax.random.uniform(ks[4], (D,), minval=-s, maxval=s, dtype=jnp.float32)
    W_root = jax.random.uniform(ks[5], (D, D), minval=-s, maxval=s, dtype=jnp.float32)
    W_lin = jax.random.uniform(ks[6], (D, D), minval=-s, maxval=s, dtype=jnp.float32)
    b_lin = jax.random.uniform(ks[7], (D,), minval=-s, maxval=s, dtype=jnp.float32)
    ln_w = jnp.ones((D,), dtype=jnp.float32)
    ln_b = jnp.zeros((D,), dtype=jnp.float32)
    return {"x": x, "edge_index": edge_index, "edge_weight": edge_weight,
            "W_rel": W_rel, "b_rel": b_rel, "W_root": W_root,
            "ln_w": ln_w, "ln_b": ln_b, "W_lin": W_lin, "b_lin": b_lin}


def reference(x, edge_index, edge_weight, W_rel, b_rel, W_root, ln_w, ln_b, W_lin, b_lin):
    # GraphConv (PyG), aggr='max': out = lin_rel(max_j x_j * w_ij) + lin_root(x)
    src = edge_index[0]
    dst = edge_index[1]
    msg = jnp.take(x, src, axis=0) * edge_weight[:, None]
    agg = jax.ops.segment_max(msg, dst, num_segments=N)
    agg = jnp.where(jnp.isfinite(agg), agg, 0.0)  # empty segments -> 0
    h = agg @ W_rel.T + b_rel + x @ W_root.T
    # activation
    h = jax.nn.gelu(h)
    # skip (dropout=0 -> identity)
    h = h + x
    # layer norm
    h = _layernorm(h, ln_w, ln_b)
    # add_linear branch
    x_ = h
    h2 = jax.nn.gelu(h @ W_lin.T + b_lin)
    h2 = h2 + x_
    # NOTE: original module applies self.norm (not lin_norm) here; replicated faithfully
    h2 = _layernorm(h2, ln_w, ln_b)
    return (h2, edge_weight)

if __name__ == "__main__":
    import jax
    _d = setup_inputs()
    print(jax.jit(kernel)(*tuple(_d.values())))

</pallas_src>

<mosaic_0001>
#map = affine_map<(d0, d1) -> (0, 0)>
#map1 = affine_map<(d0, d1) -> (0)>
module attributes {stable_mosaic.version = 14 : i64} {
  func.func @_seg_max_body(%arg0: i32, %arg1: i32, %arg2: memref<10000x128xi32, #tpu.memory_space<hbm>>, %arg3: memref<160000xi32, #tpu.memory_space<hbm>>, %arg4: memref<160000xi32, #tpu.memory_space<hbm>>, %arg5: memref<160000xf32, #tpu.memory_space<hbm>>, %arg6: memref<1310720xi32, #tpu.memory_space<hbm>>, %arg7: memref<2x4000xi32, #tpu.memory_space<vmem>>, %arg8: memref<2x4000xi32, #tpu.memory_space<vmem>>, %arg9: memref<2x4000xf32, #tpu.memory_space<vmem>>, %arg10: memref<4000xi32, #tpu.memory_space<vmem>>, %arg11: memref<4000xf32, #tpu.memory_space<vmem>>, %arg12: memref<4000xi32, #tpu.memory_space<vmem>>, %arg13: memref<64xi32, #tpu.memory_space<vmem>>, %arg14: memref<64x128xi32, #tpu.memory_space<vmem>>, %arg15: memref<40960xi32, #tpu.memory_space<vmem>>, %arg16: memref<!tpu.dma_semaphore, #tpu.memory_space<semaphore_mem>>, %arg17: memref<!tpu.dma_semaphore, #tpu.memory_space<semaphore_mem>>) attributes {dimension_semantics = [#tpu.dimension_semantics<core_parallel>, #tpu.dimension_semantics<subcore_parallel>], iteration_bounds = array<i64: 2, 16>, scalar_prefetch = 0 : i64, scratch_operands = 11 : i64, tpu.core_type = #tpu.core_type<sc_vector_subcore>, window_params = [{transform_indices = #map}, {transform_indices = #map1}, {transform_indices = #map1}, {transform_indices = #map1}, {transform_indices = #map1}]} {
    %mul3A = arith.constant 2 : i32
    %mul3A_0 = arith.muli %arg1, %mul3A : i32
    %add3A = arith.addi %mul3A_0, %arg0 : i32
    %mul3A_1 = arith.constant 320 : i32
    %mul3A_2 = arith.muli %add3A, %mul3A_1 : i32
    %broadcast_in_dim3A = vector.broadcast %mul3A_2 : i32 to vector<16xi32>
    %iota3A = tpu.iota {dimensions = array<i32: 0>} : vector<16xi32>
    %broadcast_in_dim3A_3 = arith.constant -8323200 : i32
    %broadcast_in_dim3A_4 = vector.broadcast %broadcast_in_dim3A_3 : i32 to vector<16xi32>
    %parallel_loop3A = arith.constant 0 : i32
    %parallel_loop3A_5 = arith.constant 320 : i32
    %parallel_loop3A_6 = arith.constant 1 : i32
    scf.for %parallel_loop3A_45 = %parallel_loop3A to %parallel_loop3A_5 step %parallel_loop3A_6  : i32 {
      %parallel_loop3A_46 = arith.constant 128 : i32
      %parallel_loop3A_47 = arith.muli %parallel_loop3A_45, %parallel_loop3A_46 : i32
      %parallel_loop3A_48 = vector.broadcast %parallel_loop3A_47 : i32 to vector<16xi32>
      %parallel_loop3A_49 = arith.addi %parallel_loop3A_48, %iota3A : vector<16xi32>
      %parallel_loop3A_50 = arith.constant 0 : i32
      %parallel_loop3A_51 = vector.broadcast %parallel_loop3A_50 : i32 to vector<16xi32>
      %parallel_loop3A_52 = arith.addi %parallel_loop3A_49, %parallel_loop3A_51 : vector<16xi32>
      tpu.vector_store_idx %arg15[%parallel_loop3A_52], %broadcast_in_dim3A_4 : memref<40960xi32, #tpu.memory_space<vmem>>[vector<16xi32>], vector<16xi32>,
      %parallel_loop3A_53 = vector.broadcast %parallel_loop3A_47 : i32 to vector<16xi32>
      %parallel_loop3A_54 = arith.addi %parallel_loop3A_53, %iota3A : vector<16xi32>
      %parallel_loop3A_55 = arith.constant 16 : i32
      %parallel_loop3A_56 = vector.broadcast %parallel_loop3A_55 : i32 to vector<16xi32>
      %parallel_loop3A_57 = arith.addi %parallel_loop3A_54, %parallel_loop3A_56 : vector<16xi32>
      tpu.vector_store_idx %arg15[%parallel_loop3A_57], %broadcast_in_dim3A_4 : memref<40960xi32, #tpu.memory_space<vmem>>[vector<16xi32>], vector<16xi32>,
      %parallel_loop3A_58 = vector.broadcast %parallel_loop3A_47 : i32 to vector<16xi32>
      %parallel_loop3A_59 = arith.addi %parallel_loop3A_58, %iota3A : vector<16xi32>
      %parallel_loop3A_60 = arith.constant 32 : i32
      %parallel_loop3A_61 = vector.broadcast %parallel_loop3A_60 : i32 to vector<16xi32>
      %parallel_loop3A_62 = arith.addi %parallel_loop3A_59, %parallel_loop3A_61 : vector<16xi32>
      tpu.vector_store_idx %arg15[%parallel_loop3A_62], %broadcast_in_dim3A_4 : memref<40960xi32, #tpu.memory_space<vmem>>[vector<16xi32>], vector<16xi32>,
      %parallel_loop3A_63 = vector.broadcast %parallel_loop3A_47 : i32 to vector<16xi32>
      %parallel_loop3A_64 = arith.addi %parallel_loop3A_63, %iota3A : vector<16xi32>
      %parallel_loop3A_65 = arith.constant 48 : i32
      %parallel_loop3A_66 = vector.broadcast %parallel_loop3A_65 : i32 to vector<16xi32>
      %parallel_loop3A_67 = arith.addi %parallel_loop3A_64, %parallel_loop3A_66 : vector<16xi32>
      tpu.vector_store_idx %arg15[%parallel_loop3A_67], %broadcast_in_dim3A_4 : memref<40960xi32, #tpu.memory_space<vmem>>[vector<16xi32>], vector<16xi32>,
      %parallel_loop3A_68 = vector.broadcast %parallel_loop3A_47 : i32 to vector<16xi32>
      %parallel_loop3A_69 = arith.addi %parallel_loop3A_68, %iota3A : vector<16xi32>
      %parallel_loop3A_70 = arith.constant 64 : i32
      %parallel_loop3A_71 = vector.broadcast %parallel_loop3A_70 : i32 to vector<16xi32>
      %parallel_loop3A_72 = arith.addi %parallel_loop3A_69, %parallel_loop3A_71 : vector<16xi32>
      tpu.vector_store_idx %arg15[%parallel_loop3A_72], %broadcast_in_dim3A_4 : memref<40960xi32, #tpu.memory_space<vmem>>[vector<16xi32>], vector<16xi32>,
      %parallel_loop3A_73 = vector.broadcast %parallel_loop3A_47 : i32 to vector<16xi32>
      %parallel_loop3A_74 = arith.addi %parallel_loop3A_73, %iota3A : vector<16xi32>
      %parallel_loop3A_75 = arith.constant 80 : i32
      %parallel_loop3A_76 = vector.broadcast %parallel_loop3A_75 : i32 to vector<16xi32>
      %parallel_loop3A_77 = arith.addi %parallel_loop3A_74, %parallel_loop3A_76 : vector<16xi32>
      tpu.vector_store_idx %arg15[%parallel_loop3A_77], %broadcast_in_dim3A_4 : memref<40960xi32, #tpu.memory_space<vmem>>[vector<16xi32>], vector<16xi32>,
      %parallel_loop3A_78 = vector.broadcast %parallel_loop3A_47 : i32 to vector<16xi32>
      %parallel_loop3A_79 = arith.addi %parallel_loop3A_78, %iota3A : vector<16xi32>
      %parallel_loop3A_80 = arith.constant 96 : i32
      %parallel_loop3A_81 = vector.broadcast %parallel_loop3A_80 : i32 to vector<16xi32>
      %parallel_loop3A_82 = arith.addi %parallel_loop3A_79, %parallel_loop3A_81 : vector<16xi32>
      tpu.vector_store_idx %arg15[%parallel_loop3A_82], %broadcast_in_dim3A_4 : memref<40960xi32, #tpu.memory_space<vmem>>[vector<16xi32>], vector<16xi32>,
      %parallel_loop3A_83 = vector.broadcast %parallel_loop3A_47 : i32 to vector<16xi32>
      %parallel_loop3A_84 = arith.addi %parallel_loop3A_83, %iota3A : vector<16xi32>
      %parallel_loop3A_85 = arith.constant 112 : i32
      %parallel_loop3A_86 = vector.broadcast %parallel_loop3A_85 : i32 to vector<16xi32>
      %parallel_loop3A_87 = arith.addi %parallel_loop3A_84, %parallel_loop3A_86 : vector<16xi32>
      tpu.vector_store_idx %arg15[%parallel_loop3A_87], %broadcast_in_dim3A_4 : memref<40960xi32, #tpu.memory_space<vmem>>[vector<16xi32>], vector<16xi32>,
    } {sc.loop_unroll_factor = 4 : i64, sc.parallel_access}
    %parallel_loop3A_7 = arith.constant 0 : i32
    %parallel_loop3A_8 = arith.constant 250 : i32
    %parallel_loop3A_9 = arith.constant 1 : i32
    scf.for %parallel_loop3A_45 = %parallel_loop3A_7 to %parallel_loop3A_8 step %parallel_loop3A_9  : i32 {
      %parallel_loop3A_46 = arith.constant 16 : i32
      %parallel_loop3A_47 = arith.muli %parallel_loop3A_45, %parallel_loop3A_46 : i32
      %parallel_loop3A_48 = vector.broadcast %parallel_loop3A_47 : i32 to vector<16xi32>
      %parallel_loop3A_49 = arith.addi %iota3A, %parallel_loop3A_48 : vector<16xi32>
      %parallel_loop3A_50 = arith.constant 0 : i32
      %parallel_loop3A_51 = vector.broadcast %parallel_loop3A_50 : i32 to vector<16xi32>
      tpu.vector_store_idx %arg10[%parallel_loop3A_49], %parallel_loop3A_51 : memref<4000xi32, #tpu.memory_space<vmem>>[vector<16xi32>], vector<16xi32>,
    } {sc.loop_unroll_factor = 4 : i64, sc.parallel_access}
    %multiple_of3A = arith.constant 0 : i32
    %multiple_of3A_10 = tpu.assume_multiple %multiple_of3A, 8 : i32
    %dma_start3A = arith.constant 0 : i32
    %dma_start3A_11 = arith.constant 0 : i32
    %dma_start3A_12 = tpu.memref_slice %arg7[%dma_start3A, %dma_start3A_11] : memref<2x4000xi32, #tpu.memory_space<vmem>> -> memref<1x4000xi32, #tpu.memory_space<vmem>>
    %dma_start3A_13 = tpu.memref_squeeze %dma_start3A_12 : memref<1x4000xi32, #tpu.memory_space<vmem>> -> memref<4000xi32, #tpu.memory_space<vmem>>
    %dma_start3A_14 = tpu.memref_slice %arg4[%multiple_of3A_10] : memref<160000xi32, #tpu.memory_space<hbm>> -> memref<4000xi32, #tpu.memory_space<hbm>>
    %dma_start3A_15 = arith.constant 0 : i32
    %dma_start3A_16 = tpu.memref_slice %arg7[%dma_start3A, %dma_start3A_15] : memref<2x4000xi32, #tpu.memory_space<vmem>> -> memref<1x4000xi32, #tpu.memory_space<vmem>>
    %dma_start3A_17 = tpu.memref_squeeze %dma_start3A_16 : memref<1x4000xi32, #tpu.memory_space<vmem>> -> memref<4000xi32, #tpu.memory_space<vmem>>
    %dma_start3A_18 = tpu.memref_slice %arg4[%multiple_of3A_10] : memref<160000xi32, #tpu.memory_space<hbm>> -> memref<4000xi32, #tpu.memory_space<hbm>>
    tpu.enqueue_dma source(%dma_start3A_18 : memref<4000xi32, #tpu.memory_space<hbm>>) target(%dma_start3A_17 : memref<4000xi32, #tpu.memory_space<vmem>>) target_semaphore(%arg16 : memref<!tpu.dma_semaphore, #tpu.memory_space<semaphore_mem>>)
    %dma_start3A_19 = arith.constant 0 : i32
    %dma_start3A_20 = arith.constant 0 : i32
    %dma_start3A_21 = tpu.memref_slice %arg8[%dma_start3A_19, %dma_start3A_20] : memref<2x4000xi32, #tpu.memory_space<vmem>> -> memref<1x4000xi32, #tpu.memory_space<vmem>>
    %dma_start3A_22 = tpu.memref_squeeze %dma_start3A_21 : memref<1x4000xi32, #tpu.memory_space<vmem>> -> memref<4000xi32, #tpu.memory_space<vmem>>
    %dma_start3A_23 = tpu.memref_slice %arg3[%multiple_of3A_10] : memref<160000xi32, #tpu.memory_space<hbm>> -> memref<4000xi32, #tpu.memory_space<hbm>>
    %dma_start3A_24 = arith.constant 0 : i32
    %dma_start3A_25 = tpu.memref_slice %arg8[%dma_start3A_19, %dma_start3A_24] : memref<2x4000xi32, #tpu.memory_space<vmem>> -> memref<1x4000xi32, #tpu.memory_space<vmem>>
    %dma_start3A_26 = tpu.memref_squeeze %dma_start3A_25 : memref<1x4000xi32, #tpu.memory_space<vmem>> -> memref<4000xi32, #tpu.memory_space<vmem>>
    %dma_start3A_27 = tpu.memref_slice %arg3[%multiple_of3A_10] : memref<160000xi32, #tpu.memory_space<hbm>> -> memref<4000xi32, #tpu.memory_space<hbm>>
    tpu.enqueue_dma source(%dma_start3A_27 : memref<4000xi32, #tpu.memory_space<hbm>>) target(%dma_start3A_26 : memref<4000xi32, #tpu.memory_space<vmem>>) target_semaphore(%arg16 : memref<!tpu.dma_semaphore, #tpu.memory_space<semaphore_mem>>)
    %dma_start3A_28 = arith.constant 0 : i32
    %dma_start3A_29 = arith.constant 0 : i32
    %dma_start3A_30 = tpu.memref_slice %arg9[%dma_start3A_28, %dma_start3A_29] : memref<2x4000xf32, #tpu.memory_space<vmem>> -> memref<1x4000xf32, #tpu.memory_space<vmem>>
    %dma_start3A_31 = tpu.memref_squeeze %dma_start3A_30 : memref<1x4000xf32, #tpu.memory_space<vmem>> -> memref<4000xf32, #tpu.memory_space<vmem>>
    %dma_start3A_32 = tpu.memref_slice %arg5[%multiple_of3A_10] : memref<160000xf32, #tpu.memory_space<hbm>> -> memref<4000xf32, #tpu.memory_space<hbm>>
    %dma_start3A_33 = arith.constant 0 : i32
    %dma_start3A_34 = tpu.memref_slice %arg9[%dma_start3A_28, %dma_start3A_33] : memref<2x4000xf32, #tpu.memory_space<vmem>> -> memref<1x4000xf32, #tpu.memory_space<vmem>>
    %dma_start3A_35 = tpu.memref_squeeze %dma_start3A_34 : memref<1x4000xf32, #tpu.memory_space<vmem>> -> memref<4000xf32, #tpu.memory_space<vmem>>
    %dma_start3A_36 = tpu.memref_slice %arg5[%multiple_of3A_10] : memref<160000xf32, #tpu.memory_space<hbm>> -> memref<4000xf32, #tpu.memory_space<hbm>>
    tpu.enqueue_dma source(%dma_start3A_36 : memref<4000xf32, #tpu.memory_space<hbm>>) target(%dma_start3A_35 : memref<4000xf32, #tpu.memory_space<vmem>>) target_semaphore(%arg16 : memref<!tpu.dma_semaphore, #tpu.memory_space<semaphore_mem>>)
    %scan3A = arith.constant 0 : i32
    %scan3A_37 = arith.constant 0 : i32
    %scan3A_38 = arith.constant 40 : i32
    %scan3A_39 = arith.addi %scan3A_37, %scan3A_38 : i32
    %scan3A_40 = arith.constant 1 : i32
    %scan3A_41 = scf.for %scan3A_45 = %scan3A_37 to %scan3A_39 step %scan3A_40 iter_args(%scan3A_46 = %scan3A) -> (i32)  : i32 {
      %and3A = arith.constant 1 : i32
      %and3A_47 = arith.andi %scan3A_45, %and3A : i32
      %mul3A_48 = arith.constant 4000 : i32
      %mul3A_49 = arith.muli %scan3A_45, %mul3A_48 : i32
      %multiple_of3A_50 = tpu.assume_multiple %mul3A_49, 8 : i32
      %dma_wait3A = arith.constant 0 : i32
      %dma_wait3A_51 = tpu.memref_slice %arg7[%and3A_47, %dma_wait3A] : memref<2x4000xi32, #tpu.memory_space<vmem>> -> memref<1x4000xi32, #tpu.memory_space<vmem>>
      %dma_wait3A_52 = tpu.memref_squeeze %dma_wait3A_51 : memref<1x4000xi32, #tpu.memory_space<vmem>> -> memref<4000xi32, #tpu.memory_space<vmem>>
      %dma_wait3A_53 = tpu.memref_slice %arg4[%multiple_of3A_50] : memref<160000xi32, #tpu.memory_space<hbm>> -> memref<4000xi32, #tpu.memory_space<hbm>>
      %dma_wait3A_54 = arith.constant 0 : i32
      %dma_wait3A_55 = tpu.memref_slice %arg7[%and3A_47, %dma_wait3A_54] : memref<2x4000xi32, #tpu.memory_space<vmem>> -> memref<1x4000xi32, #tpu.memory_space<vmem>>
      %dma_wait3A_56 = tpu.memref_squeeze %dma_wait3A_55 : memref<1x4000xi32, #tpu.memory_space<vmem>> -> memref<4000xi32, #tpu.memory_space<vmem>>
      %dma_wait3A_57 = tpu.memref_slice %arg4[%multiple_of3A_50] : memref<160000xi32, #tpu.memory_space<hbm>> -> memref<4000xi32, #tpu.memory_space<hbm>>
      tpu.wait_dma2 semaphore(%arg16 : memref<!tpu.dma_semaphore, #tpu.memory_space<semaphore_mem>>) src(%dma_wait3A_57 : memref<4000xi32, #tpu.memory_space<hbm>>) dst(%dma_wait3A_56 : memref<4000xi32, #tpu.memory_space<vmem>>)
      %dma_wait3A_58 = arith.constant 0 : i32
      %dma_wait3A_59 = tpu.memref_slice %arg8[%and3A_47, %dma_wait3A_58] : memref<2x4000xi32, #tpu.memory_space<vmem>> -> memref<1x4000xi32, #tpu.memory_space<vmem>>
      %dma_wait3A_60 = tpu.memref_squeeze %dma_wait3A_59 : memref<1x4000xi32, #tpu.memory_space<vmem>> -> memref<4000xi32, #tpu.memory_space<vmem>>
      %dma_wait3A_61 = tpu.memref_slice %arg3[%multiple_of3A_50] : memref<160000xi32, #tpu.memory_space<hbm>> -> memref<4000xi32, #tpu.memory_space<hbm>>
      %dma_wait3A_62 = arith.constant 0 : i32
      %dma_wait3A_63 = tpu.memref_slice %arg8[%and3A_47, %dma_wait3A_62] : memref<2x4000xi32, #tpu.memory_space<vmem>> -> memref<1x4000xi32, #tpu.memory_space<vmem>>
      %dma_wait3A_64 = tpu.memref_squeeze %dma_wait3A_63 : memref<1x4000xi32, #tpu.memory_space<vmem>> -> memref<4000xi32, #tpu.memory_space<vmem>>
      %dma_wait3A_65 = tpu.memref_slice %arg3[%multiple_of3A_50] : memref<160000xi32, #tpu.memory_space<hbm>> -> memref<4000xi32, #tpu.memory_space<hbm>>
      tpu.wait_dma2 semaphore(%arg16 : memref<!tpu.dma_semaphore, #tpu.memory_space<semaphore_mem>>) src(%dma_wait3A_65 : memref<4000xi32, #tpu.memory_space<hbm>>) dst(%dma_wait3A_64 : memref<4000xi32, #tpu.memory_space<vmem>>)
      %dma_wait3A_66 = arith.constant 0 : i32
      %dma_wait3A_67 = tpu.memref_slice %arg9[%and3A_47, %dma_wait3A_66] : memref<2x4000xf32, #tpu.memory_space<vmem>> -> memref<1x4000xf32, #tpu.memory_space<vmem>>
      %dma_wait3A_68 = tpu.memref_squeeze %dma_wait3A_67 : memref<1x4000xf32, #tpu.memory_space<vmem>> -> memref<4000xf32, #tpu.memory_space<vmem>>
      %dma_wait3A_69 = tpu.memref_slice %arg5[%multiple_of3A_50] : memref<160000xf32, #tpu.memory_space<hbm>> -> memref<4000xf32, #tpu.memory_space<hbm>>
      %dma_wait3A_70 = arith.constant 0 : i32
      %dma_wait3A_71 = tpu.memref_slice %arg9[%and3A_47, %dma_wait3A_70] : memref<2x4000xf32, #tpu.memory_space<vmem>> -> memref<1x4000xf32, #tpu.memory_space<vmem>>
      %dma_wait3A_72 = tpu.memref_squeeze %dma_wait3A_71 : memref<1x4000xf32, #tpu.memory_space<vmem>> -> memref<4000xf32, #tpu.memory_space<vmem>>
      %dma_wait3A_73 = tpu.memref_slice %arg5[%multiple_of3A_50] : memref<160000xf32, #tpu.memory_space<hbm>> -> memref<4000xf32, #tpu.memory_space<hbm>>
      tpu.wait_dma2 semaphore(%arg16 : memref<!tpu.dma_semaphore, #tpu.memory_space<semaphore_mem>>) src(%dma_wait3A_73 : memref<4000xf32, #tpu.memory_space<hbm>>) dst(%dma_wait3A_72 : memref<4000xf32, #tpu.memory_space<vmem>>)
      %add3A_74 = arith.constant 1 : i32
      %add3A_75 = arith.addi %scan3A_45, %add3A_74 : i32
      %lt3A = arith.constant 40 : i32
      %lt3A_76 = arith.cmpi slt, %add3A_75, %lt3A : i32
      %convert_element_type3A = arith.extui %lt3A_76 : i1 to i32
      %cond3A = arith.constant 0 : i32
      %cond3A_77 = arith.cmpi ne, %convert_element_type3A, %cond3A : i32
      scf.if %cond3A_77 {
        %add3A_111 = arith.constant 1 : i32
        %add3A_112 = arith.addi %scan3A_45, %add3A_111 : i32
        %add3A_113 = arith.constant 1 : i32
        %add3A_114 = arith.addi %scan3A_45, %add3A_113 : i32
        %and3A_115 = arith.constant 1 : i32
        %and3A_116 = arith.andi %add3A_114, %and3A_115 : i32
        %mul3A_117 = arith.constant 4000 : i32
        %mul3A_118 = arith.muli %add3A_112, %mul3A_117 : i32
        %multiple_of3A_119 = tpu.assume_multiple %mul3A_118, 8 : i32
        %dma_start3A_120 = arith.constant 0 : i32
        %dma_start3A_121 = tpu.memref_slice %arg7[%and3A_116, %dma_start3A_120] : memref<2x4000xi32, #tpu.memory_space<vmem>> -> memref<1x4000xi32, #tpu.memory_space<vmem>>
        %dma_start3A_122 = tpu.memref_squeeze %dma_start3A_121 : memref<1x4000xi32, #tpu.memory_space<vmem>> -> memref<4000xi32, #tpu.memory_space<vmem>>
        %dma_start3A_123 = tpu.memref_slice %arg4[%multiple_of3A_119] : memref<160000xi32, #tpu.memory_space<hbm>> -> memref<4000xi32, #tpu.memory_space<hbm>>
        %dma_start3A_124 = arith.constant 0 : i32
        %dma_start3A_125 = tpu.memref_slice %arg7[%and3A_116, %dma_start3A_124] : memref<2x4000xi32, #tpu.memory_space<vmem>> -> memref<1x4000xi32, #tpu.memory_space<vmem>>
        %dma_start3A_126 = tpu.memref_squeeze %dma_start3A_125 : memref<1x4000xi32, #tpu.memory_space<vmem>> -> memref<4000xi32, #tpu.memory_space<vmem>>
        %dma_start3A_127 = tpu.memref_slice %arg4[%multiple_of3A_119] : memref<160000xi32, #tpu.memory_space<hbm>> -> memref<4000xi32, #tpu.memory_space<hbm>>
        tpu.enqueue_dma source(%dma_start3A_127 : memref<4000xi32, #tpu.memory_space<hbm>>) target(%dma_start3A_126 : memref<4000xi32, #tpu.memory_space<vmem>>) target_semaphore(%arg16 : memref<!tpu.dma_semaphore, #tpu.memory_space<semaphore_mem>>)
        %dma_start3A_128 = arith.constant 0 : i32
        %dma_start3A_129 = tpu.memref_slice %arg8[%and3A_116, %dma_start3A_128] : memref<2x4000xi32, #tpu.memory_space<vmem>> -> memref<1x4000xi32, #tpu.memory_space<vmem>>
        %dma_start3A_130 = tpu.memref_squeeze %dma_start3A_129 : memref<1x4000xi32, #tpu.memory_space<vmem>> -> memref<4000xi32, #tpu.memory_space<vmem>>
        %dma_start3A_131 = tpu.memref_slice %arg3[%multiple_of3A_119] : memref<160000xi32, #tpu.memory_space<hbm>> -> memref<4000xi32, #tpu.memory_space<hbm>>
        %dma_start3A_132 = arith.constant 0 : i32
        %dma_start3A_133 = tpu.memref_slice %arg8[%and3A_116, %dma_start3A_132] : memref<2x4000xi32, #tpu.memory_space<vmem>> -> memref<1x4000xi32, #tpu.memory_space<vmem>>
        %dma_start3A_134 = tpu.memref_squeeze %dma_start3A_133 : memref<1x4000xi32, #tpu.memory_space<vmem>> -> memref<4000xi32, #tpu.memory_space<vmem>>
        %dma_start3A_135 = tpu.memref_slice %arg3[%multiple_of3A_119] : memref<160000xi32, #tpu.memory_space<hbm>> -> memref<4000xi32, #tpu.memory_space<hbm>>
        tpu.enqueue_dma source(%dma_start3A_135 : memref<4000xi32, #tpu.memory_space<hbm>>) target(%dma_start3A_134 : memref<4000xi32, #tpu.memory_space<vmem>>) target_semaphore(%arg16 : memref<!tpu.dma_semaphore, #tpu.memory_space<semaphore_mem>>)
        %dma_start3A_136 = arith.constant 0 : i32
        %dma_start3A_137 = tpu.memref_slice %arg9[%and3A_116, %dma_start3A_136] : memref<2x4000xf32, #tpu.memory_space<vmem>> -> memref<1x4000xf32, #tpu.memory_space<vmem>>
        %dma_start3A_138 = tpu.memref_squeeze %dma_start3A_137 : memref<1x4000xf32, #tpu.memory_space<vmem>> -> memref<4000xf32, #tpu.memory_space<vmem>>
        %dma_start3A_139 = tpu.memref_slice %arg5[%multiple_of3A_119] : memref<160000xf32, #tpu.memory_space<hbm>> -> memref<4000xf32, #tpu.memory_space<hbm>>
        %dma_start3A_140 = arith.constant 0 : i32
        %dma_start3A_141 = tpu.memref_slice %arg9[%and3A_116, %dma_start3A_140] : memref<2x4000xf32, #tpu.memory_space<vmem>> -> memref<1x4000xf32, #tpu.memory_space<vmem>>
        %dma_start3A_142 = tpu.memref_squeeze %dma_start3A_141 : memref<1x4000xf32, #tpu.memory_space<vmem>> -> memref<4000xf32, #tpu.memory_space<vmem>>
        %dma_start3A_143 = tpu.memref_slice %arg5[%multiple_of3A_119] : memref<160000xf32, #tpu.memory_space<hbm>> -> memref<4000xf32, #tpu.memory_space<hbm>>
        tpu.enqueue_dma source(%dma_start3A_143 : memref<4000xf32, #tpu.memory_space<hbm>>) target(%dma_start3A_142 : memref<4000xf32, #tpu.memory_space<vmem>>) target_semaphore(%arg16 : memref<!tpu.dma_semaphore, #tpu.memory_space<semaphore_mem>>)
      } else {
      }
      %broadcast_in_dim3A_78 = arith.constant 0 : i32
      %broadcast_in_dim3A_79 = vector.broadcast %broadcast_in_dim3A_78 : i32 to vector<16xi32>
      %parallel_loop3A_80 = arith.constant 0 : i32
      %parallel_loop3A_81 = arith.constant 125 : i32
      %parallel_loop3A_82 = arith.constant 1 : i32
      %parallel_loop3A_83 = scf.for %parallel_loop3A_111 = %parallel_loop3A_80 to %parallel_loop3A_81 step %parallel_loop3A_82 iter_args(%parallel_loop3A_112 = %broadcast_in_dim3A_79) -> (vector<16xi32>)  : i32 {
        %parallel_loop3A_113 = arith.constant 32 : i32
        %parallel_loop3A_114 = arith.muli %parallel_loop3A_111, %parallel_loop3A_113 : i32
        %parallel_loop3A_115 = arith.constant 0 : i32
        %parallel_loop3A_116 = arith.addi %parallel_loop3A_114, %parallel_loop3A_115 : i32
        %parallel_loop3A_117 = arith.index_cast %and3A_47 : i32 to index
        %parallel_loop3A_118 = arith.index_cast %parallel_loop3A_116 : i32 to index
        %parallel_loop3A_119 = tpu.vector_load %arg7[%parallel_loop3A_117, %parallel_loop3A_118] {strides = array<i32>} : memref<2x4000xi32, #tpu.memory_space<vmem>>, vector<16xi32>,
        %parallel_loop3A_120 = arith.subi %parallel_loop3A_119, %broadcast_in_dim3A : vector<16xi32>
        %parallel_loop3A_121 = vector.bitcast %parallel_loop3A_120 : vector<16xi32> to vector<16xi32>
        %parallel_loop3A_122 = arith.constant 320 : i32
        %parallel_loop3A_123 = vector.broadcast %parallel_loop3A_122 : i32 to vector<16xi32>
        %parallel_loop3A_124 = arith.cmpi ult, %parallel_loop3A_121, %parallel_loop3A_123 : vector<16xi32>
        %parallel_loop3A_125 = arith.extui %parallel_loop3A_124 : vector<16xi1> to vector<16xi32>
        %parallel_loop3A_126 = arith.constant true
        %parallel_loop3A_127 = vector.broadcast %parallel_loop3A_126 : i1 to vector<16xi1>
        %parallel_loop3A_128 = tpu.scan <sum>, %parallel_loop3A_125 masked %parallel_loop3A_127 : vector<16xi32>, vector<16xi1> -> vector<16xi32>
        %parallel_loop3A_129 = arith.addi %parallel_loop3A_112, %parallel_loop3A_128 : vector<16xi32>
        %parallel_loop3A_130 = arith.constant 1 : i32
        %parallel_loop3A_131 = vector.broadcast %parallel_loop3A_130 : i32 to vector<16xi32>
        %parallel_loop3A_132 = arith.subi %parallel_loop3A_129, %parallel_loop3A_131 : vector<16xi32>
        %parallel_loop3A_133 = arith.index_cast %and3A_47 : i32 to index
        %parallel_loop3A_134 = arith.index_cast %parallel_loop3A_116 : i32 to index
        %parallel_loop3A_135 = tpu.vector_load %arg8[%parallel_loop3A_133, %parallel_loop3A_134] {strides = array<i32>} : memref<2x4000xi32, #tpu.memory_space<vmem>>, vector<16xi32>,
        tpu.vector_store_idx %arg10[%parallel_loop3A_132], %parallel_loop3A_135 masked %parallel_loop3A_124 : memref<4000xi32, #tpu.memory_space<vmem>>[vector<16xi32>], vector<16xi32>, vector<16xi1>
        %parallel_loop3A_136 = arith.index_cast %and3A_47 : i32 to index
        %parallel_loop3A_137 = arith.index_cast %parallel_loop3A_116 : i32 to index
        %parallel_loop3A_138 = tpu.vector_load %arg9[%parallel_loop3A_136, %parallel_loop3A_137] {strides = array<i32>} : memref<2x4000xf32, #tpu.memory_space<vmem>>, vector<16xf32>,
        tpu.vector_store_idx %arg11[%parallel_loop3A_132], %parallel_loop3A_138 masked %parallel_loop3A_124 : memref<4000xf32, #tpu.memory_space<vmem>>[vector<16xi32>], vector<16xf32>, vector<16xi1>
        %parallel_loop3A_139 = arith.constant 128 : i32
        %parallel_loop3A_140 = vector.broadcast %parallel_loop3A_139 : i32 to vector<16xi32>
        %parallel_loop3A_141 = arith.muli %parallel_loop3A_120, %parallel_loop3A_140 : vector<16xi32>
        tpu.vector_store_idx %arg12[%parallel_loop3A_132], %parallel_loop3A_141 masked %parallel_loop3A_124 : memref<4000xi32, #tpu.memory_space<vmem>>[vector<16xi32>], vector<16xi32>, vector<16xi1>
        %parallel_loop3A_142 = tpu.all_reduce %parallel_loop3A_124 {dim = 0 : i64, kind = #tpu.reduction_kind<sum>} : vector<16xi1> -> vector<16xi32>
        %parallel_loop3A_143 = arith.addi %parallel_loop3A_112, %parallel_loop3A_142 : vector<16xi32>
        %parallel_loop3A_144 = arith.constant 32 : i32
        %parallel_loop3A_145 = arith.muli %parallel_loop3A_111, %parallel_loop3A_144 : i32
        %parallel_loop3A_146 = arith.constant 16 : i32
        %parallel_loop3A_147 = arith.addi %parallel_loop3A_145, %parallel_loop3A_146 : i32
        %parallel_loop3A_148 = arith.index_cast %and3A_47 : i32 to index
        %parallel_loop3A_149 = arith.index_cast %parallel_loop3A_147 : i32 to index
        %parallel_loop3A_150 = tpu.vector_load %arg7[%parallel_loop3A_148, %parallel_loop3A_149] {strides = array<i32>} : memref<2x4000xi32, #tpu.memory_space<vmem>>, vector<16xi32>,
        %parallel_loop3A_151 = arith.subi %parallel_loop3A_150, %broadcast_in_dim3A : vector<16xi32>
        %parallel_loop3A_152 = vector.bitcast %parallel_loop3A_151 : vector<16xi32> to vector<16xi32>
        %parallel_loop3A_153 = arith.constant 320 : i32
        %parallel_loop3A_154 = vector.broadcast %parallel_loop3A_153 : i32 to vector<16xi32>
        %parallel_loop3A_155 = arith.cmpi ult, %parallel_loop3A_152, %parallel_loop3A_154 : vector<16xi32>
        %parallel_loop3A_156 = arith.extui %parallel_loop3A_155 : vector<16xi1> to vector<16xi32>
        %parallel_loop3A_157 = arith.constant true
        %parallel_loop3A_158 = vector.broadcast %parallel_loop3A_157 : i1 to vector<16xi1>
        %parallel_loop3A_159 = tpu.scan <sum>, %parallel_loop3A_156 masked %parallel_loop3A_158 : vector<16xi32>, vector<16xi1> -> vector<16xi32>
        %parallel_loop3A_160 = arith.addi %parallel_loop3A_143, %parallel_loop3A_159 : vector<16xi32>
        %parallel_loop3A_161 = arith.constant 1 : i32
        %parallel_loop3A_162 = vector.broadcast %parallel_loop3A_161 : i32 to vector<16xi32>
        %parallel_loop3A_163 = arith.subi %parallel_loop3A_160, %parallel_loop3A_162 : vector<16xi32>
        %parallel_loop3A_164 = arith.index_cast %and3A_47 : i32 to index
        %parallel_loop3A_165 = arith.index_cast %parallel_loop3A_147 : i32 to index
        %parallel_loop3A_166 = tpu.vector_load %arg8[%parallel_loop3A_164, %parallel_loop3A_165] {strides = array<i32>} : memref<2x4000xi32, #tpu.memory_space<vmem>>, vector<16xi32>,
        tpu.vector_store_idx %arg10[%parallel_loop3A_163], %parallel_loop3A_166 masked %parallel_loop3A_155 : memref<4000xi32, #tpu.memory_space<vmem>>[vector<16xi32>], vector<16xi32>, vector<16xi1>
        %parallel_loop3A_167 = arith.index_cast %and3A_47 : i32 to index
        %parallel_loop3A_168 = arith.index_cast %parallel_loop3A_147 : i32 to index
        %parallel_loop3A_169 = tpu.vector_load %arg9[%parallel_loop3A_167, %parallel_loop3A_168] {strides = array<i32>} : memref<2x4000xf32, #tpu.memory_space<vmem>>, vector<16xf32>,
        tpu.vector_store_idx %arg11[%parallel_loop3A_163], %parallel_loop3A_169 masked %parallel_loop3A_155 : memref<4000xf32, #tpu.memory_space<vmem>>[vector<16xi32>], vector<16xf32>, vector<16xi1>
        %parallel_loop3A_170 = arith.constant 128 : i32
        %parallel_loop3A_171 = vector.broadcast %parallel_loop3A_170 : i32 to vector<16xi32>
        %parallel_loop3A_172 = arith.muli %parallel_loop3A_151, %parallel_loop3A_171 : vector<16xi32>
        tpu.vector_store_idx %arg12[%parallel_loop3A_163], %parallel_loop3A_172 masked %parallel_loop3A_155 : memref<4000xi32, #tpu.memory_space<vmem>>[vector<16xi32>], vector<16xi32>, vector<16xi1>
        %parallel_loop3A_173 = tpu.all_reduce %parallel_loop3A_155 {dim = 0 : i64, kind = #tpu.reduction_kind<sum>} : vector<16xi1> -> vector<16xi32>
        %parallel_loop3A_174 = arith.addi %parallel_loop3A_143, %parallel_loop3A_173 : vector<16xi32>
        scf.yield %parallel_loop3A_174 : vector<16xi32>
      } {sc.loop_unroll_factor = 4 : i64, sc.parallel_access}
      %reduce_max3A = arith.constant true
      %reduce_max3A_84 = vector.broadcast %reduce_max3A : i1 to vector<16xi1>
      %reduce_max3A_85 = arith.constant -2147483648 : i32
      %reduce_max3A_86 = vector.broadcast %reduce_max3A_85 : i32 to vector<16xi32>
      %reduce_max3A_87 = arith.xori %parallel_loop3A_83, %reduce_max3A_86 : vector<16xi32>
      %reduce_max3A_88 = tpu.scan <max>, %reduce_max3A_87 masked %reduce_max3A_84 : vector<16xi32>, vector<16xi1> -> vector<16xi32>
      %reduce_max3A_89 = arith.xori %reduce_max3A_88, %reduce_max3A_86 : vector<16xi32>
      %reduce_max3A_90 = vector.extract %reduce_max3A_89[15] : i32 from vector<16xi32>
      %add3A_91 = arith.constant 32 : i32
      %add3A_92 = arith.addi %reduce_max3A_90, %add3A_91 : i32
      %sub3A = arith.constant 1 : i32
      %sub3A_93 = arith.subi %add3A_92, %sub3A : i32
      %shift_right_arithmetic3A = arith.constant 5 : i32
      %shift_right_arithmetic3A_94 = arith.shrsi %sub3A_93, %shift_right_arithmetic3A : i32
      %gt3A = arith.constant 0 : i32
      %gt3A_95 = arith.cmpi sgt, %shift_right_arithmetic3A_94, %gt3A : i32
      %convert_element_type3A_96 = arith.extui %gt3A_95 : i1 to i32
      %cond3A_97 = arith.constant 0 : i32
      %cond3A_98 = arith.cmpi ne, %convert_element_type3A_96, %cond3A_97 : i32
      scf.if %cond3A_98 {
        %multiple_of3A_111 = arith.constant 0 : i32
        %multiple_of3A_112 = tpu.assume_multiple %multiple_of3A_111, 32 : i32
        %add3A_113 = arith.constant 0 : i32
        %add3A_114 = arith.addi %multiple_of3A_112, %add3A_113 : i32
        %get3A = arith.index_cast %add3A_114 : i32 to index
        %get3A_115 = tpu.vector_load %arg10[%get3A] {strides = array<i32>} : memref<4000xi32, #tpu.memory_space<vmem>>, vector<16xi32>,
        %swap3A = arith.constant 0 : index
        %swap3A_116 = tpu.vector_load %arg13[%swap3A] {strides = array<i32>} : memref<64xi32, #tpu.memory_space<vmem>>, vector<16xi32>,
        tpu.vector_store %arg13[%swap3A], %get3A_115 {strides = array<i32>} : memref<64xi32, #tpu.memory_space<vmem>>, vector<16xi32>,
        %add3A_117 = arith.constant 16 : i32
        %add3A_118 = arith.addi %multiple_of3A_112, %add3A_117 : i32
        %get3A_119 = arith.index_cast %add3A_118 : i32 to index
        %get3A_120 = tpu.vector_load %arg10[%get3A_119] {strides = array<i32>} : memref<4000xi32, #tpu.memory_space<vmem>>, vector<16xi32>,
        %swap3A_121 = arith.constant 16 : index
        %swap3A_122 = tpu.vector_load %arg13[%swap3A_121] {strides = array<i32>} : memref<64xi32, #tpu.memory_space<vmem>>, vector<16xi32>,
        tpu.vector_store %arg13[%swap3A_121], %get3A_120 {strides = array<i32>} : memref<64xi32, #tpu.memory_space<vmem>>, vector<16xi32>,
        %dma_start3A_123 = arith.constant 0 : i32
        %dma_start3A_124 = arith.constant 0 : i32
        %dma_start3A_125 = tpu.memref_slice %arg14[%dma_start3A_123, %dma_start3A_124] : memref<64x128xi32, #tpu.memory_space<vmem>> -> memref<32x128xi32, #tpu.memory_space<vmem>>
        %dma_start3A_126 = arith.constant 0 : i32
        %dma_start3A_127 = tpu.memref_slice %arg13[%dma_start3A_126] : memref<64xi32, #tpu.memory_space<vmem>> -> memref<32xi32, #tpu.memory_space<vmem>>
        %dma_start3A_128 = arith.constant 0 : i32
        %dma_start3A_129 = arith.constant 0 : i32
        %dma_start3A_130 = tpu.memref_slice %arg2[%dma_start3A_128, %dma_start3A_129] : memref<10000x128xi32, #tpu.memory_space<hbm>> -> memref<10000x128xi32, #tpu.memory_space<hbm>>
        tpu.enqueue_indirect_dma source(%dma_start3A_130 : memref<10000x128xi32, #tpu.memory_space<hbm>>) target(%dma_start3A_125 : memref<32x128xi32, #tpu.memory_space<vmem>>) offsets(%dma_start3A_127 : memref<32xi32, #tpu.memory_space<vmem>>) semaphore(%arg17 : memref<!tpu.dma_semaphore, #tpu.memory_space<semaphore_mem>>)
      } else {
      }
      %while3A = arith.constant 0 : i32
      %while3A_99 = arith.constant 0 : i32
      %while3A_100 = arith.subi %shift_right_arithmetic3A_94, %while3A : i32
      %while3A_101 = arith.addi %while3A, %while3A_100 : i32
      %while3A_102 = arith.constant 1 : i32
      %while3A_103 = arith.divsi %while3A_100, %while3A_102 : i32
      %while3A_104 = arith.muli %while3A_103, %while3A_102 : i32
      %while3A_105 = arith.addi %while3A, %while3A_104 : i32
      %while3A_106 = arith.constant 1 : i32
      %while3A_107 = scf.for %while3A_111 = %while3A to %while3A_105 step %while3A_106 iter_args(%while3A_112 = %while3A_99) -> (i32)  : i32 {
        %and3A_113 = arith.constant 1 : i32
        %and3A_114 = arith.andi %while3A_111, %and3A_113 : i32
        %mul3A_115 = arith.constant 32 : i32
        %mul3A_116 = arith.muli %and3A_114, %mul3A_115 : i32
        %dma_wait3A_117 = arith.constant 0 : i32
        %dma_wait3A_118 = tpu.memref_slice %arg14[%mul3A_116, %dma_wait3A_117] : memref<64x128xi32, #tpu.memory_space<vmem>> -> memref<32x128xi32, #tpu.memory_space<vmem>>
        %dma_wait3A_119 = tpu.memref_slice %arg13[%mul3A_116] : memref<64xi32, #tpu.memory_space<vmem>> -> memref<32xi32, #tpu.memory_space<vmem>>
        %dma_wait3A_120 = arith.constant 0 : i32
        %dma_wait3A_121 = arith.constant 0 : i32
        %dma_wait3A_122 = tpu.memref_slice %arg2[%dma_wait3A_120, %dma_wait3A_121] : memref<10000x128xi32, #tpu.memory_space<hbm>> -> memref<10000x128xi32, #tpu.memory_space<hbm>>
        tpu.wait_indirect_dma semaphore(%arg17 : memref<!tpu.dma_semaphore, #tpu.memory_space<semaphore_mem>>) src(%dma_wait3A_122 : memref<10000x128xi32, #tpu.memory_space<hbm>>) dst(%dma_wait3A_118 : memref<32x128xi32, #tpu.memory_space<vmem>>)
        %add3A_123 = arith.constant 1 : i32
        %add3A_124 = arith.addi %while3A_111, %add3A_123 : i32
        %lt3A_125 = arith.cmpi slt, %add3A_124, %shift_right_arithmetic3A_94 : i32
        %convert_element_type3A_126 = arith.extui %lt3A_125 : i1 to i32
        %cond3A_127 = arith.constant 0 : i32
        %cond3A_128 = arith.cmpi ne, %convert_element_type3A_126, %cond3A_127 : i32
        scf.if %cond3A_128 {
          %add3A_161 = arith.constant 1 : i32
          %add3A_162 = arith.addi %while3A_111, %add3A_161 : i32
          %and3A_163 = arith.constant 1 : i32
          %and3A_164 = arith.andi %add3A_162, %and3A_163 : i32
          %mul3A_165 = arith.constant 32 : i32
          %mul3A_166 = arith.muli %and3A_164, %mul3A_165 : i32
          %mul3A_167 = arith.constant 32 : i32
          %mul3A_168 = arith.muli %add3A_162, %mul3A_167 : i32
          %multiple_of3A_169 = tpu.assume_multiple %mul3A_168, 32 : i32
          %add3A_170 = arith.constant 0 : i32
          %add3A_171 = arith.addi %multiple_of3A_169, %add3A_170 : i32
          %get3A = arith.index_cast %add3A_171 : i32 to index
          %get3A_172 = tpu.vector_load %arg10[%get3A] {strides = array<i32>} : memref<4000xi32, #tpu.memory_space<vmem>>, vector<16xi32>,
          %add3A_173 = arith.constant 0 : i32
          %add3A_174 = arith.addi %mul3A_166, %add3A_173 : i32
          %swap3A = arith.index_cast %add3A_174 : i32 to index
          %swap3A_175 = tpu.vector_load %arg13[%swap3A] {strides = array<i32>} : memref<64xi32, #tpu.memory_space<vmem>>, vector<16xi32>,
          tpu.vector_store %arg13[%swap3A], %get3A_172 {strides = array<i32>} : memref<64xi32, #tpu.memory_space<vmem>>, vector<16xi32>,
          %add3A_176 = arith.constant 16 : i32
          %add3A_177 = arith.addi %multiple_of3A_169, %add3A_176 : i32
          %get3A_178 = arith.index_cast %add3A_177 : i32 to index
          %get3A_179 = tpu.vector_load %arg10[%get3A_178] {strides = array<i32>} : memref<4000xi32, #tpu.memory_space<vmem>>, vector<16xi32>,
          %add3A_180 = arith.constant 16 : i32
          %add3A_181 = arith.addi %mul3A_166, %add3A_180 : i32
          %swap3A_182 = arith.index_cast %add3A_181 : i32 to index
          %swap3A_183 = tpu.vector_load %arg13[%swap3A_182] {strides = array<i32>} : memref<64xi32, #tpu.memory_space<vmem>>, vector<16xi32>,
          tpu.vector_store %arg13[%swap3A_182], %get3A_179 {strides = array<i32>} : memref<64xi32, #tpu.memory_space<vmem>>, vector<16xi32>,
          %add3A_184 = arith.constant 1 : i32
          %add3A_185 = arith.addi %while3A_111, %add3A_184 : i32
          %and3A_186 = arith.constant 1 : i32
          %and3A_187 = arith.andi %add3A_185, %and3A_186 : i32
          %mul3A_188 = arith.constant 32 : i32
          %mul3A_189 = arith.muli %and3A_187, %mul3A_188 : i32
          %dma_start3A_190 = arith.constant 0 : i32
          %dma_start3A_191 = tpu.memref_slice %arg14[%mul3A_189, %dma_start3A_190] : memref<64x128xi32, #tpu.memory_space<vmem>> -> memref<32x128xi32, #tpu.memory_space<vmem>>
          %dma_start3A_192 = tpu.memref_slice %arg13[%mul3A_189] : memref<64xi32, #tpu.memory_space<vmem>> -> memref<32xi32, #tpu.memory_space<vmem>>
          %dma_start3A_193 = arith.constant 0 : i32
          %dma_start3A_194 = arith.constant 0 : i32
          %dma_start3A_195 = tpu.memref_slice %arg2[%dma_start3A_193, %dma_start3A_194] : memref<10000x128xi32, #tpu.memory_space<hbm>> -> memref<10000x128xi32, #tpu.memory_space<hbm>>
          tpu.enqueue_indirect_dma source(%dma_start3A_195 : memref<10000x128xi32, #tpu.memory_space<hbm>>) target(%dma_start3A_191 : memref<32x128xi32, #tpu.memory_space<vmem>>) offsets(%dma_start3A_192 : memref<32xi32, #tpu.memory_space<vmem>>) semaphore(%arg17 : memref<!tpu.dma_semaphore, #tpu.memory_space<semaphore_mem>>)
        } else {
        }
        %mul3A_129 = arith.constant 32 : i32
        %mul3A_130 = arith.muli %while3A_111, %mul3A_129 : i32
        %sub3A_131 = arith.subi %reduce_max3A_90, %mul3A_130 : i32
        %min3A = arith.constant 32 : i32
        %min3A_132 = arith.minsi %sub3A_131, %min3A : i32
        %and3A_133 = arith.constant 1 : i32
        %and3A_134 = arith.andi %while3A_111, %and3A_133 : i32
        %mul3A_135 = arith.constant 32 : i32
        %mul3A_136 = arith.muli %and3A_134, %mul3A_135 : i32
        %mul3A_137 = arith.constant 32 : i32
        %mul3A_138 = arith.muli %while3A_111, %mul3A_137 : i32
        %multiple_of3A_139 = tpu.assume_multiple %mul3A_138, 32 : i32
        %shift_right_arithmetic3A_140 = arith.constant 1 : i32
        %shift_right_arithmetic3A_141 = arith.shrsi %min3A_132, %shift_right_arithmetic3A_140 : i32
        %while3A_142 = arith.constant 0 : i32
        %while3A_143 = arith.constant 0 : i32
        %while3A_144 = arith.subi %shift_right_arithmetic3A_141, %while3A_142 : i32
        %while3A_145 = arith.addi %while3A_142, %while3A_144 : i32
        %while3A_146 = arith.constant 1 : i32
        %while3A_147 = arith.divsi %while3A_144, %while3A_146 : i32
        %while3A_148 = arith.muli %while3A_147, %while3A_146 : i32
        %while3A_149 = arith.addi %while3A_142, %while3A_148 : i32
        %while3A_150 = arith.constant 1 : i32
        %while3A_151 = scf.for %while3A_161 = %while3A_142 to %while3A_149 step %while3A_150 iter_args(%while3A_162 = %while3A_143) -> (i32)  : i32 {
          %mul3A_163 = arith.constant 2 : i32
          %mul3A_164 = arith.muli %mul3A_163, %while3A_161 : i32
          %add3A_165 = arith.constant 1 : i32
          %add3A_166 = arith.addi %mul3A_164, %add3A_165 : i32
          %broadcast_in_dim3A_167 = arith.constant 0 : i32
          %broadcast_in_dim3A_168 = vector.broadcast %broadcast_in_dim3A_167 : i32 to vector<16xi32>
          %add3A_169 = arith.addi %multiple_of3A_139, %mul3A_164 : i32
          %add3A_170 = vector.broadcast %add3A_169 : i32 to vector<16xi32>
          %add3A_171 = arith.addi %broadcast_in_dim3A_168, %add3A_170 : vector<16xi32>
          %broadcast_in_dim3A_172 = arith.constant 0 : i32
          %broadcast_in_dim3A_173 = vector.broadcast %broadcast_in_dim3A_172 : i32 to vector<16xi32>
          %add3A_174 = arith.addi %multiple_of3A_139, %add3A_166 : i32
          %add3A_175 = vector.broadcast %add3A_174 : i32 to vector<16xi32>
          %add3A_176 = arith.addi %broadcast_in_dim3A_173, %add3A_175 : vector<16xi32>
          %gather3A = tpu.vector_load_idx %arg11[%add3A_171] : memref<4000xf32, #tpu.memory_space<vmem>>[vector<16xi32>], vector<16xf32>,
          %gather3A_177 = tpu.vector_load_idx %arg11[%add3A_176] : memref<4000xf32, #tpu.memory_space<vmem>>[vector<16xi32>], vector<16xf32>,
          %pack3A = tpu.pack_subelements %gather3A, %gather3A {pack_format = #tpu.pack_format<interleaved>, positions = array<i32: 0, 1>} : vector<16xf32>, vector<16xf32> -> vector<32xbf16>
          %pack3A_178 = tpu.pack_subelements %gather3A_177, %gather3A_177 {pack_format = #tpu.pack_format<interleaved>, positions = array<i32: 0, 1>} : vector<16xf32>, vector<16xf32> -> vector<32xbf16>
          %gather3A_179 = tpu.vector_load_idx %arg12[%add3A_171] : memref<4000xi32, #tpu.memory_space<vmem>>[vector<16xi32>], vector<16xi32>,
          %add3A_180 = arith.addi %gather3A_179, %iota3A : vector<16xi32>
          %gather3A_181 = tpu.vector_load_idx %arg12[%add3A_176] : memref<4000xi32, #tpu.memory_space<vmem>>[vector<16xi32>], vector<16xi32>,
          %add3A_182 = arith.addi %gather3A_181, %iota3A : vector<16xi32>
          %eq3A_183 = arith.cmpi eq, %add3A_180, %add3A_182 : vector<16xi32>
          %add3A_184 = arith.constant 0 : i32
          %add3A_185 = vector.broadcast %add3A_184 : i32 to vector<16xi32>
          %add3A_186 = arith.addi %add3A_180, %add3A_185 : vector<16xi32>
          %gather3A_187 = tpu.vector_load_idx %arg15[%add3A_186] : memref<40960xi32, #tpu.memory_space<vmem>>[vector<16xi32>], vector<16xi32>,
          %add3A_188 = arith.constant 16 : i32
          %add3A_189 = vector.broadcast %add3A_188 : i32 to vector<16xi32>
          %add3A_190 = arith.addi %add3A_180, %add3A_189 : vector<16xi32>
          %gather3A_191 = tpu.vector_load_idx %arg15[%add3A_190] : memref<40960xi32, #tpu.memory_space<vmem>>[vector<16xi32>], vector<16xi32>,
          %add3A_192 = arith.constant 32 : i32
          %add3A_193 = vector.broadcast %add3A_192 : i32 to vector<16xi32>
          %add3A_194 = arith.addi %add3A_180, %add3A_193 : vector<16xi32>
          %gather3A_195 = tpu.vector_load_idx %arg15[%add3A_194] : memref<40960xi32, #tpu.memory_space<vmem>>[vector<16xi32>], vector<16xi32>,
          %add3A_196 = arith.constant 48 : i32
          %add3A_197 = vector.broadcast %add3A_196 : i32 to vector<16xi32>
          %add3A_198 = arith.addi %add3A_180, %add3A_197 : vector<16xi32>
          %gather3A_199 = tpu.vector_load_idx %arg15[%add3A_198] : memref<40960xi32, #tpu.memory_space<vmem>>[vector<16xi32>], vector<16xi32>,
          %add3A_200 = arith.constant 0 : i32
          %add3A_201 = vector.broadcast %add3A_200 : i32 to vector<16xi32>
          %add3A_202 = arith.addi %add3A_182, %add3A_201 : vector<16xi32>
          %gather3A_203 = tpu.vector_load_idx %arg15[%add3A_202] : memref<40960xi32, #tpu.memory_space<vmem>>[vector<16xi32>], vector<16xi32>,
          %add3A_204 = arith.constant 16 : i32
          %add3A_205 = vector.broadcast %add3A_204 : i32 to vector<16xi32>
          %add3A_206 = arith.addi %add3A_182, %add3A_205 : vector<16xi32>
          %gather3A_207 = tpu.vector_load_idx %arg15[%add3A_206] : memref<40960xi32, #tpu.memory_space<vmem>>[vector<16xi32>], vector<16xi32>,
          %add3A_208 = arith.constant 32 : i32
          %add3A_209 = vector.broadcast %add3A_208 : i32 to vector<16xi32>
          %add3A_210 = arith.addi %add3A_182, %add3A_209 : vector<16xi32>
          %gather3A_211 = tpu.vector_load_idx %arg15[%add3A_210] : memref<40960xi32, #tpu.memory_space<vmem>>[vector<16xi32>], vector<16xi32>,
          %add3A_212 = arith.constant 48 : i32
          %add3A_213 = vector.broadcast %add3A_212 : i32 to vector<16xi32>
          %add3A_214 = arith.addi %add3A_182, %add3A_213 : vector<16xi32>
          %gather3A_215 = tpu.vector_load_idx %arg15[%add3A_214] : memref<40960xi32, #tpu.memory_space<vmem>>[vector<16xi32>], vector<16xi32>,
          %add3A_216 = arith.addi %mul3A_136, %mul3A_164 : i32
          %get3A = arith.index_cast %add3A_216 : i32 to index
          %get3A_217 = arith.constant 0 : index
          %get3A_218 = tpu.vector_load %arg14[%get3A, %get3A_217] {strides = array<i32>} : memref<64x128xi32, #tpu.memory_space<vmem>>, vector<16xi32>,
          %bitcast3A = vector.bitcast %get3A_218 : vector<16xi32> to vector<32xbf16>
          %mul3A_219 = arith.mulf %bitcast3A, %pack3A : vector<32xbf16>
          %add3A_220 = arith.addi %mul3A_136, %add3A_166 : i32
          %get3A_221 = arith.index_cast %add3A_220 : i32 to index
          %get3A_222 = arith.constant 0 : index
          %get3A_223 = tpu.vector_load %arg14[%get3A_221, %get3A_222] {strides = array<i32>} : memref<64x128xi32, #tpu.memory_space<vmem>>, vector<16xi32>,
          %bitcast3A_224 = vector.bitcast %get3A_223 : vector<16xi32> to vector<32xbf16>
          %mul3A_225 = arith.mulf %bitcast3A_224, %pack3A_178 : vector<32xbf16>
          %max3A = arith.maximumf %mul3A_219, %mul3A_225 : vector<32xbf16>
          %bitcast3A_226 = vector.bitcast %max3A : vector<32xbf16> to vector<16xi32>
          %bitcast3A_227 = vector.bitcast %mul3A_219 : vector<32xbf16> to vector<16xi32>
          %select_n3A = arith.select %eq3A_183, %bitcast3A_226, %bitcast3A_227 : vector<16xi1>, vector<16xi32>
          %bitcast3A_228 = vector.bitcast %select_n3A : vector<16xi32> to vector<32xbf16>
          %bitcast3A_229 = vector.bitcast %gather3A_203 : vector<16xi32> to vector<32xbf16>
          %max3A_230 = arith.maximumf %bitcast3A_229, %mul3A_225 : vector<32xbf16>
          %bitcast3A_231 = vector.bitcast %gather3A_187 : vector<16xi32> to vector<32xbf16>
          %max3A_232 = arith.maximumf %bitcast3A_231, %bitcast3A_228 : vector<32xbf16>
          %add3A_233 = arith.constant 0 : i32
          %add3A_234 = vector.broadcast %add3A_233 : i32 to vector<16xi32>
          %add3A_235 = arith.addi %add3A_182, %add3A_234 : vector<16xi32>
          %bitcast3A_236 = vector.bitcast %max3A_230 : vector<32xbf16> to vector<16xi32>
          tpu.vector_store_idx %arg15[%add3A_235], %bitcast3A_236 : memref<40960xi32, #tpu.memory_space<vmem>>[vector<16xi32>], vector<16xi32>,
          %add3A_237 = arith.constant 0 : i32
          %add3A_238 = vector.broadcast %add3A_237 : i32 to vector<16xi32>
          %add3A_239 = arith.addi %add3A_180, %add3A_238 : vector<16xi32>
          %bitcast3A_240 = vector.bitcast %max3A_232 : vector<32xbf16> to vector<16xi32>
          tpu.vector_store_idx %arg15[%add3A_239], %bitcast3A_240 : memref<40960xi32, #tpu.memory_space<vmem>>[vector<16xi32>], vector<16xi32>,
          %add3A_241 = arith.addi %mul3A_136, %mul3A_164 : i32
          %get3A_242 = arith.index_cast %add3A_241 : i32 to index
          %get3A_243 = arith.constant 16 : index
          %get3A_244 = tpu.vector_load %arg14[%get3A_242, %get3A_243] {strides = array<i32>} : memref<64x128xi32, #tpu.memory_space<vmem>>, vector<16xi32>,
          %bitcast3A_245 = vector.bitcast %get3A_244 : vector<16xi32> to vector<32xbf16>
          %mul3A_246 = arith.mulf %bitcast3A_245, %pack3A : vector<32xbf16>
          %add3A_247 = arith.addi %mul3A_136, %add3A_166 : i32
          %get3A_248 = arith.index_cast %add3A_247 : i32 to index
          %get3A_249 = arith.constant 16 : index
          %get3A_250 = tpu.vector_load %arg14[%get3A_248, %get3A_249] {strides = array<i32>} : memref<64x128xi32, #tpu.memory_space<vmem>>, vector<16xi32>,
          %bitcast3A_251 = vector.bitcast %get3A_250 : vector<16xi32> to vector<32xbf16>
          %mul3A_252 = arith.mulf %bitcast3A_251, %pack3A_178 : vector<32xbf16>
          %max3A_253 = arith.maximumf %mul3A_246, %mul3A_252 : vector<32xbf16>
          %bitcast3A_254 = vector.bitcast %max3A_253 : vector<32xbf16> to vector<16xi32>
          %bitcast3A_255 = vector.bitcast %mul3A_246 : vector<32xbf16> to vector<16xi32>
          %select_n3A_256 = arith.select %eq3A_183, %bitcast3A_254, %bitcast3A_255 : vector<16xi1>, vector<16xi32>
          %bitcast3A_257 = vector.bitcast %select_n3A_256 : vector<16xi32> to vector<32xbf16>
          %bitcast3A_258 = vector.bitcast %gather3A_207 : vector<16xi32> to vector<32xbf16>
          %max3A_259 = arith.maximumf %bitcast3A_258, %mul3A_252 : vector<32xbf16>
          %bitcast3A_260 = vector.bitcast %gather3A_191 : vector<16xi32> to vector<32xbf16>
          %max3A_261 = arith.maximumf %bitcast3A_260, %bitcast3A_257 : vector<32xbf16>
          %add3A_262 = arith.constant 16 : i32
          %add3A_263 = vector.broadcast %add3A_262 : i32 to vector<16xi32>
          %add3A_264 = arith.addi %add3A_182, %add3A_263 : vector<16xi32>
          %bitcast3A_265 = vector.bitcast %max3A_259 : vector<32xbf16> to vector<16xi32>
          tpu.vector_store_idx %arg15[%add3A_264], %bitcast3A_265 : memref<40960xi32, #tpu.memory_space<vmem>>[vector<16xi32>], vector<16xi32>,
          %add3A_266 = arith.constant 16 : i32
          %add3A_267 = vector.broadcast %add3A_266 : i32 to vector<16xi32>
          %add3A_268 = arith.addi %add3A_180, %add3A_267 : vector<16xi32>
          %bitcast3A_269 = vector.bitcast %max3A_261 : vector<32xbf16> to vector<16xi32>
          tpu.vector_store_idx %arg15[%add3A_268], %bitcast3A_269 : memref<40960xi32, #tpu.memory_space<vmem>>[vector<16xi32>], vector<16xi32>,
          %add3A_270 = arith.addi %mul3A_136, %mul3A_164 : i32
          %get3A_271 = arith.index_cast %add3A_270 : i32 to index
          %get3A_272 = arith.constant 32 : index
          %get3A_273 = tpu.vector_load %arg14[%get3A_271, %get3A_272] {strides = array<i32>} : memref<64x128xi32, #tpu.memory_space<vmem>>, vector<16xi32>,
          %bitcast3A_274 = vector.bitcast %get3A_273 : vector<16xi32> to vector<32xbf16>
          %mul3A_275 = arith.mulf %bitcast3A_274, %pack3A : vector<32xbf16>
          %add3A_276 = arith.addi %mul3A_136, %add3A_166 : i32
          %get3A_277 = arith.index_cast %add3A_276 : i32 to index
          %get3A_278 = arith.constant 32 : index
          %get3A_279 = tpu.vector_load %arg14[%get3A_277, %get3A_278] {strides = array<i32>} : memref<64x128xi32, #tpu.memory_space<vmem>>, vector<16xi32>,
          %bitcast3A_280 = vector.bitcast %get3A_279 : vector<16xi32> to vector<32xbf16>
          %mul3A_281 = arith.mulf %bitcast3A_280, %pack3A_178 : vector<32xbf16>
          %max3A_282 = arith.maximumf %mul3A_275, %mul3A_281 : vector<32xbf16>
          %bitcast3A_283 = vector.bitcast %max3A_282 : vector<32xbf16> to vector<16xi32>
          %bitcast3A_284 = vector.bitcast %mul3A_275 : vector<32xbf16> to vector<16xi32>
          %select_n3A_285 = arith.select %eq3A_183, %bitcast3A_283, %bitcast3A_284 : vector<16xi1>, vector<16xi32>
          %bitcast3A_286 = vector.bitcast %select_n3A_285 : vector<16xi32> to vector<32xbf16>
          %bitcast3A_287 = vector.bitcast %gather3A_211 : vector<16xi32> to vector<32xbf16>
          %max3A_288 = arith.maximumf %bitcast3A_287, %mul3A_281 : vector<32xbf16>
          %bitcast3A_289 = vector.bitcast %gather3A_195 : vector<16xi32> to vector<32xbf16>
          %max3A_290 = arith.maximumf %bitcast3A_289, %bitcast3A_286 : vector<32xbf16>
          %add3A_291 = arith.constant 32 : i32
          %add3A_292 = vector.broadcast %add3A_291 : i32 to vector<16xi32>
          %add3A_293 = arith.addi %add3A_182, %add3A_292 : vector<16xi32>
          %bitcast3A_294 = vector.bitcast %max3A_288 : vector<32xbf16> to vector<16xi32>
          tpu.vector_store_idx %arg15[%add3A_293], %bitcast3A_294 : memref<40960xi32, #tpu.memory_space<vmem>>[vector<16xi32>], vector<16xi32>,
          %add3A_295 = arith.constant 32 : i32
          %add3A_296 = vector.broadcast %add3A_295 : i32 to vector<16xi32>
          %add3A_297 = arith.addi %add3A_180, %add3A_296 : vector<16xi32>
          %bitcast3A_298 = vector.bitcast %max3A_290 : vector<32xbf16> to vector<16xi32>
          tpu.vector_store_idx %arg15[%add3A_297], %bitcast3A_298 : memref<40960xi32, #tpu.memory_space<vmem>>[vector<16xi32>], vector<16xi32>,
          %add3A_299 = arith.addi %mul3A_136, %mul3A_164 : i32
          %get3A_300 = arith.index_cast %add3A_299 : i32 to index
          %get3A_301 = arith.constant 48 : index
          %get3A_302 = tpu.vector_load %arg14[%get3A_300, %get3A_301] {strides = array<i32>} : memref<64x128xi32, #tpu.memory_space<vmem>>, vector<16xi32>,
          %bitcast3A_303 = vector.bitcast %get3A_302 : vector<16xi32> to vector<32xbf16>
          %mul3A_304 = arith.mulf %bitcast3A_303, %pack3A : vector<32xbf16>
          %add3A_305 = arith.addi %mul3A_136, %add3A_166 : i32
          %get3A_306 = arith.index_cast %add3A_305 : i32 to index
          %get3A_307 = arith.constant 48 : index
          %get3A_308 = tpu.vector_load %arg14[%get3A_306, %get3A_307] {strides = array<i32>} : memref<64x128xi32, #tpu.memory_space<vmem>>, vector<16xi32>,
          %bitcast3A_309 = vector.bitcast %get3A_308 : vector<16xi32> to vector<32xbf16>
          %mul3A_310 = arith.mulf %bitcast3A_309, %pack3A_178 : vector<32xbf16>
          %max3A_311 = arith.maximumf %mul3A_304, %mul3A_310 : vector<32xbf16>
          %bitcast3A_312 = vector.bitcast %max3A_311 : vector<32xbf16> to vector<16xi32>
          %bitcast3A_313 = vector.bitcast %mul3A_304 : vector<32xbf16> to vector<16xi32>
          %select_n3A_314 = arith.select %eq3A_183, %bitcast3A_312, %bitcast3A_313 : vector<16xi1>, vector<16xi32>
          %bitcast3A_315 = vector.bitcast %select_n3A_314 : vector<16xi32> to vector<32xbf16>
          %bitcast3A_316 = vector.bitcast %gather3A_215 : vector<16xi32> to vector<32xbf16>
          %max3A_317 = arith.maximumf %bitcast3A_316, %mul3A_310 : vector<32xbf16>
          %bitcast3A_318 = vector.bitcast %gather3A_199 : vector<16xi32> to vector<32xbf16>
          %max3A_319 = arith.maximumf %bitcast3A_318, %bitcast3A_315 : vector<32xbf16>
          %add3A_320 = arith.constant 48 : i32
          %add3A_321 = vector.broadcast %add3A_320 : i32 to vector<16xi32>
          %add3A_322 = arith.addi %add3A_182, %add3A_321 : vector<16xi32>
          %bitcast3A_323 = vector.bitcast %max3A_317 : vector<32xbf16> to vector<16xi32>
          tpu.vector_store_idx %arg15[%add3A_322], %bitcast3A_323 : memref<40960xi32, #tpu.memory_space<vmem>>[vector<16xi32>], vector<16xi32>,
          %add3A_324 = arith.constant 48 : i32
          %add3A_325 = vector.broadcast %add3A_324 : i32 to vector<16xi32>
          %add3A_326 = arith.addi %add3A_180, %add3A_325 : vector<16xi32>
          %bitcast3A_327 = vector.bitcast %max3A_319 : vector<32xbf16> to vector<16xi32>
          tpu.vector_store_idx %arg15[%add3A_326], %bitcast3A_327 : memref<40960xi32, #tpu.memory_space<vmem>>[vector<16xi32>], vector<16xi32>,
          %add3A_328 = arith.constant 64 : i32
          %add3A_329 = vector.broadcast %add3A_328 : i32 to vector<16xi32>
          %add3A_330 = arith.addi %add3A_180, %add3A_329 : vector<16xi32>
          %gather3A_331 = tpu.vector_load_idx %arg15[%add3A_330] : memref<40960xi32, #tpu.memory_space<vmem>>[vector<16xi32>], vector<16xi32>,
          %add3A_332 = arith.constant 80 : i32
          %add3A_333 = vector.broadcast %add3A_332 : i32 to vector<16xi32>
          %add3A_334 = arith.addi %add3A_180, %add3A_333 : vector<16xi32>
          %gather3A_335 = tpu.vector_load_idx %arg15[%add3A_334] : memref<40960xi32, #tpu.memory_space<vmem>>[vector<16xi32>], vector<16xi32>,
          %add3A_336 = arith.constant 96 : i32
          %add3A_337 = vector.broadcast %add3A_336 : i32 to vector<16xi32>
          %add3A_338 = arith.addi %add3A_180, %add3A_337 : vector<16xi32>
          %gather3A_339 = tpu.vector_load_idx %arg15[%add3A_338] : memref<40960xi32, #tpu.memory_space<vmem>>[vector<16xi32>], vector<16xi32>,
          %add3A_340 = arith.constant 112 : i32
          %add3A_341 = vector.broadcast %add3A_340 : i32 to vector<16xi32>
          %add3A_342 = arith.addi %add3A_180, %add3A_341 : vector<16xi32>
          %gather3A_343 = tpu.vector_load_idx %arg15[%add3A_342] : memref<40960xi32, #tpu.memory_space<vmem>>[vector<16xi32>], vector<16xi32>,
          %add3A_344 = arith.constant 64 : i32
          %add3A_345 = vector.broadcast %add3A_344 : i32 to vector<16xi32>
          %add3A_346 = arith.addi %add3A_182, %add3A_345 : vector<16xi32>
          %gather3A_347 = tpu.vector_load_idx %arg15[%add3A_346] : memref<40960xi32, #tpu.memory_space<vmem>>[vector<16xi32>], vector<16xi32>,
          %add3A_348 = arith.constant 80 : i32
          %add3A_349 = vector.broadcast %add3A_348 : i32 to vector<16xi32>
          %add3A_350 = arith.addi %add3A_182, %add3A_349 : vector<16xi32>
          %gather3A_351 = tpu.vector_load_idx %arg15[%add3A_350] : memref<40960xi32, #tpu.memory_space<vmem>>[vector<16xi32>], vector<16xi32>,
          %add3A_352 = arith.constant 96 : i32
          %add3A_353 = vector.broadcast %add3A_352 : i32 to vector<16xi32>
          %add3A_354 = arith.addi %add3A_182, %add3A_353 : vector<16xi32>
          %gather3A_355 = tpu.vector_load_idx %arg15[%add3A_354] : memref<40960xi32, #tpu.memory_space<vmem>>[vector<16xi32>], vector<16xi32>,
          %add3A_356 = arith.constant 112 : i32
          %add3A_357 = vector.broadcast %add3A_356 : i32 to vector<16xi32>
          %add3A_358 = arith.addi %add3A_182, %add3A_357 : vector<16xi32>
          %gather3A_359 = tpu.vector_load_idx %arg15[%add3A_358] : memref<40960xi32, #tpu.memory_space<vmem>>[vector<16xi32>], vector<16xi32>,
          %add3A_360 = arith.addi %mul3A_136, %mul3A_164 : i32
          %get3A_361 = arith.index_cast %add3A_360 : i32 to index
          %get3A_362 = arith.constant 64 : index
          %get3A_363 = tpu.vector_load %arg14[%get3A_361, %get3A_362] {strides = array<i32>} : memref<64x128xi32, #tpu.memory_space<vmem>>, vector<16xi32>,
          %bitcast3A_364 = vector.bitcast %get3A_363 : vector<16xi32> to vector<32xbf16>
          %mul3A_365 = arith.mulf %bitcast3A_364, %pack3A : vector<32xbf16>
          %add3A_366 = arith.addi %mul3A_136, %add3A_166 : i32
          %get3A_367 = arith.index_cast %add3A_366 : i32 to index
          %get3A_368 = arith.constant 64 : index
          %get3A_369 = tpu.vector_load %arg14[%get3A_367, %get3A_368] {strides = array<i32>} : memref<64x128xi32, #tpu.memory_space<vmem>>, vector<16xi32>,
          %bitcast3A_370 = vector.bitcast %get3A_369 : vector<16xi32> to vector<32xbf16>
          %mul3A_371 = arith.mulf %bitcast3A_370, %pack3A_178 : vector<32xbf16>
          %max3A_372 = arith.maximumf %mul3A_365, %mul3A_371 : vector<32xbf16>
          %bitcast3A_373 = vector.bitcast %max3A_372 : vector<32xbf16> to vector<16xi32>
          %bitcast3A_374 = vector.bitcast %mul3A_365 : vector<32xbf16> to vector<16xi32>
          %select_n3A_375 = arith.select %eq3A_183, %bitcast3A_373, %bitcast3A_374 : vector<16xi1>, vector<16xi32>
          %bitcast3A_376 = vector.bitcast %select_n3A_375 : vector<16xi32> to vector<32xbf16>
          %bitcast3A_377 = vector.bitcast %gather3A_347 : vector<16xi32> to vector<32xbf16>
          %max3A_378 = arith.maximumf %bitcast3A_377, %mul3A_371 : vector<32xbf16>
          %bitcast3A_379 = vector.bitcast %gather3A_331 : vector<16xi32> to vector<32xbf16>
          %max3A_380 = arith.maximumf %bitcast3A_379, %bitcast3A_376 : vector<32xbf16>
          %add3A_381 = arith.constant 64 : i32
          %add3A_382 = vector.broadcast %add3A_381 : i32 to vector<16xi32>
          %add3A_383 = arith.addi %add3A_182, %add3A_382 : vector<16xi32>
          %bitcast3A_384 = vector.bitcast %max3A_378 : vector<32xbf16> to vector<16xi32>
          tpu.vector_store_idx %arg15[%add3A_383], %bitcast3A_384 : memref<40960xi32, #tpu.memory_space<vmem>>[vector<16xi32>], vector<16xi32>,
          %add3A_385 = arith.constant 64 : i32
          %add3A_386 = vector.broadcast %add3A_385 : i32 to vector<16xi32>
          %add3A_387 = arith.addi %add3A_180, %add3A_386 : vector<16xi32>
          %bitcast3A_388 = vector.bitcast %max3A_380 : vector<32xbf16> to vector<16xi32>
          tpu.vector_store_idx %arg15[%add3A_387], %bitcast3A_388 : memref<40960xi32, #tpu.memory_space<vmem>>[vector<16xi32>], vector<16xi32>,
          %add3A_389 = arith.addi %mul3A_136, %mul3A_164 : i32
          %get3A_390 = arith.index_cast %add3A_389 : i32 to index
          %get3A_391 = arith.constant 80 : index
          %get3A_392 = tpu.vector_load %arg14[%get3A_390, %get3A_391] {strides = array<i32>} : memref<64x128xi32, #tpu.memory_space<vmem>>, vector<16xi32>,
          %bitcast3A_393 = vector.bitcast %get3A_392 : vector<16xi32> to vector<32xbf16>
          %mul3A_394 = arith.mulf %bitcast3A_393, %pack3A : vector<32xbf16>
          %add3A_395 = arith.addi %mul3A_136, %add3A_166 : i32
          %get3A_396 = arith.index_cast %add3A_395 : i32 to index
          %get3A_397 = arith.constant 80 : index
          %get3A_398 = tpu.vector_load %arg14[%get3A_396, %get3A_397] {strides = array<i32>} : memref<64x128xi32, #tpu.memory_space<vmem>>, vector<16xi32>,
          %bitcast3A_399 = vector.bitcast %get3A_398 : vector<16xi32> to vector<32xbf16>
          %mul3A_400 = arith.mulf %bitcast3A_399, %pack3A_178 : vector<32xbf16>
          %max3A_401 = arith.maximumf %mul3A_394, %mul3A_400 : vector<32xbf16>
          %bitcast3A_402 = vector.bitcast %max3A_401 : vector<32xbf16> to vector<16xi32>
          %bitcast3A_403 = vector.bitcast %mul3A_394 : vector<32xbf16> to vector<16xi32>
          %select_n3A_404 = arith.select %eq3A_183, %bitcast3A_402, %bitcast3A_403 : vector<16xi1>, vector<16xi32>
          %bitcast3A_405 = vector.bitcast %select_n3A_404 : vector<16xi32> to vector<32xbf16>
          %bitcast3A_406 = vector.bitcast %gather3A_351 : vector<16xi32> to vector<32xbf16>
          %max3A_407 = arith.maximumf %bitcast3A_406, %mul3A_400 : vector<32xbf16>
          %bitcast3A_408 = vector.bitcast %gather3A_335 : vector<16xi32> to vector<32xbf16>
          %max3A_409 = arith.maximumf %bitcast3A_408, %bitcast3A_405 : vector<32xbf16>
          %add3A_410 = arith.constant 80 : i32
          %add3A_411 = vector.broadcast %add3A_410 : i32 to vector<16xi32>
          %add3A_412 = arith.addi %add3A_182, %add3A_411 : vector<16xi32>
          %bitcast3A_413 = vector.bitcast %max3A_407 : vector<32xbf16> to vector<16xi32>
          tpu.vector_store_idx %arg15[%add3A_412], %bitcast3A_413 : memref<40960xi32, #tpu.memory_space<vmem>>[vector<16xi32>], vector<16xi32>,
          %add3A_414 = arith.constant 80 : i32
          %add3A_415 = vector.broadcast %add3A_414 : i32 to vector<16xi32>
          %add3A_416 = arith.addi %add3A_180, %add3A_415 : vector<16xi32>
          %bitcast3A_417 = vector.bitcast %max3A_409 : vector<32xbf16> to vector<16xi32>
          tpu.vector_store_idx %arg15[%add3A_416], %bitcast3A_417 : memref<40960xi32, #tpu.memory_space<vmem>>[vector<16xi32>], vector<16xi32>,
          %add3A_418 = arith.addi %mul3A_136, %mul3A_164 : i32
          %get3A_419 = arith.index_cast %add3A_418 : i32 to index
          %get3A_420 = arith.constant 96 : index
          %get3A_421 = tpu.vector_load %arg14[%get3A_419, %get3A_420] {strides = array<i32>} : memref<64x128xi32, #tpu.memory_space<vmem>>, vector<16xi32>,
          %bitcast3A_422 = vector.bitcast %get3A_421 : vector<16xi32> to vector<32xbf16>
          %mul3A_423 = arith.mulf %bitcast3A_422, %pack3A : vector<32xbf16>
          %add3A_424 = arith.addi %mul3A_136, %add3A_166 : i32
          %get3A_425 = arith.index_cast %add3A_424 : i32 to index
          %get3A_426 = arith.constant 96 : index
          %get3A_427 = tpu.vector_load %arg14[%get3A_425, %get3A_426] {strides = array<i32>} : memref<64x128xi32, #tpu.memory_space<vmem>>, vector<16xi32>,
          %bitcast3A_428 = vector.bitcast %get3A_427 : vector<16xi32> to vector<32xbf16>
          %mul3A_429 = arith.mulf %bitcast3A_428, %pack3A_178 : vector<32xbf16>
          %max3A_430 = arith.maximumf %mul3A_423, %mul3A_429 : vector<32xbf16>
          %bitcast3A_431 = vector.bitcast %max3A_430 : vector<32xbf16> to vector<16xi32>
          %bitcast3A_432 = vector.bitcast %mul3A_423 : vector<32xbf16> to vector<16xi32>
          %select_n3A_433 = arith.select %eq3A_183, %bitcast3A_431, %bitcast3A_432 : vector<16xi1>, vector<16xi32>
          %bitcast3A_434 = vector.bitcast %select_n3A_433 : vector<16xi32> to vector<32xbf16>
          %bitcast3A_435 = vector.bitcast %gather3A_355 : vector<16xi32> to vector<32xbf16>
          %max3A_436 = arith.maximumf %bitcast3A_435, %mul3A_429 : vector<32xbf16>
          %bitcast3A_437 = vector.bitcast %gather3A_339 : vector<16xi32> to vector<32xbf16>
          %max3A_438 = arith.maximumf %bitcast3A_437, %bitcast3A_434 : vector<32xbf16>
          %add3A_439 = arith.constant 96 : i32
          %add3A_440 = vector.broadcast %add3A_439 : i32 to vector<16xi32>
          %add3A_441 = arith.addi %add3A_182, %add3A_440 : vector<16xi32>
          %bitcast3A_442 = vector.bitcast %max3A_436 : vector<32xbf16> to vector<16xi32>
          tpu.vector_store_idx %arg15[%add3A_441], %bitcast3A_442 : memref<40960xi32, #tpu.memory_space<vmem>>[vector<16xi32>], vector<16xi32>,
          %add3A_443 = arith.constant 96 : i32
          %add3A_444 = vector.broadcast %add3A_443 : i32 to vector<16xi32>
          %add3A_445 = arith.addi %add3A_180, %add3A_444 : vector<16xi32>
          %bitcast3A_446 = vector.bitcast %max3A_438 : vector<32xbf16> to vector<16xi32>
          tpu.vector_store_idx %arg15[%add3A_445], %bitcast3A_446 : memref<40960xi32, #tpu.memory_space<vmem>>[vector<16xi32>], vector<16xi32>,
          %add3A_447 = arith.addi %mul3A_136, %mul3A_164 : i32
          %get3A_448 = arith.index_cast %add3A_447 : i32 to index
          %get3A_449 = arith.constant 112 : index
          %get3A_450 = tpu.vector_load %arg14[%get3A_448, %get3A_449] {strides = array<i32>} : memref<64x128xi32, #tpu.memory_space<vmem>>, vector<16xi32>,
          %bitcast3A_451 = vector.bitcast %get3A_450 : vector<16xi32> to vector<32xbf16>
          %mul3A_452 = arith.mulf %bitcast3A_451, %pack3A : vector<32xbf16>
          %add3A_453 = arith.addi %mul3A_136, %add3A_166 : i32
          %get3A_454 = arith.index_cast %add3A_453 : i32 to index
          %get3A_455 = arith.constant 112 : index
          %get3A_456 = tpu.vector_load %arg14[%get3A_454, %get3A_455] {strides = array<i32>} : memref<64x128xi32, #tpu.memory_space<vmem>>, vector<16xi32>,
          %bitcast3A_457 = vector.bitcast %get3A_456 : vector<16xi32> to vector<32xbf16>
          %mul3A_458 = arith.mulf %bitcast3A_457, %pack3A_178 : vector<32xbf16>
          %max3A_459 = arith.maximumf %mul3A_452, %mul3A_458 : vector<32xbf16>
          %bitcast3A_460 = vector.bitcast %max3A_459 : vector<32xbf16> to vector<16xi32>
          %bitcast3A_461 = vector.bitcast %mul3A_452 : vector<32xbf16> to vector<16xi32>
          %select_n3A_462 = arith.select %eq3A_183, %bitcast3A_460, %bitcast3A_461 : vector<16xi1>, vector<16xi32>
          %bitcast3A_463 = vector.bitcast %select_n3A_462 : vector<16xi32> to vector<32xbf16>
          %bitcast3A_464 = vector.bitcast %gather3A_359 : vector<16xi32> to vector<32xbf16>
          %max3A_465 = arith.maximumf %bitcast3A_464, %mul3A_458 : vector<32xbf16>
          %bitcast3A_466 = vector.bitcast %gather3A_343 : vector<16xi32> to vector<32xbf16>
          %max3A_467 = arith.maximumf %bitcast3A_466, %bitcast3A_463 : vector<32xbf16>
          %add3A_468 = arith.constant 112 : i32
          %add3A_469 = vector.broadcast %add3A_468 : i32 to vector<16xi32>
          %add3A_470 = arith.addi %add3A_182, %add3A_469 : vector<16xi32>
          %bitcast3A_471 = vector.bitcast %max3A_465 : vector<32xbf16> to vector<16xi32>
          tpu.vector_store_idx %arg15[%add3A_470], %bitcast3A_471 : memref<40960xi32, #tpu.memory_space<vmem>>[vector<16xi32>], vector<16xi32>,
          %add3A_472 = arith.constant 112 : i32
          %add3A_473 = vector.broadcast %add3A_472 : i32 to vector<16xi32>
          %add3A_474 = arith.addi %add3A_180, %add3A_473 : vector<16xi32>
          %bitcast3A_475 = vector.bitcast %max3A_467 : vector<32xbf16> to vector<16xi32>
          tpu.vector_store_idx %arg15[%add3A_474], %bitcast3A_475 : memref<40960xi32, #tpu.memory_space<vmem>>[vector<16xi32>], vector<16xi32>,
          %while3A_476 = arith.constant 0 : i32
          scf.yield %while3A_476 : i32
        }
        %while3A_152 = arith.constant 1 : i32
        %while3A_153 = scf.for %while3A_161 = %while3A_149 to %while3A_145 step %while3A_152 iter_args(%while3A_162 = %while3A_151) -> (i32)  : i32 {
          %mul3A_163 = arith.constant 2 : i32
          %mul3A_164 = arith.muli %mul3A_163, %while3A_161 : i32
          %add3A_165 = arith.constant 1 : i32
          %add3A_166 = arith.addi %mul3A_164, %add3A_165 : i32
          %broadcast_in_dim3A_167 = arith.constant 0 : i32
          %broadcast_in_dim3A_168 = vector.broadcast %broadcast_in_dim3A_167 : i32 to vector<16xi32>
          %add3A_169 = arith.addi %multiple_of3A_139, %mul3A_164 : i32
          %add3A_170 = vector.broadcast %add3A_169 : i32 to vector<16xi32>
          %add3A_171 = arith.addi %broadcast_in_dim3A_168, %add3A_170 : vector<16xi32>
          %broadcast_in_dim3A_172 = arith.constant 0 : i32
          %broadcast_in_dim3A_173 = vector.broadcast %broadcast_in_dim3A_172 : i32 to vector<16xi32>
          %add3A_174 = arith.addi %multiple_of3A_139, %add3A_166 : i32
          %add3A_175 = vector.broadcast %add3A_174 : i32 to vector<16xi32>
          %add3A_176 = arith.addi %broadcast_in_dim3A_173, %add3A_175 : vector<16xi32>
          %gather3A = tpu.vector_load_idx %arg11[%add3A_171] : memref<4000xf32, #tpu.memory_space<vmem>>[vector<16xi32>], vector<16xf32>,
          %gather3A_177 = tpu.vector_load_idx %arg11[%add3A_176] : memref<4000xf32, #tpu.memory_space<vmem>>[vector<16xi32>], vector<16xf32>,
          %pack3A = tpu.pack_subelements %gather3A, %gather3A {pack_format = #tpu.pack_format<interleaved>, positions = array<i32: 0, 1>} : vector<16xf32>, vector<16xf32> -> vector<32xbf16>
          %pack3A_178 = tpu.pack_subelements %gather3A_177, %gather3A_177 {pack_format = #tpu.pack_format<interleaved>, positions = array<i32: 0, 1>} : vector<16xf32>, vector<16xf32> -> vector<32xbf16>
          %gather3A_179 = tpu.vector_load_idx %arg12[%add3A_171] : memref<4000xi32, #tpu.memory_space<vmem>>[vector<16xi32>], vector<16xi32>,
          %add3A_180 = arith.addi %gather3A_179, %iota3A : vector<16xi32>
          %gather3A_181 = tpu.vector_load_idx %arg12[%add3A_176] : memref<4000xi32, #tpu.memory_space<vmem>>[vector<16xi32>], vector<16xi32>,
          %add3A_182 = arith.addi %gather3A_181, %iota3A : vector<16xi32>
          %eq3A_183 = arith.cmpi eq, %add3A_180, %add3A_182 : vector<16xi32>
          %add3A_184 = arith.constant 0 : i32
          %add3A_185 = vector.broadcast %add3A_184 : i32 to vector<16xi32>
          %add3A_186 = arith.addi %add3A_180, %add3A_185 : vector<16xi32>
          %gather3A_187 = tpu.vector_load_idx %arg15[%add3A_186] : memref<40960xi32, #tpu.memory_space<vmem>>[vector<16xi32>], vector<16xi32>,
          %add3A_188 = arith.constant 16 : i32
          %add3A_189 = vector.broadcast %add3A_188 : i32 to vector<16xi32>
          %add3A_190 = arith.addi %add3A_180, %add3A_189 : vector<16xi32>
          %gather3A_191 = tpu.vector_load_idx %arg15[%add3A_190] : memref<40960xi32, #tpu.memory_space<vmem>>[vector<16xi32>], vector<16xi32>,
          %add3A_192 = arith.constant 32 : i32
          %add3A_193 = vector.broadcast %add3A_192 : i32 to vector<16xi32>
          %add3A_194 = arith.addi %add3A_180, %add3A_193 : vector<16xi32>
          %gather3A_195 = tpu.vector_load_idx %arg15[%add3A_194] : memref<40960xi32, #tpu.memory_space<vmem>>[vector<16xi32>], vector<16xi32>,
          %add3A_196 = arith.constant 48 : i32
          %add3A_197 = vector.broadcast %add3A_196 : i32 to vector<16xi32>
          %add3A_198 = arith.addi %add3A_180, %add3A_197 : vector<16xi32>
          %gather3A_199 = tpu.vector_load_idx %arg15[%add3A_198] : memref<40960xi32, #tpu.memory_space<vmem>>[vector<16xi32>], vector<16xi32>,
          %add3A_200 = arith.constant 0 : i32
          %add3A_201 = vector.broadcast %add3A_200 : i32 to vector<16xi32>
          %add3A_202 = arith.addi %add3A_182, %add3A_201 : vector<16xi32>
          %gather3A_203 = tpu.vector_load_idx %arg15[%add3A_202] : memref<40960xi32, #tpu.memory_space<vmem>>[vector<16xi32>], vector<16xi32>,
          %add3A_204 = arith.constant 16 : i32
          %add3A_205 = vector.broadcast %add3A_204 : i32 to vector<16xi32>
          %add3A_206 = arith.addi %add3A_182, %add3A_205 : vector<16xi32>
          %gather3A_207 = tpu.vector_load_idx %arg15[%add3A_206] : memref<40960xi32, #tpu.memory_space<vmem>>[vector<16xi32>], vector<16xi32>,
          %add3A_208 = arith.constant 32 : i32
          %add3A_209 = vector.broadcast %add3A_208 : i32 to vector<16xi32>
          %add3A_210 = arith.addi %add3A_182, %add3A_209 : vector<16xi32>
          %gather3A_211 = tpu.vector_load_idx %arg15[%add3A_210] : memref<40960xi32, #tpu.memory_space<vmem>>[vector<16xi32>], vector<16xi32>,
          %add3A_212 = arith.constant 48 : i32
          %add3A_213 = vector.broadcast %add3A_212 : i32 to vector<16xi32>
          %add3A_214 = arith.addi %add3A_182, %add3A_213 : vector<16xi32>
          %gather3A_215 = tpu.vector_load_idx %arg15[%add3A_214] : memref<40960xi32, #tpu.memory_space<vmem>>[vector<16xi32>], vector<16xi32>,
          %add3A_216 = arith.addi %mul3A_136, %mul3A_164 : i32
          %get3A = arith.index_cast %add3A_216 : i32 to index
          %get3A_217 = arith.constant 0 : index
          %get3A_218 = tpu.vector_load %arg14[%get3A, %get3A_217] {strides = array<i32>} : memref<64x128xi32, #tpu.memory_space<vmem>>, vector<16xi32>,
          %bitcast3A = vector.bitcast %get3A_218 : vector<16xi32> to vector<32xbf16>
          %mul3A_219 = arith.mulf %bitcast3A, %pack3A : vector<32xbf16>
          %add3A_220 = arith.addi %mul3A_136, %add3A_166 : i32
          %get3A_221 = arith.index_cast %add3A_220 : i32 to index
          %get3A_222 = arith.constant 0 : index
          %get3A_223 = tpu.vector_load %arg14[%get3A_221, %get3A_222] {strides = array<i32>} : memref<64x128xi32, #tpu.memory_space<vmem>>, vector<16xi32>,
          %bitcast3A_224 = vector.bitcast %get3A_223 : vector<16xi32> to vector<32xbf16>
          %mul3A_225 = arith.mulf %bitcast3A_224, %pack3A_178 : vector<32xbf16>
          %max3A = arith.maximumf %mul3A_219, %mul3A_225 : vector<32xbf16>
          %bitcast3A_226 = vector.bitcast %max3A : vector<32xbf16> to vector<16xi32>
          %bitcast3A_227 = vector.bitcast %mul3A_219 : vector<32xbf16> to vector<16xi32>
          %select_n3A = arith.select %eq3A_183, %bitcast3A_226, %bitcast3A_227 : vector<16xi1>, vector<16xi32>
          %bitcast3A_228 = vector.bitcast %select_n3A : vector<16xi32> to vector<32xbf16>
          %bitcast3A_229 = vector.bitcast %gather3A_203 : vector<16xi32> to vector<32xbf16>
          %max3A_230 = arith.maximumf %bitcast3A_229, %mul3A_225 : vector<32xbf16>
          %bitcast3A_231 = vector.bitcast %gather3A_187 : vector<16xi32> to vector<32xbf16>
          %max3A_232 = arith.maximumf %bitcast3A_231, %bitcast3A_228 : vector<32xbf16>
          %add3A_233 = arith.constant 0 : i32
          %add3A_234 = vector.broadcast %add3A_233 : i32 to vector<16xi32>
          %add3A_235 = arith.addi %add3A_182, %add3A_234 : vector<16xi32>
          %bitcast3A_236 = vector.bitcast %max3A_230 : vector<32xbf16> to vector<16xi32>
          tpu.vector_store_idx %arg15[%add3A_235], %bitcast3A_236 : memref<40960xi32, #tpu.memory_space<vmem>>[vector<16xi32>], vector<16xi32>,
          %add3A_237 = arith.constant 0 : i32
          %add3A_238 = vector.broadcast %add3A_237 : i32 to vector<16xi32>
          %add3A_239 = arith.addi %add3A_180, %add3A_238 : vector<16xi32>
          %bitcast3A_240 = vector.bitcast %max3A_232 : vector<32xbf16> to vector<16xi32>
          tpu.vector_store_idx %arg15[%add3A_239], %bitcast3A_240 : memref<40960xi32, #tpu.memory_space<vmem>>[vector<16xi32>], vector<16xi32>,
          %add3A_241 = arith.addi %mul3A_136, %mul3A_164 : i32
          %get3A_242 = arith.index_cast %add3A_241 : i32 to index
          %get3A_243 = arith.constant 16 : index
          %get3A_244 = tpu.vector_load %arg14[%get3A_242, %get3A_243] {strides = array<i32>} : memref<64x128xi32, #tpu.memory_space<vmem>>, vector<16xi32>,
          %bitcast3A_245 = vector.bitcast %get3A_244 : vector<16xi32> to vector<32xbf16>
          %mul3A_246 = arith.mulf %bitcast3A_245, %pack3A : vector<32xbf16>
          %add3A_247 = arith.addi %mul3A_136, %add3A_166 : i32
          %get3A_248 = arith.index_cast %add3A_247 : i32 to index
          %get3A_249 = arith.constant 16 : index
          %get3A_250 = tpu.vector_load %arg14[%get3A_248, %get3A_249] {strides = array<i32>} : memref<64x128xi32, #tpu.memory_space<vmem>>, vector<16xi32>,
          %bitcast3A_251 = vector.bitcast %get3A_250 : vector<16xi32> to vector<32xbf16>
          %mul3A_252 = arith.mulf %bitcast3A_251, %pack3A_178 : vector<32xbf16>
          %max3A_253 = arith.maximumf %mul3A_246, %mul3A_252 : vector<32xbf16>
          %bitcast3A_254 = vector.bitcast %max3A_253 : vector<32xbf16> to vector<16xi32>
          %bitcast3A_255 = vector.bitcast %mul3A_246 : vector<32xbf16> to vector<16xi32>
          %select_n3A_256 = arith.select %eq3A_183, %bitcast3A_254, %bitcast3A_255 : vector<16xi1>, vector<16xi32>
          %bitcast3A_257 = vector.bitcast %select_n3A_256 : vector<16xi32> to vector<32xbf16>
          %bitcast3A_258 = vector.bitcast %gather3A_207 : vector<16xi32> to vector<32xbf16>
          %max3A_259 = arith.maximumf %bitcast3A_258, %mul3A_252 : vector<32xbf16>
          %bitcast3A_260 = vector.bitcast %gather3A_191 : vector<16xi32> to vector<32xbf16>
          %max3A_261 = arith.maximumf %bitcast3A_260, %bitcast3A_257 : vector<32xbf16>
          %add3A_262 = arith.constant 16 : i32
          %add3A_263 = vector.broadcast %add3A_262 : i32 to vector<16xi32>
          %add3A_264 = arith.addi %add3A_182, %add3A_263 : vector<16xi32>
          %bitcast3A_265 = vector.bitcast %max3A_259 : vector<32xbf16> to vector<16xi32>
          tpu.vector_store_idx %arg15[%add3A_264], %bitcast3A_265 : memref<40960xi32, #tpu.memory_space<vmem>>[vector<16xi32>], vector<16xi32>,
          %add3A_266 = arith.constant 16 : i32
          %add3A_267 = vector.broadcast %add3A_266 : i32 to vector<16xi32>
          %add3A_268 = arith.addi %add3A_180, %add3A_267 : vector<16xi32>
          %bitcast3A_269 = vector.bitcast %max3A_261 : vector<32xbf16> to vector<16xi32>
          tpu.vector_store_idx %arg15[%add3A_268], %bitcast3A_269 : memref<40960xi32, #tpu.memory_space<vmem>>[vector<16xi32>], vector<16xi32>,
          %add3A_270 = arith.addi %mul3A_136, %mul3A_164 : i32
          %get3A_271 = arith.index_cast %add3A_270 : i32 to index
          %get3A_272 = arith.constant 32 : index
          %get3A_273 = tpu.vector_load %arg14[%get3A_271, %get3A_272] {strides = array<i32>} : memref<64x128xi32, #tpu.memory_space<vmem>>, vector<16xi32>,
          %bitcast3A_274 = vector.bitcast %get3A_273 : vector<16xi32> to vector<32xbf16>
          %mul3A_275 = arith.mulf %bitcast3A_274, %pack3A : vector<32xbf16>
          %add3A_276 = arith.addi %mul3A_136, %add3A_166 : i32
          %get3A_277 = arith.index_cast %add3A_276 : i32 to index
          %get3A_278 = arith.constant 32 : index
          %get3A_279 = tpu.vector_load %arg14[%get3A_277, %get3A_278] {strides = array<i32>} : memref<64x128xi32, #tpu.memory_space<vmem>>, vector<16xi32>,
          %bitcast3A_280 = vector.bitcast %get3A_279 : vector<16xi32> to vector<32xbf16>
          %mul3A_281 = arith.mulf %bitcast3A_280, %pack3A_178 : vector<32xbf16>
          %max3A_282 = arith.maximumf %mul3A_275, %mul3A_281 : vector<32xbf16>
          %bitcast3A_283 = vector.bitcast %max3A_282 : vector<32xbf16> to vector<16xi32>
          %bitcast3A_284 = vector.bitcast %mul3A_275 : vector<32xbf16> to vector<16xi32>
          %select_n3A_285 = arith.select %eq3A_183, %bitcast3A_283, %bitcast3A_284 : vector<16xi1>, vector<16xi32>
          %bitcast3A_286 = vector.bitcast %select_n3A_285 : vector<16xi32> to vector<32xbf16>
          %bitcast3A_287 = vector.bitcast %gather3A_211 : vector<16xi32> to vector<32xbf16>
          %max3A_288 = arith.maximumf %bitcast3A_287, %mul3A_281 : vector<32xbf16>
          %bitcast3A_289 = vector.bitcast %gather3A_195 : vector<16xi32> to vector<32xbf16>
          %max3A_290 = arith.maximumf %bitcast3A_289, %bitcast3A_286 : vector<32xbf16>
          %add3A_291 = arith.constant 32 : i32
          %add3A_292 = vector.broadcast %add3A_291 : i32 to vector<16xi32>
          %add3A_293 = arith.addi %add3A_182, %add3A_292 : vector<16xi32>
          %bitcast3A_294 = vector.bitcast %max3A_288 : vector<32xbf16> to vector<16xi32>
          tpu.vector_store_idx %arg15[%add3A_293], %bitcast3A_294 : memref<40960xi32, #tpu.memory_space<vmem>>[vector<16xi32>], vector<16xi32>,
          %add3A_295 = arith.constant 32 : i32
          %add3A_296 = vector.broadcast %add3A_295 : i32 to vector<16xi32>
          %add3A_297 = arith.addi %add3A_180, %add3A_296 : vector<16xi32>
          %bitcast3A_298 = vector.bitcast %max3A_290 : vector<32xbf16> to vector<16xi32>
          tpu.vector_store_idx %arg15[%add3A_297], %bitcast3A_298 : memref<40960xi32, #tpu.memory_space<vmem>>[vector<16xi32>], vector<16xi32>,
          %add3A_299 = arith.addi %mul3A_136, %mul3A_164 : i32
          %get3A_300 = arith.index_cast %add3A_299 : i32 to index
          %get3A_301 = arith.constant 48 : index
          %get3A_302 = tpu.vector_load %arg14[%get3A_300, %get3A_301] {strides = array<i32>} : memref<64x128xi32, #tpu.memory_space<vmem>>, vector<16xi32>,
          %bitcast3A_303 = vector.bitcast %get3A_302 : vector<16xi32> to vector<32xbf16>
          %mul3A_304 = arith.mulf %bitcast3A_303, %pack3A : vector<32xbf16>
          %add3A_305 = arith.addi %mul3A_136, %add3A_166 : i32
          %get3A_306 = arith.index_cast %add3A_305 : i32 to index
          %get3A_307 = arith.constant 48 : index
          %get3A_308 = tpu.vector_load %arg14[%get3A_306, %get3A_307] {strides = array<i32>} : memref<64x128xi32, #tpu.memory_space<vmem>>, vector<16xi32>,
          %bitcast3A_309 = vector.bitcast %get3A_308 : vector<16xi32> to vector<32xbf16>
          %mul3A_310 = arith.mulf %bitcast3A_309, %pack3A_178 : vector<32xbf16>
          %max3A_311 = arith.maximumf %mul3A_304, %mul3A_310 : vector<32xbf16>
          %bitcast3A_312 = vector.bitcast %max3A_311 : vector<32xbf16> to vector<16xi32>
          %bitcast3A_313 = vector.bitcast %mul3A_304 : vector<32xbf16> to vector<16xi32>
          %select_n3A_314 = arith.select %eq3A_183, %bitcast3A_312, %bitcast3A_313 : vector<16xi1>, vector<16xi32>
          %bitcast3A_315 = vector.bitcast %select_n3A_314 : vector<16xi32> to vector<32xbf16>
          %bitcast3A_316 = vector.bitcast %gather3A_215 : vector<16xi32> to vector<32xbf16>
          %max3A_317 = arith.maximumf %bitcast3A_316, %mul3A_310 : vector<32xbf16>
          %bitcast3A_318 = vector.bitcast %gather3A_199 : vector<16xi32> to vector<32xbf16>
          %max3A_319 = arith.maximumf %bitcast3A_318, %bitcast3A_315 : vector<32xbf16>
          %add3A_320 = arith.constant 48 : i32
          %add3A_321 = vector.broadcast %add3A_320 : i32 to vector<16xi32>
          %add3A_322 = arith.addi %add3A_182, %add3A_321 : vector<16xi32>
          %bitcast3A_323 = vector.bitcast %max3A_317 : vector<32xbf16> to vector<16xi32>
          tpu.vector_store_idx %arg15[%add3A_322], %bitcast3A_323 : memref<40960xi32, #tpu.memory_space<vmem>>[vector<16xi32>], vector<16xi32>,
          %add3A_324 = arith.constant 48 : i32
          %add3A_325 = vector.broadcast %add3A_324 : i32 to vector<16xi32>
          %add3A_326 = arith.addi %add3A_180, %add3A_325 : vector<16xi32>
          %bitcast3A_327 = vector.bitcast %max3A_319 : vector<32xbf16> to vector<16xi32>
          tpu.vector_store_idx %arg15[%add3A_326], %bitcast3A_327 : memref<40960xi32, #tpu.memory_space<vmem>>[vector<16xi32>], vector<16xi32>,
          %add3A_328 = arith.constant 64 : i32
          %add3A_329 = vector.broadcast %add3A_328 : i32 to vector<16xi32>
          %add3A_330 = arith.addi %add3A_180, %add3A_329 : vector<16xi32>
          %gather3A_331 = tpu.vector_load_idx %arg15[%add3A_330] : memref<40960xi32, #tpu.memory_space<vmem>>[vector<16xi32>], vector<16xi32>,
          %add3A_332 = arith.constant 80 : i32
          %add3A_333 = vector.broadcast %add3A_332 : i32 to vector<16xi32>
          %add3A_334 = arith.addi %add3A_180, %add3A_333 : vector<16xi32>
          %gather3A_335 = tpu.vector_load_idx %arg15[%add3A_334] : memref<40960xi32, #tpu.memory_space<vmem>>[vector<16xi32>], vector<16xi32>,
          %add3A_336 = arith.constant 96 : i32
          %add3A_337 = vector.broadcast %add3A_336 : i32 to vector<16xi32>
          %add3A_338 = arith.addi %add3A_180, %add3A_337 : vector<16xi32>
          %gather3A_339 = tpu.vector_load_idx %arg15[%add3A_338] : memref<40960xi32, #tpu.memory_space<vmem>>[vector<16xi32>], vector<16xi32>,
          %add3A_340 = arith.constant 112 : i32
          %add3A_341 = vector.broadcast %add3A_340 : i32 to vector<16xi32>
          %add3A_342 = arith.addi %add3A_180, %add3A_341 : vector<16xi32>
          %gather3A_343 = tpu.vector_load_idx %arg15[%add3A_342] : memref<40960xi32, #tpu.memory_space<vmem>>[vector<16xi32>], vector<16xi32>,
          %add3A_344 = arith.constant 64 : i32
          %add3A_345 = vector.broadcast %add3A_344 : i32 to vector<16xi32>
          %add3A_346 = arith.addi %add3A_182, %add3A_345 : vector<16xi32>
          %gather3A_347 = tpu.vector_load_idx %arg15[%add3A_346] : memref<40960xi32, #tpu.memory_space<vmem>>[vector<16xi32>], vector<16xi32>,
          %add3A_348 = arith.constant 80 : i32
          %add3A_349 = vector.broadcast %add3A_348 : i32 to vector<16xi32>
          %add3A_350 = arith.addi %add3A_182, %add3A_349 : vector<16xi32>
          %gather3A_351 = tpu.vector_load_idx %arg15[%add3A_350] : memref<40960xi32, #tpu.memory_space<vmem>>[vector<16xi32>], vector<16xi32>,
          %add3A_352 = arith.constant 96 : i32
          %add3A_353 = vector.broadcast %add3A_352 : i32 to vector<16xi32>
          %add3A_354 = arith.addi %add3A_182, %add3A_353 : vector<16xi32>
          %gather3A_355 = tpu.vector_load_idx %arg15[%add3A_354] : memref<40960xi32, #tpu.memory_space<vmem>>[vector<16xi32>], vector<16xi32>,
          %add3A_356 = arith.constant 112 : i32
          %add3A_357 = vector.broadcast %add3A_356 : i32 to vector<16xi32>
          %add3A_358 = arith.addi %add3A_182, %add3A_357 : vector<16xi32>
          %gather3A_359 = tpu.vector_load_idx %arg15[%add3A_358] : memref<40960xi32, #tpu.memory_space<vmem>>[vector<16xi32>], vector<16xi32>,
          %add3A_360 = arith.addi %mul3A_136, %mul3A_164 : i32
          %get3A_361 = arith.index_cast %add3A_360 : i32 to index
          %get3A_362 = arith.constant 64 : index
          %get3A_363 = tpu.vector_load %arg14[%get3A_361, %get3A_362] {strides = array<i32>} : memref<64x128xi32, #tpu.memory_space<vmem>>, vector<16xi32>,
          %bitcast3A_364 = vector.bitcast %get3A_363 : vector<16xi32> to vector<32xbf16>
          %mul3A_365 = arith.mulf %bitcast3A_364, %pack3A : vector<32xbf16>
          %add3A_366 = arith.addi %mul3A_136, %add3A_166 : i32
          %get3A_367 = arith.index_cast %add3A_366 : i32 to index
          %get3A_368 = arith.constant 64 : index
          %get3A_369 = tpu.vector_load %arg14[%get3A_367, %get3A_368] {strides = array<i32>} : memref<64x128xi32, #tpu.memory_space<vmem>>, vector<16xi32>,
          %bitcast3A_370 = vector.bitcast %get3A_369 : vector<16xi32> to vector<32xbf16>
          %mul3A_371 = arith.mulf %bitcast3A_370, %pack3A_178 : vector<32xbf16>
          %max3A_372 = arith.maximumf %mul3A_365, %mul3A_371 : vector<32xbf16>
          %bitcast3A_373 = vector.bitcast %max3A_372 : vector<32xbf16> to vector<16xi32>
          %bitcast3A_374 = vector.bitcast %mul3A_365 : vector<32xbf16> to vector<16xi32>
          %select_n3A_375 = arith.select %eq3A_183, %bitcast3A_373, %bitcast3A_374 : vector<16xi1>, vector<16xi32>
          %bitcast3A_376 = vector.bitcast %select_n3A_375 : vector<16xi32> to vector<32xbf16>
          %bitcast3A_377 = vector.bitcast %gather3A_347 : vector<16xi32> to vector<32xbf16>
          %max3A_378 = arith.maximumf %bitcast3A_377, %mul3A_371 : vector<32xbf16>
          %bitcast3A_379 = vector.bitcast %gather3A_331 : vector<16xi32> to vector<32xbf16>
          %max3A_380 = arith.maximumf %bitcast3A_379, %bitcast3A_376 : vector<32xbf16>
          %add3A_381 = arith.constant 64 : i32
          %add3A_382 = vector.broadcast %add3A_381 : i32 to vector<16xi32>
          %add3A_383 = arith.addi %add3A_182, %add3A_382 : vector<16xi32>
          %bitcast3A_384 = vector.bitcast %max3A_378 : vector<32xbf16> to vector<16xi32>
          tpu.vector_store_idx %arg15[%add3A_383], %bitcast3A_384 : memref<40960xi32, #tpu.memory_space<vmem>>[vector<16xi32>], vector<16xi32>,
          %add3A_385 = arith.constant 64 : i32
          %add3A_386 = vector.broadcast %add3A_385 : i32 to vector<16xi32>
          %add3A_387 = arith.addi %add3A_180, %add3A_386 : vector<16xi32>
          %bitcast3A_388 = vector.bitcast %max3A_380 : vector<32xbf16> to vector<16xi32>
          tpu.vector_store_idx %arg15[%add3A_387], %bitcast3A_388 : memref<40960xi32, #tpu.memory_space<vmem>>[vector<16xi32>], vector<16xi32>,
          %add3A_389 = arith.addi %mul3A_136, %mul3A_164 : i32
          %get3A_390 = arith.index_cast %add3A_389 : i32 to index
          %get3A_391 = arith.constant 80 : index
          %get3A_392 = tpu.vector_load %arg14[%get3A_390, %get3A_391] {strides = array<i32>} : memref<64x128xi32, #tpu.memory_space<vmem>>, vector<16xi32>,
          %bitcast3A_393 = vector.bitcast %get3A_392 : vector<16xi32> to vector<32xbf16>
          %mul3A_394 = arith.mulf %bitcast3A_393, %pack3A : vector<32xbf16>
          %add3A_395 = arith.addi %mul3A_136, %add3A_166 : i32
          %get3A_396 = arith.index_cast %add3A_395 : i32 to index
          %get3A_397 = arith.constant 80 : index
          %get3A_398 = tpu.vector_load %arg14[%get3A_396, %get3A_397] {strides = array<i32>} : memref<64x128xi32, #tpu.memory_space<vmem>>, vector<16xi32>,
          %bitcast3A_399 = vector.bitcast %get3A_398 : vector<16xi32> to vector<32xbf16>
          %mul3A_400 = arith.mulf %bitcast3A_399, %pack3A_178 : vector<32xbf16>
          %max3A_401 = arith.maximumf %mul3A_394, %mul3A_400 : vector<32xbf16>
          %bitcast3A_402 = vector.bitcast %max3A_401 : vector<32xbf16> to vector<16xi32>
          %bitcast3A_403 = vector.bitcast %mul3A_394 : vector<32xbf16> to vector<16xi32>
          %select_n3A_404 = arith.select %eq3A_183, %bitcast3A_402, %bitcast3A_403 : vector<16xi1>, vector<16xi32>
          %bitcast3A_405 = vector.bitcast %select_n3A_404 : vector<16xi32> to vector<32xbf16>
          %bitcast3A_406 = vector.bitcast %gather3A_351 : vector<16xi32> to vector<32xbf16>
          %max3A_407 = arith.maximumf %bitcast3A_406, %mul3A_400 : vector<32xbf16>
          %bitcast3A_408 = vector.bitcast %gather3A_335 : vector<16xi32> to vector<32xbf16>
          %max3A_409 = arith.maximumf %bitcast3A_408, %bitcast3A_405 : vector<32xbf16>
          %add3A_410 = arith.constant 80 : i32
          %add3A_411 = vector.broadcast %add3A_410 : i32 to vector<16xi32>
          %add3A_412 = arith.addi %add3A_182, %add3A_411 : vector<16xi32>
          %bitcast3A_413 = vector.bitcast %max3A_407 : vector<32xbf16> to vector<16xi32>
          tpu.vector_store_idx %arg15[%add3A_412], %bitcast3A_413 : memref<40960xi32, #tpu.memory_space<vmem>>[vector<16xi32>], vector<16xi32>,
          %add3A_414 = arith.constant 80 : i32
          %add3A_415 = vector.broadcast %add3A_414 : i32 to vector<16xi32>
          %add3A_416 = arith.addi %add3A_180, %add3A_415 : vector<16xi32>
          %bitcast3A_417 = vector.bitcast %max3A_409 : vector<32xbf16> to vector<16xi32>
          tpu.vector_store_idx %arg15[%add3A_416], %bitcast3A_417 : memref<40960xi32, #tpu.memory_space<vmem>>[vector<16xi32>], vector<16xi32>,
          %add3A_418 = arith.addi %mul3A_136, %mul3A_164 : i32
          %get3A_419 = arith.index_cast %add3A_418 : i32 to index
          %get3A_420 = arith.constant 96 : index
          %get3A_421 = tpu.vector_load %arg14[%get3A_419, %get3A_420] {strides = array<i32>} : memref<64x128xi32, #tpu.memory_space<vmem>>, vector<16xi32>,
          %bitcast3A_422 = vector.bitcast %get3A_421 : vector<16xi32> to vector<32xbf16>
          %mul3A_423 = arith.mulf %bitcast3A_422, %pack3A : vector<32xbf16>
          %add3A_424 = arith.addi %mul3A_136, %add3A_166 : i32
          %get3A_425 = arith.index_cast %add3A_424 : i32 to index
          %get3A_426 = arith.constant 96 : index
          %get3A_427 = tpu.vector_load %arg14[%get3A_425, %get3A_426] {strides = array<i32>} : memref<64x128xi32, #tpu.memory_space<vmem>>, vector<16xi32>,
          %bitcast3A_428 = vector.bitcast %get3A_427 : vector<16xi32> to vector<32xbf16>
          %mul3A_429 = arith.mulf %bitcast3A_428, %pack3A_178 : vector<32xbf16>
          %max3A_430 = arith.maximumf %mul3A_423, %mul3A_429 : vector<32xbf16>
          %bitcast3A_431 = vector.bitcast %max3A_430 : vector<32xbf16> to vector<16xi32>
          %bitcast3A_432 = vector.bitcast %mul3A_423 : vector<32xbf16> to vector<16xi32>
          %select_n3A_433 = arith.select %eq3A_183, %bitcast3A_431, %bitcast3A_432 : vector<16xi1>, vector<16xi32>
          %bitcast3A_434 = vector.bitcast %select_n3A_433 : vector<16xi32> to vector<32xbf16>
          %bitcast3A_435 = vector.bitcast %gather3A_355 : vector<16xi32> to vector<32xbf16>
          %max3A_436 = arith.maximumf %bitcast3A_435, %mul3A_429 : vector<32xbf16>
          %bitcast3A_437 = vector.bitcast %gather3A_339 : vector<16xi32> to vector<32xbf16>
          %max3A_438 = arith.maximumf %bitcast3A_437, %bitcast3A_434 : vector<32xbf16>
          %add3A_439 = arith.constant 96 : i32
          %add3A_440 = vector.broadcast %add3A_439 : i32 to vector<16xi32>
          %add3A_441 = arith.addi %add3A_182, %add3A_440 : vector<16xi32>
          %bitcast3A_442 = vector.bitcast %max3A_436 : vector<32xbf16> to vector<16xi32>
          tpu.vector_store_idx %arg15[%add3A_441], %bitcast3A_442 : memref<40960xi32, #tpu.memory_space<vmem>>[vector<16xi32>], vector<16xi32>,
          %add3A_443 = arith.constant 96 : i32
          %add3A_444 = vector.broadcast %add3A_443 : i32 to vector<16xi32>
          %add3A_445 = arith.addi %add3A_180, %add3A_444 : vector<16xi32>
          %bitcast3A_446 = vector.bitcast %max3A_438 : vector<32xbf16> to vector<16xi32>
          tpu.vector_store_idx %arg15[%add3A_445], %bitcast3A_446 : memref<40960xi32, #tpu.memory_space<vmem>>[vector<16xi32>], vector<16xi32>,
          %add3A_447 = arith.addi %mul3A_136, %mul3A_164 : i32
          %get3A_448 = arith.index_cast %add3A_447 : i32 to index
          %get3A_449 = arith.constant 112 : index
          %get3A_450 = tpu.vector_load %arg14[%get3A_448, %get3A_449] {strides = array<i32>} : memref<64x128xi32, #tpu.memory_space<vmem>>, vector<16xi32>,
          %bitcast3A_451 = vector.bitcast %get3A_450 : vector<16xi32> to vector<32xbf16>
          %mul3A_452 = arith.mulf %bitcast3A_451, %pack3A : vector<32xbf16>
          %add3A_453 = arith.addi %mul3A_136, %add3A_166 : i32
          %get3A_454 = arith.index_cast %add3A_453 : i32 to index
          %get3A_455 = arith.constant 112 : index
          %get3A_456 = tpu.vector_load %arg14[%get3A_454, %get3A_455] {strides = array<i32>} : memref<64x128xi32, #tpu.memory_space<vmem>>, vector<16xi32>,
          %bitcast3A_457 = vector.bitcast %get3A_456 : vector<16xi32> to vector<32xbf16>
          %mul3A_458 = arith.mulf %bitcast3A_457, %pack3A_178 : vector<32xbf16>
          %max3A_459 = arith.maximumf %mul3A_452, %mul3A_458 : vector<32xbf16>
          %bitcast3A_460 = vector.bitcast %max3A_459 : vector<32xbf16> to vector<16xi32>
          %bitcast3A_461 = vector.bitcast %mul3A_452 : vector<32xbf16> to vector<16xi32>
          %select_n3A_462 = arith.select %eq3A_183, %bitcast3A_460, %bitcast3A_461 : vector<16xi1>, vector<16xi32>
          %bitcast3A_463 = vector.bitcast %select_n3A_462 : vector<16xi32> to vector<32xbf16>
          %bitcast3A_464 = vector.bitcast %gather3A_359 : vector<16xi32> to vector<32xbf16>
          %max3A_465 = arith.maximumf %bitcast3A_464, %mul3A_458 : vector<32xbf16>
          %bitcast3A_466 = vector.bitcast %gather3A_343 : vector<16xi32> to vector<32xbf16>
          %max3A_467 = arith.maximumf %bitcast3A_466, %bitcast3A_463 : vector<32xbf16>
          %add3A_468 = arith.constant 112 : i32
          %add3A_469 = vector.broadcast %add3A_468 : i32 to vector<16xi32>
          %add3A_470 = arith.addi %add3A_182, %add3A_469 : vector<16xi32>
          %bitcast3A_471 = vector.bitcast %max3A_465 : vector<32xbf16> to vector<16xi32>
          tpu.vector_store_idx %arg15[%add3A_470], %bitcast3A_471 : memref<40960xi32, #tpu.memory_space<vmem>>[vector<16xi32>], vector<16xi32>,
          %add3A_472 = arith.constant 112 : i32
          %add3A_473 = vector.broadcast %add3A_472 : i32 to vector<16xi32>
          %add3A_474 = arith.addi %add3A_180, %add3A_473 : vector<16xi32>
          %bitcast3A_475 = vector.bitcast %max3A_467 : vector<32xbf16> to vector<16xi32>
          tpu.vector_store_idx %arg15[%add3A_474], %bitcast3A_475 : memref<40960xi32, #tpu.memory_space<vmem>>[vector<16xi32>], vector<16xi32>,
          %while3A_476 = arith.constant 0 : i32
          scf.yield %while3A_476 : i32
        }
        %and3A_154 = arith.constant 1 : i32
        %and3A_155 = arith.andi %min3A_132, %and3A_154 : i32
        %eq3A = arith.constant 1 : i32
        %eq3A_156 = arith.cmpi eq, %and3A_155, %eq3A : i32
        %convert_element_type3A_157 = arith.extui %eq3A_156 : i1 to i32
        %cond3A_158 = arith.constant 0 : i32
        %cond3A_159 = arith.cmpi ne, %convert_element_type3A_157, %cond3A_158 : i32
        scf.if %cond3A_159 {
          %sub3A_161 = arith.constant 1 : i32
          %sub3A_162 = arith.subi %min3A_132, %sub3A_161 : i32
          %broadcast_in_dim3A_163 = arith.constant 0 : i32
          %broadcast_in_dim3A_164 = vector.broadcast %broadcast_in_dim3A_163 : i32 to vector<16xi32>
          %add3A_165 = arith.addi %multiple_of3A_139, %sub3A_162 : i32
          %add3A_166 = vector.broadcast %add3A_165 : i32 to vector<16xi32>
          %add3A_167 = arith.addi %broadcast_in_dim3A_164, %add3A_166 : vector<16xi32>
          %gather3A = tpu.vector_load_idx %arg11[%add3A_167] : memref<4000xf32, #tpu.memory_space<vmem>>[vector<16xi32>], vector<16xf32>,
          %pack3A = tpu.pack_subelements %gather3A, %gather3A {pack_format = #tpu.pack_format<interleaved>, positions = array<i32: 0, 1>} : vector<16xf32>, vector<16xf32> -> vector<32xbf16>
          %gather3A_168 = tpu.vector_load_idx %arg12[%add3A_167] : memref<4000xi32, #tpu.memory_space<vmem>>[vector<16xi32>], vector<16xi32>,
          %add3A_169 = arith.addi %gather3A_168, %iota3A : vector<16xi32>
          %add3A_170 = arith.constant 0 : i32
          %add3A_171 = vector.broadcast %add3A_170 : i32 to vector<16xi32>
          %add3A_172 = arith.addi %add3A_169, %add3A_171 : vector<16xi32>
          %gather3A_173 = tpu.vector_load_idx %arg15[%add3A_172] : memref<40960xi32, #tpu.memory_space<vmem>>[vector<16xi32>], vector<16xi32>,
          %add3A_174 = arith.constant 16 : i32
          %add3A_175 = vector.broadcast %add3A_174 : i32 to vector<16xi32>
          %add3A_176 = arith.addi %add3A_169, %add3A_175 : vector<16xi32>
          %gather3A_177 = tpu.vector_load_idx %arg15[%add3A_176] : memref<40960xi32, #tpu.memory_space<vmem>>[vector<16xi32>], vector<16xi32>,
          %add3A_178 = arith.constant 32 : i32
          %add3A_179 = vector.broadcast %add3A_178 : i32 to vector<16xi32>
          %add3A_180 = arith.addi %add3A_169, %add3A_179 : vector<16xi32>
          %gather3A_181 = tpu.vector_load_idx %arg15[%add3A_180] : memref<40960xi32, #tpu.memory_space<vmem>>[vector<16xi32>], vector<16xi32>,
          %add3A_182 = arith.constant 48 : i32
          %add3A_183 = vector.broadcast %add3A_182 : i32 to vector<16xi32>
          %add3A_184 = arith.addi %add3A_169, %add3A_183 : vector<16xi32>
          %gather3A_185 = tpu.vector_load_idx %arg15[%add3A_184] : memref<40960xi32, #tpu.memory_space<vmem>>[vector<16xi32>], vector<16xi32>,
          %add3A_186 = arith.constant 64 : i32
          %add3A_187 = vector.broadcast %add3A_186 : i32 to vector<16xi32>
          %add3A_188 = arith.addi %add3A_169, %add3A_187 : vector<16xi32>
          %gather3A_189 = tpu.vector_load_idx %arg15[%add3A_188] : memref<40960xi32, #tpu.memory_space<vmem>>[vector<16xi32>], vector<16xi32>,
          %add3A_190 = arith.constant 80 : i32
          %add3A_191 = vector.broadcast %add3A_190 : i32 to vector<16xi32>
          %add3A_192 = arith.addi %add3A_169, %add3A_191 : vector<16xi32>
          %gather3A_193 = tpu.vector_load_idx %arg15[%add3A_192] : memref<40960xi32, #tpu.memory_space<vmem>>[vector<16xi32>], vector<16xi32>,
          %add3A_194 = arith.constant 96 : i32
          %add3A_195 = vector.broadcast %add3A_194 : i32 to vector<16xi32>
          %add3A_196 = arith.addi %add3A_169, %add3A_195 : vector<16xi32>
          %gather3A_197 = tpu.vector_load_idx %arg15[%add3A_196] : memref<40960xi32, #tpu.memory_space<vmem>>[vector<16xi32>], vector<16xi32>,
          %add3A_198 = arith.constant 112 : i32
          %add3A_199 = vector.broadcast %add3A_198 : i32 to vector<16xi32>
          %add3A_200 = arith.addi %add3A_169, %add3A_199 : vector<16xi32>
          %gather3A_201 = tpu.vector_load_idx %arg15[%add3A_200] : memref<40960xi32, #tpu.memory_space<vmem>>[vector<16xi32>], vector<16xi32>,
          %add3A_202 = arith.addi %mul3A_136, %sub3A_162 : i32
          %get3A = arith.index_cast %add3A_202 : i32 to index
          %get3A_203 = arith.constant 0 : index
          %get3A_204 = tpu.vector_load %arg14[%get3A, %get3A_203] {strides = array<i32>} : memref<64x128xi32, #tpu.memory_space<vmem>>, vector<16xi32>,
          %bitcast3A = vector.bitcast %get3A_204 : vector<16xi32> to vector<32xbf16>
          %mul3A_205 = arith.mulf %bitcast3A, %pack3A : vector<32xbf16>
          %add3A_206 = arith.addi %mul3A_136, %sub3A_162 : i32
          %get3A_207 = arith.index_cast %add3A_206 : i32 to index
          %get3A_208 = arith.constant 16 : index
          %get3A_209 = tpu.vector_load %arg14[%get3A_207, %get3A_208] {strides = array<i32>} : memref<64x128xi32, #tpu.memory_space<vmem>>, vector<16xi32>,
          %bitcast3A_210 = vector.bitcast %get3A_209 : vector<16xi32> to vector<32xbf16>
          %mul3A_211 = arith.mulf %bitcast3A_210, %pack3A : vector<32xbf16>
          %add3A_212 = arith.addi %mul3A_136, %sub3A_162 : i32
          %get3A_213 = arith.index_cast %add3A_212 : i32 to index
          %get3A_214 = arith.constant 32 : index
          %get3A_215 = tpu.vector_load %arg14[%get3A_213, %get3A_214] {strides = array<i32>} : memref<64x128xi32, #tpu.memory_space<vmem>>, vector<16xi32>,
          %bitcast3A_216 = vector.bitcast %get3A_215 : vector<16xi32> to vector<32xbf16>
          %mul3A_217 = arith.mulf %bitcast3A_216, %pack3A : vector<32xbf16>
          %add3A_218 = arith.addi %mul3A_136, %sub3A_162 : i32
          %get3A_219 = arith.index_cast %add3A_218 : i32 to index
          %get3A_220 = arith.constant 48 : index
          %get3A_221 = tpu.vector_load %arg14[%get3A_219, %get3A_220] {strides = array<i32>} : memref<64x128xi32, #tpu.memory_space<vmem>>, vector<16xi32>,
          %bitcast3A_222 = vector.bitcast %get3A_221 : vector<16xi32> to vector<32xbf16>
          %mul3A_223 = arith.mulf %bitcast3A_222, %pack3A : vector<32xbf16>
          %add3A_224 = arith.addi %mul3A_136, %sub3A_162 : i32
          %get3A_225 = arith.index_cast %add3A_224 : i32 to index
          %get3A_226 = arith.constant 64 : index
          %get3A_227 = tpu.vector_load %arg14[%get3A_225, %get3A_226] {strides = array<i32>} : memref<64x128xi32, #tpu.memory_space<vmem>>, vector<16xi32>,
          %bitcast3A_228 = vector.bitcast %get3A_227 : vector<16xi32> to vector<32xbf16>
          %mul3A_229 = arith.mulf %bitcast3A_228, %pack3A : vector<32xbf16>
          %add3A_230 = arith.addi %mul3A_136, %sub3A_162 : i32
          %get3A_231 = arith.index_cast %add3A_230 : i32 to index
          %get3A_232 = arith.constant 80 : index
          %get3A_233 = tpu.vector_load %arg14[%get3A_231, %get3A_232] {strides = array<i32>} : memref<64x128xi32, #tpu.memory_space<vmem>>, vector<16xi32>,
          %bitcast3A_234 = vector.bitcast %get3A_233 : vector<16xi32> to vector<32xbf16>
          %mul3A_235 = arith.mulf %bitcast3A_234, %pack3A : vector<32xbf16>
          %add3A_236 = arith.addi %mul3A_136, %sub3A_162 : i32
          %get3A_237 = arith.index_cast %add3A_236 : i32 to index
          %get3A_238 = arith.constant 96 : index
          %get3A_239 = tpu.vector_load %arg14[%get3A_237, %get3A_238] {strides = array<i32>} : memref<64x128xi32, #tpu.memory_space<vmem>>, vector<16xi32>,
          %bitcast3A_240 = vector.bitcast %get3A_239 : vector<16xi32> to vector<32xbf16>
          %mul3A_241 = arith.mulf %bitcast3A_240, %pack3A : vector<32xbf16>
          %add3A_242 = arith.addi %mul3A_136, %sub3A_162 : i32
          %get3A_243 = arith.index_cast %add3A_242 : i32 to index
          %get3A_244 = arith.constant 112 : index
          %get3A_245 = tpu.vector_load %arg14[%get3A_243, %get3A_244] {strides = array<i32>} : memref<64x128xi32, #tpu.memory_space<vmem>>, vector<16xi32>,
          %bitcast3A_246 = vector.bitcast %get3A_245 : vector<16xi32> to vector<32xbf16>
          %mul3A_247 = arith.mulf %bitcast3A_246, %pack3A : vector<32xbf16>
          %bitcast3A_248 = vector.bitcast %gather3A_173 : vector<16xi32> to vector<32xbf16>
          %max3A = arith.maximumf %bitcast3A_248, %mul3A_205 : vector<32xbf16>
          %add3A_249 = arith.constant 0 : i32
          %add3A_250 = vector.broadcast %add3A_249 : i32 to vector<16xi32>
          %add3A_251 = arith.addi %add3A_169, %add3A_250 : vector<16xi32>
          %bitcast3A_252 = vector.bitcast %max3A : vector<32xbf16> to vector<16xi32>
          tpu.vector_store_idx %arg15[%add3A_251], %bitcast3A_252 : memref<40960xi32, #tpu.memory_space<vmem>>[vector<16xi32>], vector<16xi32>,
          %bitcast3A_253 = vector.bitcast %gather3A_177 : vector<16xi32> to vector<32xbf16>
          %max3A_254 = arith.maximumf %bitcast3A_253, %mul3A_211 : vector<32xbf16>
          %add3A_255 = arith.constant 16 : i32
          %add3A_256 = vector.broadcast %add3A_255 : i32 to vector<16xi32>
          %add3A_257 = arith.addi %add3A_169, %add3A_256 : vector<16xi32>
          %bitcast3A_258 = vector.bitcast %max3A_254 : vector<32xbf16> to vector<16xi32>
          tpu.vector_store_idx %arg15[%add3A_257], %bitcast3A_258 : memref<40960xi32, #tpu.memory_space<vmem>>[vector<16xi32>], vector<16xi32>,
          %bitcast3A_259 = vector.bitcast %gather3A_181 : vector<16xi32> to vector<32xbf16>
          %max3A_260 = arith.maximumf %bitcast3A_259, %mul3A_217 : vector<32xbf16>
          %add3A_261 = arith.constant 32 : i32
          %add3A_262 = vector.broadcast %add3A_261 : i32 to vector<16xi32>
          %add3A_263 = arith.addi %add3A_169, %add3A_262 : vector<16xi32>
          %bitcast3A_264 = vector.bitcast %max3A_260 : vector<32xbf16> to vector<16xi32>
          tpu.vector_store_idx %arg15[%add3A_263], %bitcast3A_264 : memref<40960xi32, #tpu.memory_space<vmem>>[vector<16xi32>], vector<16xi32>,
          %bitcast3A_265 = vector.bitcast %gather3A_185 : vector<16xi32> to vector<32xbf16>
          %max3A_266 = arith.maximumf %bitcast3A_265, %mul3A_223 : vector<32xbf16>
          %add3A_267 = arith.constant 48 : i32
          %add3A_268 = vector.broadcast %add3A_267 : i32 to vector<16xi32>
          %add3A_269 = arith.addi %add3A_169, %add3A_268 : vector<16xi32>
          %bitcast3A_270 = vector.bitcast %max3A_266 : vector<32xbf16> to vector<16xi32>
          tpu.vector_store_idx %arg15[%add3A_269], %bitcast3A_270 : memref<40960xi32, #tpu.memory_space<vmem>>[vector<16xi32>], vector<16xi32>,
          %bitcast3A_271 = vector.bitcast %gather3A_189 : vector<16xi32> to vector<32xbf16>
          %max3A_272 = arith.maximumf %bitcast3A_271, %mul3A_229 : vector<32xbf16>
          %add3A_273 = arith.constant 64 : i32
          %add3A_274 = vector.broadcast %add3A_273 : i32 to vector<16xi32>
          %add3A_275 = arith.addi %add3A_169, %add3A_274 : vector<16xi32>
          %bitcast3A_276 = vector.bitcast %max3A_272 : vector<32xbf16> to vector<16xi32>
          tpu.vector_store_idx %arg15[%add3A_275], %bitcast3A_276 : memref<40960xi32, #tpu.memory_space<vmem>>[vector<16xi32>], vector<16xi32>,
          %bitcast3A_277 = vector.bitcast %gather3A_193 : vector<16xi32> to vector<32xbf16>
          %max3A_278 = arith.maximumf %bitcast3A_277, %mul3A_235 : vector<32xbf16>
          %add3A_279 = arith.constant 80 : i32
          %add3A_280 = vector.broadcast %add3A_279 : i32 to vector<16xi32>
          %add3A_281 = arith.addi %add3A_169, %add3A_280 : vector<16xi32>
          %bitcast3A_282 = vector.bitcast %max3A_278 : vector<32xbf16> to vector<16xi32>
          tpu.vector_store_idx %arg15[%add3A_281], %bitcast3A_282 : memref<40960xi32, #tpu.memory_space<vmem>>[vector<16xi32>], vector<16xi32>,
          %bitcast3A_283 = vector.bitcast %gather3A_197 : vector<16xi32> to vector<32xbf16>
          %max3A_284 = arith.maximumf %bitcast3A_283, %mul3A_241 : vector<32xbf16>
          %add3A_285 = arith.constant 96 : i32
          %add3A_286 = vector.broadcast %add3A_285 : i32 to vector<16xi32>
          %add3A_287 = arith.addi %add3A_169, %add3A_286 : vector<16xi32>
          %bitcast3A_288 = vector.bitcast %max3A_284 : vector<32xbf16> to vector<16xi32>
          tpu.vector_store_idx %arg15[%add3A_287], %bitcast3A_288 : memref<40960xi32, #tpu.memory_space<vmem>>[vector<16xi32>], vector<16xi32>,
          %bitcast3A_289 = vector.bitcast %gather3A_201 : vector<16xi32> to vector<32xbf16>
          %max3A_290 = arith.maximumf %bitcast3A_289, %mul3A_247 : vector<32xbf16>
          %add3A_291 = arith.constant 112 : i32
          %add3A_292 = vector.broadcast %add3A_291 : i32 to vector<16xi32>
          %add3A_293 = arith.addi %add3A_169, %add3A_292 : vector<16xi32>
          %bitcast3A_294 = vector.bitcast %max3A_290 : vector<32xbf16> to vector<16xi32>
          tpu.vector_store_idx %arg15[%add3A_293], %bitcast3A_294 : memref<40960xi32, #tpu.memory_space<vmem>>[vector<16xi32>], vector<16xi32>,
        } else {
        }
        %while3A_160 = arith.constant 0 : i32
        scf.yield %while3A_160 : i32
      }
      %while3A_108 = arith.constant 1 : i32
      %while3A_109 = scf.for %while3A_111 = %while3A_105 to %while3A_101 step %while3A_108 iter_args(%while3A_112 = %while3A_107) -> (i32)  : i32 {
        %and3A_113 = arith.constant 1 : i32
        %and3A_114 = arith.andi %while3A_111, %and3A_113 : i32
        %mul3A_115 = arith.constant 32 : i32
        %mul3A_116 = arith.muli %and3A_114, %mul3A_115 : i32
        %dma_wait3A_117 = arith.constant 0 : i32
        %dma_wait3A_118 = tpu.memref_slice %arg14[%mul3A_116, %dma_wait3A_117] : memref<64x128xi32, #tpu.memory_space<vmem>> -> memref<32x128xi32, #tpu.memory_space<vmem>>
        %dma_wait3A_119 = tpu.memref_slice %arg13[%mul3A_116] : memref<64xi32, #tpu.memory_space<vmem>> -> memref<32xi32, #tpu.memory_space<vmem>>
        %dma_wait3A_120 = arith.constant 0 : i32
        %dma_wait3A_121 = arith.constant 0 : i32
        %dma_wait3A_122 = tpu.memref_slice %arg2[%dma_wait3A_120, %dma_wait3A_121] : memref<10000x128xi32, #tpu.memory_space<hbm>> -> memref<10000x128xi32, #tpu.memory_space<hbm>>
        tpu.wait_indirect_dma semaphore(%arg17 : memref<!tpu.dma_semaphore, #tpu.memory_space<semaphore_mem>>) src(%dma_wait3A_122 : memref<10000x128xi32, #tpu.memory_space<hbm>>) dst(%dma_wait3A_118 : memref<32x128xi32, #tpu.memory_space<vmem>>)
        %add3A_123 = arith.constant 1 : i32
        %add3A_124 = arith.addi %while3A_111, %add3A_123 : i32
        %lt3A_125 = arith.cmpi slt, %add3A_124, %shift_right_arithmetic3A_94 : i32
        %convert_element_type3A_126 = arith.extui %lt3A_125 : i1 to i32
        %cond3A_127 = arith.constant 0 : i32
        %cond3A_128 = arith.cmpi ne, %convert_element_type3A_126, %cond3A_127 : i32
        scf.if %cond3A_128 {
          %add3A_161 = arith.constant 1 : i32
          %add3A_162 = arith.addi %while3A_111, %add3A_161 : i32
          %and3A_163 = arith.constant 1 : i32
          %and3A_164 = arith.andi %add3A_162, %and3A_163 : i32
          %mul3A_165 = arith.constant 32 : i32
          %mul3A_166 = arith.muli %and3A_164, %mul3A_165 : i32
          %mul3A_167 = arith.constant 32 : i32
          %mul3A_168 = arith.muli %add3A_162, %mul3A_167 : i32
          %multiple_of3A_169 = tpu.assume_multiple %mul3A_168, 32 : i32
          %add3A_170 = arith.constant 0 : i32
          %add3A_171 = arith.addi %multiple_of3A_169, %add3A_170 : i32
          %get3A = arith.index_cast %add3A_171 : i32 to index
          %get3A_172 = tpu.vector_load %arg10[%get3A] {strides = array<i32>} : memref<4000xi32, #tpu.memory_space<vmem>>, vector<16xi32>,
          %add3A_173 = arith.constant 0 : i32
          %add3A_174 = arith.addi %mul3A_166, %add3A_173 : i32
          %swap3A = arith.index_cast %add3A_174 : i32 to index
          %swap3A_175 = tpu.vector_load %arg13[%swap3A] {strides = array<i32>} : memref<64xi32, #tpu.memory_space<vmem>>, vector<16xi32>,
          tpu.vector_store %arg13[%swap3A], %get3A_172 {strides = array<i32>} : memref<64xi32, #tpu.memory_space<vmem>>, vector<16xi32>,
          %add3A_176 = arith.constant 16 : i32
          %add3A_177 = arith.addi %multiple_of3A_169, %add3A_176 : i32
          %get3A_178 = arith.index_cast %add3A_177 : i32 to index
          %get3A_179 = tpu.vector_load %arg10[%get3A_178] {strides = array<i32>} : memref<4000xi32, #tpu.memory_space<vmem>>, vector<16xi32>,
          %add3A_180 = arith.constant 16 : i32
          %add3A_181 = arith.addi %mul3A_166, %add3A_180 : i32
          %swap3A_182 = arith.index_cast %add3A_181 : i32 to index
          %swap3A_183 = tpu.vector_load %arg13[%swap3A_182] {strides = array<i32>} : memref<64xi32, #tpu.memory_space<vmem>>, vector<16xi32>,
          tpu.vector_store %arg13[%swap3A_182], %get3A_179 {strides = array<i32>} : memref<64xi32, #tpu.memory_space<vmem>>, vector<16xi32>,
          %add3A_184 = arith.constant 1 : i32
          %add3A_185 = arith.addi %while3A_111, %add3A_184 : i32
          %and3A_186 = arith.constant 1 : i32
          %and3A_187 = arith.andi %add3A_185, %and3A_186 : i32
          %mul3A_188 = arith.constant 32 : i32
          %mul3A_189 = arith.muli %and3A_187, %mul3A_188 : i32
          %dma_start3A_190 = arith.constant 0 : i32
          %dma_start3A_191 = tpu.memref_slice %arg14[%mul3A_189, %dma_start3A_190] : memref<64x128xi32, #tpu.memory_space<vmem>> -> memref<32x128xi32, #tpu.memory_space<vmem>>
          %dma_start3A_192 = tpu.memref_slice %arg13[%mul3A_189] : memref<64xi32, #tpu.memory_space<vmem>> -> memref<32xi32, #tpu.memory_space<vmem>>
          %dma_start3A_193 = arith.constant 0 : i32
          %dma_start3A_194 = arith.constant 0 : i32
          %dma_start3A_195 = tpu.memref_slice %arg2[%dma_start3A_193, %dma_start3A_194] : memref<10000x128xi32, #tpu.memory_space<hbm>> -> memref<10000x128xi32, #tpu.memory_space<hbm>>
          tpu.enqueue_indirect_dma source(%dma_start3A_195 : memref<10000x128xi32, #tpu.memory_space<hbm>>) target(%dma_start3A_191 : memref<32x128xi32, #tpu.memory_space<vmem>>) offsets(%dma_start3A_192 : memref<32xi32, #tpu.memory_space<vmem>>) semaphore(%arg17 : memref<!tpu.dma_semaphore, #tpu.memory_space<semaphore_mem>>)
        } else {
        }
        %mul3A_129 = arith.constant 32 : i32
        %mul3A_130 = arith.muli %while3A_111, %mul3A_129 : i32
        %sub3A_131 = arith.subi %reduce_max3A_90, %mul3A_130 : i32
        %min3A = arith.constant 32 : i32
        %min3A_132 = arith.minsi %sub3A_131, %min3A : i32
        %and3A_133 = arith.constant 1 : i32
        %and3A_134 = arith.andi %while3A_111, %and3A_133 : i32
        %mul3A_135 = arith.constant 32 : i32
        %mul3A_136 = arith.muli %and3A_134, %mul3A_135 : i32
        %mul3A_137 = arith.constant 32 : i32
        %mul3A_138 = arith.muli %while3A_111, %mul3A_137 : i32
        %multiple_of3A_139 = tpu.assume_multiple %mul3A_138, 32 : i32
        %shift_right_arithmetic3A_140 = arith.constant 1 : i32
        %shift_right_arithmetic3A_141 = arith.shrsi %min3A_132, %shift_right_arithmetic3A_140 : i32
        %while3A_142 = arith.constant 0 : i32
        %while3A_143 = arith.constant 0 : i32
        %while3A_144 = arith.subi %shift_right_arithmetic3A_141, %while3A_142 : i32
        %while3A_145 = arith.addi %while3A_142, %while3A_144 : i32
        %while3A_146 = arith.constant 1 : i32
        %while3A_147 = arith.divsi %while3A_144, %while3A_146 : i32
        %while3A_148 = arith.muli %while3A_147, %while3A_146 : i32
        %while3A_149 = arith.addi %while3A_142, %while3A_148 : i32
        %while3A_150 = arith.constant 1 : i32
        %while3A_151 = scf.for %while3A_161 = %while3A_142 to %while3A_149 step %while3A_150 iter_args(%while3A_162 = %while3A_143) -> (i32)  : i32 {
          %mul3A_163 = arith.constant 2 : i32
          %mul3A_164 = arith.muli %mul3A_163, %while3A_161 : i32
          %add3A_165 = arith.constant 1 : i32
          %add3A_166 = arith.addi %mul3A_164, %add3A_165 : i32
          %broadcast_in_dim3A_167 = arith.constant 0 : i32
          %broadcast_in_dim3A_168 = vector.broadcast %broadcast_in_dim3A_167 : i32 to vector<16xi32>
          %add3A_169 = arith.addi %multiple_of3A_139, %mul3A_164 : i32
          %add3A_170 = vector.broadcast %add3A_169 : i32 to vector<16xi32>
          %add3A_171 = arith.addi %broadcast_in_dim3A_168, %add3A_170 : vector<16xi32>
          %broadcast_in_dim3A_172 = arith.constant 0 : i32
          %broadcast_in_dim3A_173 = vector.broadcast %broadcast_in_dim3A_172 : i32 to vector<16xi32>
          %add3A_174 = arith.addi %multiple_of3A_139, %add3A_166 : i32
          %add3A_175 = vector.broadcast %add3A_174 : i32 to vector<16xi32>
          %add3A_176 = arith.addi %broadcast_in_dim3A_173, %add3A_175 : vector<16xi32>
          %gather3A = tpu.vector_load_idx %arg11[%add3A_171] : memref<4000xf32, #tpu.memory_space<vmem>>[vector<16xi32>], vector<16xf32>,
          %gather3A_177 = tpu.vector_load_idx %arg11[%add3A_176] : memref<4000xf32, #tpu.memory_space<vmem>>[vector<16xi32>], vector<16xf32>,
          %pack3A = tpu.pack_subelements %gather3A, %gather3A {pack_format = #tpu.pack_format<interleaved>, positions = array<i32: 0, 1>} : vector<16xf32>, vector<16xf32> -> vector<32xbf16>
          %pack3A_178 = tpu.pack_subelements %gather3A_177, %gather3A_177 {pack_format = #tpu.pack_format<interleaved>, positions = array<i32: 0, 1>} : vector<16xf32>, vector<16xf32> -> vector<32xbf16>
          %gather3A_179 = tpu.vector_load_idx %arg12[%add3A_171] : memref<4000xi32, #tpu.memory_space<vmem>>[vector<16xi32>], vector<16xi32>,
          %add3A_180 = arith.addi %gather3A_179, %iota3A : vector<16xi32>
          %gather3A_181 = tpu.vector_load_idx %arg12[%add3A_176] : memref<4000xi32, #tpu.memory_space<vmem>>[vector<16xi32>], vector<16xi32>,
          %add3A_182 = arith.addi %gather3A_181, %iota3A : vector<16xi32>
          %eq3A_183 = arith.cmpi eq, %add3A_180, %add3A_182 : vector<16xi32>
          %add3A_184 = arith.constant 0 : i32
          %add3A_185 = vector.broadcast %add3A_184 : i32 to vector<16xi32>
          %add3A_186 = arith.addi %add3A_180, %add3A_185 : vector<16xi32>
          %gather3A_187 = tpu.vector_load_idx %arg15[%add3A_186] : memref<40960xi32, #tpu.memory_space<vmem>>[vector<16xi32>], vector<16xi32>,
          %add3A_188 = arith.constant 16 : i32
          %add3A_189 = vector.broadcast %add3A_188 : i32 to vector<16xi32>
          %add3A_190 = arith.addi %add3A_180, %add3A_189 : vector<16xi32>
          %gather3A_191 = tpu.vector_load_idx %arg15[%add3A_190] : memref<40960xi32, #tpu.memory_space<vmem>>[vector<16xi32>], vector<16xi32>,
          %add3A_192 = arith.constant 32 : i32
          %add3A_193 = vector.broadcast %add3A_192 : i32 to vector<16xi32>
          %add3A_194 = arith.addi %add3A_180, %add3A_193 : vector<16xi32>
          %gather3A_195 = tpu.vector_load_idx %arg15[%add3A_194] : memref<40960xi32, #tpu.memory_space<vmem>>[vector<16xi32>], vector<16xi32>,
          %add3A_196 = arith.constant 48 : i32
          %add3A_197 = vector.broadcast %add3A_196 : i32 to vector<16xi32>
          %add3A_198 = arith.addi %add3A_180, %add3A_197 : vector<16xi32>
          %gather3A_199 = tpu.vector_load_idx %arg15[%add3A_198] : memref<40960xi32, #tpu.memory_space<vmem>>[vector<16xi32>], vector<16xi32>,
          %add3A_200 = arith.constant 0 : i32
          %add3A_201 = vector.broadcast %add3A_200 : i32 to vector<16xi32>
          %add3A_202 = arith.addi %add3A_182, %add3A_201 : vector<16xi32>
          %gather3A_203 = tpu.vector_load_idx %arg15[%add3A_202] : memref<40960xi32, #tpu.memory_space<vmem>>[vector<16xi32>], vector<16xi32>,
          %add3A_204 = arith.constant 16 : i32
          %add3A_205 = vector.broadcast %add3A_204 : i32 to vector<16xi32>
          %add3A_206 = arith.addi %add3A_182, %add3A_205 : vector<16xi32>
          %gather3A_207 = tpu.vector_load_idx %arg15[%add3A_206] : memref<40960xi32, #tpu.memory_space<vmem>>[vector<16xi32>], vector<16xi32>,
          %add3A_208 = arith.constant 32 : i32
          %add3A_209 = vector.broadcast %add3A_208 : i32 to vector<16xi32>
          %add3A_210 = arith.addi %add3A_182, %add3A_209 : vector<16xi32>
          %gather3A_211 = tpu.vector_load_idx %arg15[%add3A_210] : memref<40960xi32, #tpu.memory_space<vmem>>[vector<16xi32>], vector<16xi32>,
          %add3A_212 = arith.constant 48 : i32
          %add3A_213 = vector.broadcast %add3A_212 : i32 to vector<16xi32>
          %add3A_214 = arith.addi %add3A_182, %add3A_213 : vector<16xi32>
          %gather3A_215 = tpu.vector_load_idx %arg15[%add3A_214] : memref<40960xi32, #tpu.memory_space<vmem>>[vector<16xi32>], vector<16xi32>,
          %add3A_216 = arith.addi %mul3A_136, %mul3A_164 : i32
          %get3A = arith.index_cast %add3A_216 : i32 to index
          %get3A_217 = arith.constant 0 : index
          %get3A_218 = tpu.vector_load %arg14[%get3A, %get3A_217] {strides = array<i32>} : memref<64x128xi32, #tpu.memory_space<vmem>>, vector<16xi32>,
          %bitcast3A = vector.bitcast %get3A_218 : vector<16xi32> to vector<32xbf16>
          %mul3A_219 = arith.mulf %bitcast3A, %pack3A : vector<32xbf16>
          %add3A_220 = arith.addi %mul3A_136, %add3A_166 : i32
          %get3A_221 = arith.index_cast %add3A_220 : i32 to index
          %get3A_222 = arith.constant 0 : index
          %get3A_223 = tpu.vector_load %arg14[%get3A_221, %get3A_222] {strides = array<i32>} : memref<64x128xi32, #tpu.memory_space<vmem>>, vector<16xi32>,
          %bitcast3A_224 = vector.bitcast %get3A_223 : vector<16xi32> to vector<32xbf16>
          %mul3A_225 = arith.mulf %bitcast3A_224, %pack3A_178 : vector<32xbf16>
          %max3A = arith.maximumf %mul3A_219, %mul3A_225 : vector<32xbf16>
          %bitcast3A_226 = vector.bitcast %max3A : vector<32xbf16> to vector<16xi32>
          %bitcast3A_227 = vector.bitcast %mul3A_219 : vector<32xbf16> to vector<16xi32>
          %select_n3A = arith.select %eq3A_183, %bitcast3A_226, %bitcast3A_227 : vector<16xi1>, vector<16xi32>
          %bitcast3A_228 = vector.bitcast %select_n3A : vector<16xi32> to vector<32xbf16>
          %bitcast3A_229 = vector.bitcast %gather3A_203 : vector<16xi32> to vector<32xbf16>
          %max3A_230 = arith.maximumf %bitcast3A_229, %mul3A_225 : vector<32xbf16>
          %bitcast3A_231 = vector.bitcast %gather3A_187 : vector<16xi32> to vector<32xbf16>
          %max3A_232 = arith.maximumf %bitcast3A_231, %bitcast3A_228 : vector<32xbf16>
          %add3A_233 = arith.constant 0 : i32
          %add3A_234 = vector.broadcast %add3A_233 : i32 to vector<16xi32>
          %add3A_235 = arith.addi %add3A_182, %add3A_234 : vector<16xi32>
          %bitcast3A_236 = vector.bitcast %max3A_230 : vector<32xbf16> to vector<16xi32>
          tpu.vector_store_idx %arg15[%add3A_235], %bitcast3A_236 : memref<40960xi32, #tpu.memory_space<vmem>>[vector<16xi32>], vector<16xi32>,
          %add3A_237 = arith.constant 0 : i32
          %add3A_238 = vector.broadcast %add3A_237 : i32 to vector<16xi32>
          %add3A_239 = arith.addi %add3A_180, %add3A_238 : vector<16xi32>
          %bitcast3A_240 = vector.bitcast %max3A_232 : vector<32xbf16> to vector<16xi32>
          tpu.vector_store_idx %arg15[%add3A_239], %bitcast3A_240 : memref<40960xi32, #tpu.memory_space<vmem>>[vector<16xi32>], vector<16xi32>,
          %add3A_241 = arith.addi %mul3A_136, %mul3A_164 : i32
          %get3A_242 = arith.index_cast %add3A_241 : i32 to index
          %get3A_243 = arith.constant 16 : index
          %get3A_244 = tpu.vector_load %arg14[%get3A_242, %get3A_243] {strides = array<i32>} : memref<64x128xi32, #tpu.memory_space<vmem>>, vector<16xi32>,
          %bitcast3A_245 = vector.bitcast %get3A_244 : vector<16xi32> to vector<32xbf16>
          %mul3A_246 = arith.mulf %bitcast3A_245, %pack3A : vector<32xbf16>
          %add3A_247 = arith.addi %mul3A_136, %add3A_166 : i32
          %get3A_248 = arith.index_cast %add3A_247 : i32 to index
          %get3A_249 = arith.constant 16 : index
          %get3A_250 = tpu.vector_load %arg14[%get3A_248, %get3A_249] {strides = array<i32>} : memref<64x128xi32, #tpu.memory_space<vmem>>, vector<16xi32>,
          %bitcast3A_251 = vector.bitcast %get3A_250 : vector<16xi32> to vector<32xbf16>
          %mul3A_252 = arith.mulf %bitcast3A_251, %pack3A_178 : vector<32xbf16>
          %max3A_253 = arith.maximumf %mul3A_246, %mul3A_252 : vector<32xbf16>
          %bitcast3A_254 = vector.bitcast %max3A_253 : vector<32xbf16> to vector<16xi32>
          %bitcast3A_255 = vector.bitcast %mul3A_246 : vector<32xbf16> to vector<16xi32>
          %select_n3A_256 = arith.select %eq3A_183, %bitcast3A_254, %bitcast3A_255 : vector<16xi1>, vector<16xi32>
          %bitcast3A_257 = vector.bitcast %select_n3A_256 : vector<16xi32> to vector<32xbf16>
          %bitcast3A_258 = vector.bitcast %gather3A_207 : vector<16xi32> to vector<32xbf16>
          %max3A_259 = arith.maximumf %bitcast3A_258, %mul3A_252 : vector<32xbf16>
          %bitcast3A_260 = vector.bitcast %gather3A_191 : vector<16xi32> to vector<32xbf16>
          %max3A_261 = arith.maximumf %bitcast3A_260, %bitcast3A_257 : vector<32xbf16>
          %add3A_262 = arith.constant 16 : i32
          %add3A_263 = vector.broadcast %add3A_262 : i32 to vector<16xi32>
          %add3A_264 = arith.addi %add3A_182, %add3A_263 : vector<16xi32>
          %bitcast3A_265 = vector.bitcast %max3A_259 : vector<32xbf16> to vector<16xi32>
          tpu.vector_store_idx %arg15[%add3A_264], %bitcast3A_265 : memref<40960xi32, #tpu.memory_space<vmem>>[vector<16xi32>], vector<16xi32>,
          %add3A_266 = arith.constant 16 : i32
          %add3A_267 = vector.broadcast %add3A_266 : i32 to vector<16xi32>
          %add3A_268 = arith.addi %add3A_180, %add3A_267 : vector<16xi32>
          %bitcast3A_269 = vector.bitcast %max3A_261 : vector<32xbf16> to vector<16xi32>
          tpu.vector_store_idx %arg15[%add3A_268], %bitcast3A_269 : memref<40960xi32, #tpu.memory_space<vmem>>[vector<16xi32>], vector<16xi32>,
          %add3A_270 = arith.addi %mul3A_136, %mul3A_164 : i32
          %get3A_271 = arith.index_cast %add3A_270 : i32 to index
          %get3A_272 = arith.constant 32 : index
          %get3A_273 = tpu.vector_load %arg14[%get3A_271, %get3A_272] {strides = array<i32>} : memref<64x128xi32, #tpu.memory_space<vmem>>, vector<16xi32>,
          %bitcast3A_274 = vector.bitcast %get3A_273 : vector<16xi32> to vector<32xbf16>
          %mul3A_275 = arith.mulf %bitcast3A_274, %pack3A : vector<32xbf16>
          %add3A_276 = arith.addi %mul3A_136, %add3A_166 : i32
          %get3A_277 = arith.index_cast %add3A_276 : i32 to index
          %get3A_278 = arith.constant 32 : index
          %get3A_279 = tpu.vector_load %arg14[%get3A_277, %get3A_278] {strides = array<i32>} : memref<64x128xi32, #tpu.memory_space<vmem>>, vector<16xi32>,
          %bitcast3A_280 = vector.bitcast %get3A_279 : vector<16xi32> to vector<32xbf16>
          %mul3A_281 = arith.mulf %bitcast3A_280, %pack3A_178 : vector<32xbf16>
          %max3A_282 = arith.maximumf %mul3A_275, %mul3A_281 : vector<32xbf16>
          %bitcast3A_283 = vector.bitcast %max3A_282 : vector<32xbf16> to vector<16xi32>
          %bitcast3A_284 = vector.bitcast %mul3A_275 : vector<32xbf16> to vector<16xi32>
          %select_n3A_285 = arith.select %eq3A_183, %bitcast3A_283, %bitcast3A_284 : vector<16xi1>, vector<16xi32>
          %bitcast3A_286 = vector.bitcast %select_n3A_285 : vector<16xi32> to vector<32xbf16>
          %bitcast3A_287 = vector.bitcast %gather3A_211 : vector<16xi32> to vector<32xbf16>
          %max3A_288 = arith.maximumf %bitcast3A_287, %mul3A_281 : vector<32xbf16>
          %bitcast3A_289 = vector.bitcast %gather3A_195 : vector<16xi32> to vector<32xbf16>
          %max3A_290 = arith.maximumf %bitcast3A_289, %bitcast3A_286 : vector<32xbf16>
          %add3A_291 = arith.constant 32 : i32
          %add3A_292 = vector.broadcast %add3A_291 : i32 to vector<16xi32>
          %add3A_293 = arith.addi %add3A_182, %add3A_292 : vector<16xi32>
          %bitcast3A_294 = vector.bitcast %max3A_288 : vector<32xbf16> to vector<16xi32>
          tpu.vector_store_idx %arg15[%add3A_293], %bitcast3A_294 : memref<40960xi32, #tpu.memory_space<vmem>>[vector<16xi32>], vector<16xi32>,
          %add3A_295 = arith.constant 32 : i32
          %add3A_296 = vector.broadcast %add3A_295 : i32 to vector<16xi32>
          %add3A_297 = arith.addi %add3A_180, %add3A_296 : vector<16xi32>
          %bitcast3A_298 = vector.bitcast %max3A_290 : vector<32xbf16> to vector<16xi32>
          tpu.vector_store_idx %arg15[%add3A_297], %bitcast3A_298 : memref<40960xi32, #tpu.memory_space<vmem>>[vector<16xi32>], vector<16xi32>,
          %add3A_299 = arith.addi %mul3A_136, %mul3A_164 : i32
          %get3A_300 = arith.index_cast %add3A_299 : i32 to index
          %get3A_301 = arith.constant 48 : index
          %get3A_302 = tpu.vector_load %arg14[%get3A_300, %get3A_301] {strides = array<i32>} : memref<64x128xi32, #tpu.memory_space<vmem>>, vector<16xi32>,
          %bitcast3A_303 = vector.bitcast %get3A_302 : vector<16xi32> to vector<32xbf16>
          %mul3A_304 = arith.mulf %bitcast3A_303, %pack3A : vector<32xbf16>
          %add3A_305 = arith.addi %mul3A_136, %add3A_166 : i32
          %get3A_306 = arith.index_cast %add3A_305 : i32 to index
          %get3A_307 = arith.constant 48 : index
          %get3A_308 = tpu.vector_load %arg14[%get3A_306, %get3A_307] {strides = array<i32>} : memref<64x128xi32, #tpu.memory_space<vmem>>, vector<16xi32>,
          %bitcast3A_309 = vector.bitcast %get3A_308 : vector<16xi32> to vector<32xbf16>
          %mul3A_310 = arith.mulf %bitcast3A_309, %pack3A_178 : vector<32xbf16>
          %max3A_311 = arith.maximumf %mul3A_304, %mul3A_310 : vector<32xbf16>
          %bitcast3A_312 = vector.bitcast %max3A_311 : vector<32xbf16> to vector<16xi32>
          %bitcast3A_313 = vector.bitcast %mul3A_304 : vector<32xbf16> to vector<16xi32>
          %select_n3A_314 = arith.select %eq3A_183, %bitcast3A_312, %bitcast3A_313 : vector<16xi1>, vector<16xi32>
          %bitcast3A_315 = vector.bitcast %select_n3A_314 : vector<16xi32> to vector<32xbf16>
          %bitcast3A_316 = vector.bitcast %gather3A_215 : vector<16xi32> to vector<32xbf16>
          %max3A_317 = arith.maximumf %bitcast3A_316, %mul3A_310 : vector<32xbf16>
          %bitcast3A_318 = vector.bitcast %gather3A_199 : vector<16xi32> to vector<32xbf16>
          %max3A_319 = arith.maximumf %bitcast3A_318, %bitcast3A_315 : vector<32xbf16>
          %add3A_320 = arith.constant 48 : i32
          %add3A_321 = vector.broadcast %add3A_320 : i32 to vector<16xi32>
          %add3A_322 = arith.addi %add3A_182, %add3A_321 : vector<16xi32>
          %bitcast3A_323 = vector.bitcast %max3A_317 : vector<32xbf16> to vector<16xi32>
          tpu.vector_store_idx %arg15[%add3A_322], %bitcast3A_323 : memref<40960xi32, #tpu.memory_space<vmem>>[vector<16xi32>], vector<16xi32>,
          %add3A_324 = arith.constant 48 : i32
          %add3A_325 = vector.broadcast %add3A_324 : i32 to vector<16xi32>
          %add3A_326 = arith.addi %add3A_180, %add3A_325 : vector<16xi32>
          %bitcast3A_327 = vector.bitcast %max3A_319 : vector<32xbf16> to vector<16xi32>
          tpu.vector_store_idx %arg15[%add3A_326], %bitcast3A_327 : memref<40960xi32, #tpu.memory_space<vmem>>[vector<16xi32>], vector<16xi32>,
          %add3A_328 = arith.constant 64 : i32
          %add3A_329 = vector.broadcast %add3A_328 : i32 to vector<16xi32>
          %add3A_330 = arith.addi %add3A_180, %add3A_329 : vector<16xi32>
          %gather3A_331 = tpu.vector_load_idx %arg15[%add3A_330] : memref<40960xi32, #tpu.memory_space<vmem>>[vector<16xi32>], vector<16xi32>,
          %add3A_332 = arith.constant 80 : i32
          %add3A_333 = vector.broadcast %add3A_332 : i32 to vector<16xi32>
          %add3A_334 = arith.addi %add3A_180, %add3A_333 : vector<16xi32>
          %gather3A_335 = tpu.vector_load_idx %arg15[%add3A_334] : memref<40960xi32, #tpu.memory_space<vmem>>[vector<16xi32>], vector<16xi32>,
          %add3A_336 = arith.constant 96 : i32
          %add3A_337 = vector.broadcast %add3A_336 : i32 to vector<16xi32>
          %add3A_338 = arith.addi %add3A_180, %add3A_337 : vector<16xi32>
          %gather3A_339 = tpu.vector_load_idx %arg15[%add3A_338] : memref<40960xi32, #tpu.memory_space<vmem>>[vector<16xi32>], vector<16xi32>,
          %add3A_340 = arith.constant 112 : i32
          %add3A_341 = vector.broadcast %add3A_340 : i32 to vector<16xi32>
          %add3A_342 = arith.addi %add3A_180, %add3A_341 : vector<16xi32>
          %gather3A_343 = tpu.vector_load_idx %arg15[%add3A_342] : memref<40960xi32, #tpu.memory_space<vmem>>[vector<16xi32>], vector<16xi32>,
          %add3A_344 = arith.constant 64 : i32
          %add3A_345 = vector.broadcast %add3A_344 : i32 to vector<16xi32>
          %add3A_346 = arith.addi %add3A_182, %add3A_345 : vector<16xi32>
          %gather3A_347 = tpu.vector_load_idx %arg15[%add3A_346] : memref<40960xi32, #tpu.memory_space<vmem>>[vector<16xi32>], vector<16xi32>,
          %add3A_348 = arith.constant 80 : i32
          %add3A_349 = vector.broadcast %add3A_348 : i32 to vector<16xi32>
          %add3A_350 = arith.addi %add3A_182, %add3A_349 : vector<16xi32>
          %gather3A_351 = tpu.vector_load_idx %arg15[%add3A_350] : memref<40960xi32, #tpu.memory_space<vmem>>[vector<16xi32>], vector<16xi32>,
          %add3A_352 = arith.constant 96 : i32
          %add3A_353 = vector.broadcast %add3A_352 : i32 to vector<16xi32>
          %add3A_354 = arith.addi %add3A_182, %add3A_353 : vector<16xi32>
          %gather3A_355 = tpu.vector_load_idx %arg15[%add3A_354] : memref<40960xi32, #tpu.memory_space<vmem>>[vector<16xi32>], vector<16xi32>,
          %add3A_356 = arith.constant 112 : i32
          %add3A_357 = vector.broadcast %add3A_356 : i32 to vector<16xi32>
          %add3A_358 = arith.addi %add3A_182, %add3A_357 : vector<16xi32>
          %gather3A_359 = tpu.vector_load_idx %arg15[%add3A_358] : memref<40960xi32, #tpu.memory_space<vmem>>[vector<16xi32>], vector<16xi32>,
          %add3A_360 = arith.addi %mul3A_136, %mul3A_164 : i32
          %get3A_361 = arith.index_cast %add3A_360 : i32 to index
          %get3A_362 = arith.constant 64 : index
          %get3A_363 = tpu.vector_load %arg14[%get3A_361, %get3A_362] {strides = array<i32>} : memref<64x128xi32, #tpu.memory_space<vmem>>, vector<16xi32>,
          %bitcast3A_364 = vector.bitcast %get3A_363 : vector<16xi32> to vector<32xbf16>
          %mul3A_365 = arith.mulf %bitcast3A_364, %pack3A : vector<32xbf16>
          %add3A_366 = arith.addi %mul3A_136, %add3A_166 : i32
          %get3A_367 = arith.index_cast %add3A_366 : i32 to index
          %get3A_368 = arith.constant 64 : index
          %get3A_369 = tpu.vector_load %arg14[%get3A_367, %get3A_368] {strides = array<i32>} : memref<64x128xi32, #tpu.memory_space<vmem>>, vector<16xi32>,
          %bitcast3A_370 = vector.bitcast %get3A_369 : vector<16xi32> to vector<32xbf16>
          %mul3A_371 = arith.mulf %bitcast3A_370, %pack3A_178 : vector<32xbf16>
          %max3A_372 = arith.maximumf %mul3A_365, %mul3A_371 : vector<32xbf16>
          %bitcast3A_373 = vector.bitcast %max3A_372 : vector<32xbf16> to vector<16xi32>
          %bitcast3A_374 = vector.bitcast %mul3A_365 : vector<32xbf16> to vector<16xi32>
          %select_n3A_375 = arith.select %eq3A_183, %bitcast3A_373, %bitcast3A_374 : vector<16xi1>, vector<16xi32>
          %bitcast3A_376 = vector.bitcast %select_n3A_375 : vector<16xi32> to vector<32xbf16>
          %bitcast3A_377 = vector.bitcast %gather3A_347 : vector<16xi32> to vector<32xbf16>
          %max3A_378 = arith.maximumf %bitcast3A_377, %mul3A_371 : vector<32xbf16>
          %bitcast3A_379 = vector.bitcast %gather3A_331 : vector<16xi32> to vector<32xbf16>
          %max3A_380 = arith.maximumf %bitcast3A_379, %bitcast3A_376 : vector<32xbf16>
          %add3A_381 = arith.constant 64 : i32
          %add3A_382 = vector.broadcast %add3A_381 : i32 to vector<16xi32>
          %add3A_383 = arith.addi %add3A_182, %add3A_382 : vector<16xi32>
          %bitcast3A_384 = vector.bitcast %max3A_378 : vector<32xbf16> to vector<16xi32>
          tpu.vector_store_idx %arg15[%add3A_383], %bitcast3A_384 : memref<40960xi32, #tpu.memory_space<vmem>>[vector<16xi32>], vector<16xi32>,
          %add3A_385 = arith.constant 64 : i32
          %add3A_386 = vector.broadcast %add3A_385 : i32 to vector<16xi32>
          %add3A_387 = arith.addi %add3A_180, %add3A_386 : vector<16xi32>
          %bitcast3A_388 = vector.bitcast %max3A_380 : vector<32xbf16> to vector<16xi32>
          tpu.vector_store_idx %arg15[%add3A_387], %bitcast3A_388 : memref<40960xi32, #tpu.memory_space<vmem>>[vector<16xi32>], vector<16xi32>,
          %add3A_389 = arith.addi %mul3A_136, %mul3A_164 : i32
          %get3A_390 = arith.index_cast %add3A_389 : i32 to index
          %get3A_391 = arith.constant 80 : index
          %get3A_392 = tpu.vector_load %arg14[%get3A_390, %get3A_391] {strides = array<i32>} : memref<64x128xi32, #tpu.memory_space<vmem>>, vector<16xi32>,
          %bitcast3A_393 = vector.bitcast %get3A_392 : vector<16xi32> to vector<32xbf16>
          %mul3A_394 = arith.mulf %bitcast3A_393, %pack3A : vector<32xbf16>
          %add3A_395 = arith.addi %mul3A_136, %add3A_166 : i32
          %get3A_396 = arith.index_cast %add3A_395 : i32 to index
          %get3A_397 = arith.constant 80 : index
          %get3A_398 = tpu.vector_load %arg14[%get3A_396, %get3A_397] {strides = array<i32>} : memref<64x128xi32, #tpu.memory_space<vmem>>, vector<16xi32>,
          %bitcast3A_399 = vector.bitcast %get3A_398 : vector<16xi32> to vector<32xbf16>
          %mul3A_400 = arith.mulf %bitcast3A_399, %pack3A_178 : vector<32xbf16>
          %max3A_401 = arith.maximumf %mul3A_394, %mul3A_400 : vector<32xbf16>
          %bitcast3A_402 = vector.bitcast %max3A_401 : vector<32xbf16> to vector<16xi32>
          %bitcast3A_403 = vector.bitcast %mul3A_394 : vector<32xbf16> to vector<16xi32>
          %select_n3A_404 = arith.select %eq3A_183, %bitcast3A_402, %bitcast3A_403 : vector<16xi1>, vector<16xi32>
          %bitcast3A_405 = vector.bitcast %select_n3A_404 : vector<16xi32> to vector<32xbf16>
          %bitcast3A_406 = vector.bitcast %gather3A_351 : vector<16xi32> to vector<32xbf16>
          %max3A_407 = arith.maximumf %bitcast3A_406, %mul3A_400 : vector<32xbf16>
          %bitcast3A_408 = vector.bitcast %gather3A_335 : vector<16xi32> to vector<32xbf16>
          %max3A_409 = arith.maximumf %bitcast3A_408, %bitcast3A_405 : vector<32xbf16>
          %add3A_410 = arith.constant 80 : i32
          %add3A_411 = vector.broadcast %add3A_410 : i32 to vector<16xi32>
          %add3A_412 = arith.addi %add3A_182, %add3A_411 : vector<16xi32>
          %bitcast3A_413 = vector.bitcast %max3A_407 : vector<32xbf16> to vector<16xi32>
          tpu.vector_store_idx %arg15[%add3A_412], %bitcast3A_413 : memref<40960xi32, #tpu.memory_space<vmem>>[vector<16xi32>], vector<16xi32>,
          %add3A_414 = arith.constant 80 : i32
          %add3A_415 = vector.broadcast %add3A_414 : i32 to vector<16xi32>
          %add3A_416 = arith.addi %add3A_180, %add3A_415 : vector<16xi32>
          %bitcast3A_417 = vector.bitcast %max3A_409 : vector<32xbf16> to vector<16xi32>
          tpu.vector_store_idx %arg15[%add3A_416], %bitcast3A_417 : memref<40960xi32, #tpu.memory_space<vmem>>[vector<16xi32>], vector<16xi32>,
          %add3A_418 = arith.addi %mul3A_136, %mul3A_164 : i32
          %get3A_419 = arith.index_cast %add3A_418 : i32 to index
          %get3A_420 = arith.constant 96 : index
          %get3A_421 = tpu.vector_load %arg14[%get3A_419, %get3A_420] {strides = array<i32>} : memref<64x128xi32, #tpu.memory_space<vmem>>, vector<16xi32>,
          %bitcast3A_422 = vector.bitcast %get3A_421 : vector<16xi32> to vector<32xbf16>
          %mul3A_423 = arith.mulf %bitcast3A_422, %pack3A : vector<32xbf16>
          %add3A_424 = arith.addi %mul3A_136, %add3A_166 : i32
          %get3A_425 = arith.index_cast %add3A_424 : i32 to index
          %get3A_426 = arith.constant 96 : index
          %get3A_427 = tpu.vector_load %arg14[%get3A_425, %get3A_426] {strides = array<i32>} : memref<64x128xi32, #tpu.memory_space<vmem>>, vector<16xi32>,
          %bitcast3A_428 = vector.bitcast %get3A_427 : vector<16xi32> to vector<32xbf16>
          %mul3A_429 = arith.mulf %bitcast3A_428, %pack3A_178 : vector<32xbf16>
          %max3A_430 = arith.maximumf %mul3A_423, %mul3A_429 : vector<32xbf16>
          %bitcast3A_431 = vector.bitcast %max3A_430 : vector<32xbf16> to vector<16xi32>
          %bitcast3A_432 = vector.bitcast %mul3A_423 : vector<32xbf16> to vector<16xi32>
          %select_n3A_433 = arith.select %eq3A_183, %bitcast3A_431, %bitcast3A_432 : vector<16xi1>, vector<16xi32>
          %bitcast3A_434 = vector.bitcast %select_n3A_433 : vector<16xi32> to vector<32xbf16>
          %bitcast3A_435 = vector.bitcast %gather3A_355 : vector<16xi32> to vector<32xbf16>
          %max3A_436 = arith.maximumf %bitcast3A_435, %mul3A_429 : vector<32xbf16>
          %bitcast3A_437 = vector.bitcast %gather3A_339 : vector<16xi32> to vector<32xbf16>
          %max3A_438 = arith.maximumf %bitcast3A_437, %bitcast3A_434 : vector<32xbf16>
          %add3A_439 = arith.constant 96 : i32
          %add3A_440 = vector.broadcast %add3A_439 : i32 to vector<16xi32>
          %add3A_441 = arith.addi %add3A_182, %add3A_440 : vector<16xi32>
          %bitcast3A_442 = vector.bitcast %max3A_436 : vector<32xbf16> to vector<16xi32>
          tpu.vector_store_idx %arg15[%add3A_441], %bitcast3A_442 : memref<40960xi32, #tpu.memory_space<vmem>>[vector<16xi32>], vector<16xi32>,
          %add3A_443 = arith.constant 96 : i32
          %add3A_444 = vector.broadcast %add3A_443 : i32 to vector<16xi32>
          %add3A_445 = arith.addi %add3A_180, %add3A_444 : vector<16xi32>
          %bitcast3A_446 = vector.bitcast %max3A_438 : vector<32xbf16> to vector<16xi32>
          tpu.vector_store_idx %arg15[%add3A_445], %bitcast3A_446 : memref<40960xi32, #tpu.memory_space<vmem>>[vector<16xi32>], vector<16xi32>,
          %add3A_447 = arith.addi %mul3A_136, %mul3A_164 : i32
          %get3A_448 = arith.index_cast %add3A_447 : i32 to index
          %get3A_449 = arith.constant 112 : index
          %get3A_450 = tpu.vector_load %arg14[%get3A_448, %get3A_449] {strides = array<i32>} : memref<64x128xi32, #tpu.memory_space<vmem>>, vector<16xi32>,
          %bitcast3A_451 = vector.bitcast %get3A_450 : vector<16xi32> to vector<32xbf16>
          %mul3A_452 = arith.mulf %bitcast3A_451, %pack3A : vector<32xbf16>
          %add3A_453 = arith.addi %mul3A_136, %add3A_166 : i32
          %get3A_454 = arith.index_cast %add3A_453 : i32 to index
          %get3A_455 = arith.constant 112 : index
          %get3A_456 = tpu.vector_load %arg14[%get3A_454, %get3A_455] {strides = array<i32>} : memref<64x128xi32, #tpu.memory_space<vmem>>, vector<16xi32>,
          %bitcast3A_457 = vector.bitcast %get3A_456 : vector<16xi32> to vector<32xbf16>
          %mul3A_458 = arith.mulf %bitcast3A_457, %pack3A_178 : vector<32xbf16>
          %max3A_459 = arith.maximumf %mul3A_452, %mul3A_458 : vector<32xbf16>
          %bitcast3A_460 = vector.bitcast %max3A_459 : vector<32xbf16> to vector<16xi32>
          %bitcast3A_461 = vector.bitcast %mul3A_452 : vector<32xbf16> to vector<16xi32>
          %select_n3A_462 = arith.select %eq3A_183, %bitcast3A_460, %bitcast3A_461 : vector<16xi1>, vector<16xi32>
          %bitcast3A_463 = vector.bitcast %select_n3A_462 : vector<16xi32> to vector<32xbf16>
          %bitcast3A_464 = vector.bitcast %gather3A_359 : vector<16xi32> to vector<32xbf16>
          %max3A_465 = arith.maximumf %bitcast3A_464, %mul3A_458 : vector<32xbf16>
          %bitcast3A_466 = vector.bitcast %gather3A_343 : vector<16xi32> to vector<32xbf16>
          %max3A_467 = arith.maximumf %bitcast3A_466, %bitcast3A_463 : vector<32xbf16>
          %add3A_468 = arith.constant 112 : i32
          %add3A_469 = vector.broadcast %add3A_468 : i32 to vector<16xi32>
          %add3A_470 = arith.addi %add3A_182, %add3A_469 : vector<16xi32>
          %bitcast3A_471 = vector.bitcast %max3A_465 : vector<32xbf16> to vector<16xi32>
          tpu.vector_store_idx %arg15[%add3A_470], %bitcast3A_471 : memref<40960xi32, #tpu.memory_space<vmem>>[vector<16xi32>], vector<16xi32>,
          %add3A_472 = arith.constant 112 : i32
          %add3A_473 = vector.broadcast %add3A_472 : i32 to vector<16xi32>
          %add3A_474 = arith.addi %add3A_180, %add3A_473 : vector<16xi32>
          %bitcast3A_475 = vector.bitcast %max3A_467 : vector<32xbf16> to vector<16xi32>
          tpu.vector_store_idx %arg15[%add3A_474], %bitcast3A_475 : memref<40960xi32, #tpu.memory_space<vmem>>[vector<16xi32>], vector<16xi32>,
          %while3A_476 = arith.constant 0 : i32
          scf.yield %while3A_476 : i32
        }
        %while3A_152 = arith.constant 1 : i32
        %while3A_153 = scf.for %while3A_161 = %while3A_149 to %while3A_145 step %while3A_152 iter_args(%while3A_162 = %while3A_151) -> (i32)  : i32 {
          %mul3A_163 = arith.constant 2 : i32
          %mul3A_164 = arith.muli %mul3A_163, %while3A_161 : i32
          %add3A_165 = arith.constant 1 : i32
          %add3A_166 = arith.addi %mul3A_164, %add3A_165 : i32
          %broadcast_in_dim3A_167 = arith.constant 0 : i32
          %broadcast_in_dim3A_168 = vector.broadcast %broadcast_in_dim3A_167 : i32 to vector<16xi32>
          %add3A_169 = arith.addi %multiple_of3A_139, %mul3A_164 : i32
          %add3A_170 = vector.broadcast %add3A_169 : i32 to vector<16xi32>
          %add3A_171 = arith.addi %broadcast_in_dim3A_168, %add3A_170 : vector<16xi32>
          %broadcast_in_dim3A_172 = arith.constant 0 : i32
          %broadcast_in_dim3A_173 = vector.broadcast %broadcast_in_dim3A_172 : i32 to vector<16xi32>
          %add3A_174 = arith.addi %multiple_of3A_139, %add3A_166 : i32
          %add3A_175 = vector.broadcast %add3A_174 : i32 to vector<16xi32>
          %add3A_176 = arith.addi %broadcast_in_dim3A_173, %add3A_175 : vector<16xi32>
          %gather3A = tpu.vector_load_idx %arg11[%add3A_171] : memref<4000xf32, #tpu.memory_space<vmem>>[vector<16xi32>], vector<16xf32>,
          %gather3A_177 = tpu.vector_load_idx %arg11[%add3A_176] : memref<4000xf32, #tpu.memory_space<vmem>>[vector<16xi32>], vector<16xf32>,
          %pack3A = tpu.pack_subelements %gather3A, %gather3A {pack_format = #tpu.pack_format<interleaved>, positions = array<i32: 0, 1>} : vector<16xf32>, vector<16xf32> -> vector<32xbf16>
          %pack3A_178 = tpu.pack_subelements %gather3A_177, %gather3A_177 {pack_format = #tpu.pack_format<interleaved>, positions = array<i32: 0, 1>} : vector<16xf32>, vector<16xf32> -> vector<32xbf16>
          %gather3A_179 = tpu.vector_load_idx %arg12[%add3A_171] : memref<4000xi32, #tpu.memory_space<vmem>>[vector<16xi32>], vector<16xi32>,
          %add3A_180 = arith.addi %gather3A_179, %iota3A : vector<16xi32>
          %gather3A_181 = tpu.vector_load_idx %arg12[%add3A_176] : memref<4000xi32, #tpu.memory_space<vmem>>[vector<16xi32>], vector<16xi32>,
          %add3A_182 = arith.addi %gather3A_181, %iota3A : vector<16xi32>
          %eq3A_183 = arith.cmpi eq, %add3A_180, %add3A_182 : vector<16xi32>
          %add3A_184 = arith.constant 0 : i32
          %add3A_185 = vector.broadcast %add3A_184 : i32 to vector<16xi32>
          %add3A_186 = arith.addi %add3A_180, %add3A_185 : vector<16xi32>
          %gather3A_187 = tpu.vector_load_idx %arg15[%add3A_186] : memref<40960xi32, #tpu.memory_space<vmem>>[vector<16xi32>], vector<16xi32>,
          %add3A_188 = arith.constant 16 : i32
          %add3A_189 = vector.broadcast %add3A_188 : i32 to vector<16xi32>
          %add3A_190 = arith.addi %add3A_180, %add3A_189 : vector<16xi32>
          %gather3A_191 = tpu.vector_load_idx %arg15[%add3A_190] : memref<40960xi32, #tpu.memory_space<vmem>>[vector<16xi32>], vector<16xi32>,
          %add3A_192 = arith.constant 32 : i32
          %add3A_193 = vector.broadcast %add3A_192 : i32 to vector<16xi32>
          %add3A_194 = arith.addi %add3A_180, %add3A_193 : vector<16xi32>
          %gather3A_195 = tpu.vector_load_idx %arg15[%add3A_194] : memref<40960xi32, #tpu.memory_space<vmem>>[vector<16xi32>], vector<16xi32>,
          %add3A_196 = arith.constant 48 : i32
          %add3A_197 = vector.broadcast %add3A_196 : i32 to vector<16xi32>
          %add3A_198 = arith.addi %add3A_180, %add3A_197 : vector<16xi32>
          %gather3A_199 = tpu.vector_load_idx %arg15[%add3A_198] : memref<40960xi32, #tpu.memory_space<vmem>>[vector<16xi32>], vector<16xi32>,
          %add3A_200 = arith.constant 0 : i32
          %add3A_201 = vector.broadcast %add3A_200 : i32 to vector<16xi32>
          %add3A_202 = arith.addi %add3A_182, %add3A_201 : vector<16xi32>
          %gather3A_203 = tpu.vector_load_idx %arg15[%add3A_202] : memref<40960xi32, #tpu.memory_space<vmem>>[vector<16xi32>], vector<16xi32>,
          %add3A_204 = arith.constant 16 : i32
          %add3A_205 = vector.broadcast %add3A_204 : i32 to vector<16xi32>
          %add3A_206 = arith.addi %add3A_182, %add3A_205 : vector<16xi32>
          %gather3A_207 = tpu.vector_load_idx %arg15[%add3A_206] : memref<40960xi32, #tpu.memory_space<vmem>>[vector<16xi32>], vector<16xi32>,
          %add3A_208 = arith.constant 32 : i32
          %add3A_209 = vector.broadcast %add3A_208 : i32 to vector<16xi32>
          %add3A_210 = arith.addi %add3A_182, %add3A_209 : vector<16xi32>
          %gather3A_211 = tpu.vector_load_idx %arg15[%add3A_210] : memref<40960xi32, #tpu.memory_space<vmem>>[vector<16xi32>], vector<16xi32>,
          %add3A_212 = arith.constant 48 : i32
          %add3A_213 = vector.broadcast %add3A_212 : i32 to vector<16xi32>
          %add3A_214 = arith.addi %add3A_182, %add3A_213 : vector<16xi32>
          %gather3A_215 = tpu.vector_load_idx %arg15[%add3A_214] : memref<40960xi32, #tpu.memory_space<vmem>>[vector<16xi32>], vector<16xi32>,
          %add3A_216 = arith.addi %mul3A_136, %mul3A_164 : i32
          %get3A = arith.index_cast %add3A_216 : i32 to index
          %get3A_217 = arith.constant 0 : index
          %get3A_218 = tpu.vector_load %arg14[%get3A, %get3A_217] {strides = array<i32>} : memref<64x128xi32, #tpu.memory_space<vmem>>, vector<16xi32>,
          %bitcast3A = vector.bitcast %get3A_218 : vector<16xi32> to vector<32xbf16>
          %mul3A_219 = arith.mulf %bitcast3A, %pack3A : vector<32xbf16>
          %add3A_220 = arith.addi %mul3A_136, %add3A_166 : i32
          %get3A_221 = arith.index_cast %add3A_220 : i32 to index
          %get3A_222 = arith.constant 0 : index
          %get3A_223 = tpu.vector_load %arg14[%get3A_221, %get3A_222] {strides = array<i32>} : memref<64x128xi32, #tpu.memory_space<vmem>>, vector<16xi32>,
          %bitcast3A_224 = vector.bitcast %get3A_223 : vector<16xi32> to vector<32xbf16>
          %mul3A_225 = arith.mulf %bitcast3A_224, %pack3A_178 : vector<32xbf16>
          %max3A = arith.maximumf %mul3A_219, %mul3A_225 : vector<32xbf16>
          %bitcast3A_226 = vector.bitcast %max3A : vector<32xbf16> to vector<16xi32>
          %bitcast3A_227 = vector.bitcast %mul3A_219 : vector<32xbf16> to vector<16xi32>
          %select_n3A = arith.select %eq3A_183, %bitcast3A_226, %bitcast3A_227 : vector<16xi1>, vector<16xi32>
          %bitcast3A_228 = vector.bitcast %select_n3A : vector<16xi32> to vector<32xbf16>
          %bitcast3A_229 = vector.bitcast %gather3A_203 : vector<16xi32> to vector<32xbf16>
          %max3A_230 = arith.maximumf %bitcast3A_229, %mul3A_225 : vector<32xbf16>
          %bitcast3A_231 = vector.bitcast %gather3A_187 : vector<16xi32> to vector<32xbf16>
          %max3A_232 = arith.maximumf %bitcast3A_231, %bitcast3A_228 : vector<32xbf16>
          %add3A_233 = arith.constant 0 : i32
          %add3A_234 = vector.broadcast %add3A_233 : i32 to vector<16xi32>
          %add3A_235 = arith.addi %add3A_182, %add3A_234 : vector<16xi32>
          %bitcast3A_236 = vector.bitcast %max3A_230 : vector<32xbf16> to vector<16xi32>
          tpu.vector_store_idx %arg15[%add3A_235], %bitcast3A_236 : memref<40960xi32, #tpu.memory_space<vmem>>[vector<16xi32>], vector<16xi32>,
          %add3A_237 = arith.constant 0 : i32
          %add3A_238 = vector.broadcast %add3A_237 : i32 to vector<16xi32>
          %add3A_239 = arith.addi %add3A_180, %add3A_238 : vector<16xi32>
          %bitcast3A_240 = vector.bitcast %max3A_232 : vector<32xbf16> to vector<16xi32>
          tpu.vector_store_idx %arg15[%add3A_239], %bitcast3A_240 : memref<40960xi32, #tpu.memory_space<vmem>>[vector<16xi32>], vector<16xi32>,
          %add3A_241 = arith.addi %mul3A_136, %mul3A_164 : i32
          %get3A_242 = arith.index_cast %add3A_241 : i32 to index
          %get3A_243 = arith.constant 16 : index
          %get3A_244 = tpu.vector_load %arg14[%get3A_242, %get3A_243] {strides = array<i32>} : memref<64x128xi32, #tpu.memory_space<vmem>>, vector<16xi32>,
          %bitcast3A_245 = vector.bitcast %get3A_244 : vector<16xi32> to vector<32xbf16>
          %mul3A_246 = arith.mulf %bitcast3A_245, %pack3A : vector<32xbf16>
          %add3A_247 = arith.addi %mul3A_136, %add3A_166 : i32
          %get3A_248 = arith.index_cast %add3A_247 : i32 to index
          %get3A_249 = arith.constant 16 : index
          %get3A_250 = tpu.vector_load %arg14[%get3A_248, %get3A_249] {strides = array<i32>} : memref<64x128xi32, #tpu.memory_space<vmem>>, vector<16xi32>,
          %bitcast3A_251 = vector.bitcast %get3A_250 : vector<16xi32> to vector<32xbf16>
          %mul3A_252 = arith.mulf %bitcast3A_251, %pack3A_178 : vector<32xbf16>
          %max3A_253 = arith.maximumf %mul3A_246, %mul3A_252 : vector<32xbf16>
          %bitcast3A_254 = vector.bitcast %max3A_253 : vector<32xbf16> to vector<16xi32>
          %bitcast3A_255 = vector.bitcast %mul3A_246 : vector<32xbf16> to vector<16xi32>
          %select_n3A_256 = arith.select %eq3A_183, %bitcast3A_254, %bitcast3A_255 : vector<16xi1>, vector<16xi32>
          %bitcast3A_257 = vector.bitcast %select_n3A_256 : vector<16xi32> to vector<32xbf16>
          %bitcast3A_258 = vector.bitcast %gather3A_207 : vector<16xi32> to vector<32xbf16>
          %max3A_259 = arith.maximumf %bitcast3A_258, %mul3A_252 : vector<32xbf16>
          %bitcast3A_260 = vector.bitcast %gather3A_191 : vector<16xi32> to vector<32xbf16>
          %max3A_261 = arith.maximumf %bitcast3A_260, %bitcast3A_257 : vector<32xbf16>
          %add3A_262 = arith.constant 16 : i32
          %add3A_263 = vector.broadcast %add3A_262 : i32 to vector<16xi32>
          %add3A_264 = arith.addi %add3A_182, %add3A_263 : vector<16xi32>
          %bitcast3A_265 = vector.bitcast %max3A_259 : vector<32xbf16> to vector<16xi32>
          tpu.vector_store_idx %arg15[%add3A_264], %bitcast3A_265 : memref<40960xi32, #tpu.memory_space<vmem>>[vector<16xi32>], vector<16xi32>,
          %add3A_266 = arith.constant 16 : i32
          %add3A_267 = vector.broadcast %add3A_266 : i32 to vector<16xi32>
          %add3A_268 = arith.addi %add3A_180, %add3A_267 : vector<16xi32>
          %bitcast3A_269 = vector.bitcast %max3A_261 : vector<32xbf16> to vector<16xi32>
          tpu.vector_store_idx %arg15[%add3A_268], %bitcast3A_269 : memref<40960xi32, #tpu.memory_space<vmem>>[vector<16xi32>], vector<16xi32>,
          %add3A_270 = arith.addi %mul3A_136, %mul3A_164 : i32
          %get3A_271 = arith.index_cast %add3A_270 : i32 to index
          %get3A_272 = arith.constant 32 : index
          %get3A_273 = tpu.vector_load %arg14[%get3A_271, %get3A_272] {strides = array<i32>} : memref<64x128xi32, #tpu.memory_space<vmem>>, vector<16xi32>,
          %bitcast3A_274 = vector.bitcast %get3A_273 : vector<16xi32> to vector<32xbf16>
          %mul3A_275 = arith.mulf %bitcast3A_274, %pack3A : vector<32xbf16>
          %add3A_276 = arith.addi %mul3A_136, %add3A_166 : i32
          %get3A_277 = arith.index_cast %add3A_276 : i32 to index
          %get3A_278 = arith.constant 32 : index
          %get3A_279 = tpu.vector_load %arg14[%get3A_277, %get3A_278] {strides = array<i32>} : memref<64x128xi32, #tpu.memory_space<vmem>>, vector<16xi32>,
          %bitcast3A_280 = vector.bitcast %get3A_279 : vector<16xi32> to vector<32xbf16>
          %mul3A_281 = arith.mulf %bitcast3A_280, %pack3A_178 : vector<32xbf16>
          %max3A_282 = arith.maximumf %mul3A_275, %mul3A_281 : vector<32xbf16>
          %bitcast3A_283 = vector.bitcast %max3A_282 : vector<32xbf16> to vector<16xi32>
          %bitcast3A_284 = vector.bitcast %mul3A_275 : vector<32xbf16> to vector<16xi32>
          %select_n3A_285 = arith.select %eq3A_183, %bitcast3A_283, %bitcast3A_284 : vector<16xi1>, vector<16xi32>
          %bitcast3A_286 = vector.bitcast %select_n3A_285 : vector<16xi32> to vector<32xbf16>
          %bitcast3A_287 = vector.bitcast %gather3A_211 : vector<16xi32> to vector<32xbf16>
          %max3A_288 = arith.maximumf %bitcast3A_287, %mul3A_281 : vector<32xbf16>
          %bitcast3A_289 = vector.bitcast %gather3A_195 : vector<16xi32> to vector<32xbf16>
          %max3A_290 = arith.maximumf %bitcast3A_289, %bitcast3A_286 : vector<32xbf16>
          %add3A_291 = arith.constant 32 : i32
          %add3A_292 = vector.broadcast %add3A_291 : i32 to vector<16xi32>
          %add3A_293 = arith.addi %add3A_182, %add3A_292 : vector<16xi32>
          %bitcast3A_294 = vector.bitcast %max3A_288 : vector<32xbf16> to vector<16xi32>
          tpu.vector_store_idx %arg15[%add3A_293], %bitcast3A_294 : memref<40960xi32, #tpu.memory_space<vmem>>[vector<16xi32>], vector<16xi32>,
          %add3A_295 = arith.constant 32 : i32
          %add3A_296 = vector.broadcast %add3A_295 : i32 to vector<16xi32>
          %add3A_297 = arith.addi %add3A_180, %add3A_296 : vector<16xi32>
          %bitcast3A_298 = vector.bitcast %max3A_290 : vector<32xbf16> to vector<16xi32>
          tpu.vector_store_idx %arg15[%add3A_297], %bitcast3A_298 : memref<40960xi32, #tpu.memory_space<vmem>>[vector<16xi32>], vector<16xi32>,
          %add3A_299 = arith.addi %mul3A_136, %mul3A_164 : i32
          %get3A_300 = arith.index_cast %add3A_299 : i32 to index
          %get3A_301 = arith.constant 48 : index
          %get3A_302 = tpu.vector_load %arg14[%get3A_300, %get3A_301] {strides = array<i32>} : memref<64x128xi32, #tpu.memory_space<vmem>>, vector<16xi32>,
          %bitcast3A_303 = vector.bitcast %get3A_302 : vector<16xi32> to vector<32xbf16>
          %mul3A_304 = arith.mulf %bitcast3A_303, %pack3A : vector<32xbf16>
          %add3A_305 = arith.addi %mul3A_136, %add3A_166 : i32
          %get3A_306 = arith.index_cast %add3A_305 : i32 to index
          %get3A_307 = arith.constant 48 : index
          %get3A_308 = tpu.vector_load %arg14[%get3A_306, %get3A_307] {strides = array<i32>} : memref<64x128xi32, #tpu.memory_space<vmem>>, vector<16xi32>,
          %bitcast3A_309 = vector.bitcast %get3A_308 : vector<16xi32> to vector<32xbf16>
          %mul3A_310 = arith.mulf %bitcast3A_309, %pack3A_178 : vector<32xbf16>
          %max3A_311 = arith.maximumf %mul3A_304, %mul3A_310 : vector<32xbf16>
          %bitcast3A_312 = vector.bitcast %max3A_311 : vector<32xbf16> to vector<16xi32>
          %bitcast3A_313 = vector.bitcast %mul3A_304 : vector<32xbf16> to vector<16xi32>
          %select_n3A_314 = arith.select %eq3A_183, %bitcast3A_312, %bitcast3A_313 : vector<16xi1>, vector<16xi32>
          %bitcast3A_315 = vector.bitcast %select_n3A_314 : vector<16xi32> to vector<32xbf16>
          %bitcast3A_316 = vector.bitcast %gather3A_215 : vector<16xi32> to vector<32xbf16>
          %max3A_317 = arith.maximumf %bitcast3A_316, %mul3A_310 : vector<32xbf16>
          %bitcast3A_318 = vector.bitcast %gather3A_199 : vector<16xi32> to vector<32xbf16>
          %max3A_319 = arith.maximumf %bitcast3A_318, %bitcast3A_315 : vector<32xbf16>
          %add3A_320 = arith.constant 48 : i32
          %add3A_321 = vector.broadcast %add3A_320 : i32 to vector<16xi32>
          %add3A_322 = arith.addi %add3A_182, %add3A_321 : vector<16xi32>
          %bitcast3A_323 = vector.bitcast %max3A_317 : vector<32xbf16> to vector<16xi32>
          tpu.vector_store_idx %arg15[%add3A_322], %bitcast3A_323 : memref<40960xi32, #tpu.memory_space<vmem>>[vector<16xi32>], vector<16xi32>,
          %add3A_324 = arith.constant 48 : i32
          %add3A_325 = vector.broadcast %add3A_324 : i32 to vector<16xi32>
          %add3A_326 = arith.addi %add3A_180, %add3A_325 : vector<16xi32>
          %bitcast3A_327 = vector.bitcast %max3A_319 : vector<32xbf16> to vector<16xi32>
          tpu.vector_store_idx %arg15[%add3A_326], %bitcast3A_327 : memref<40960xi32, #tpu.memory_space<vmem>>[vector<16xi32>], vector<16xi32>,
          %add3A_328 = arith.constant 64 : i32
          %add3A_329 = vector.broadcast %add3A_328 : i32 to vector<16xi32>
          %add3A_330 = arith.addi %add3A_180, %add3A_329 : vector<16xi32>
          %gather3A_331 = tpu.vector_load_idx %arg15[%add3A_330] : memref<40960xi32, #tpu.memory_space<vmem>>[vector<16xi32>], vector<16xi32>,
          %add3A_332 = arith.constant 80 : i32
          %add3A_333 = vector.broadcast %add3A_332 : i32 to vector<16xi32>
          %add3A_334 = arith.addi %add3A_180, %add3A_333 : vector<16xi32>
          %gather3A_335 = tpu.vector_load_idx %arg15[%add3A_334] : memref<40960xi32, #tpu.memory_space<vmem>>[vector<16xi32>], vector<16xi32>,
          %add3A_336 = arith.constant 96 : i32
          %add3A_337 = vector.broadcast %add3A_336 : i32 to vector<16xi32>
          %add3A_338 = arith.addi %add3A_180, %add3A_337 : vector<16xi32>
          %gather3A_339 = tpu.vector_load_idx %arg15[%add3A_338] : memref<40960xi32, #tpu.memory_space<vmem>>[vector<16xi32>], vector<16xi32>,
          %add3A_340 = arith.constant 112 : i32
          %add3A_341 = vector.broadcast %add3A_340 : i32 to vector<16xi32>
          %add3A_342 = arith.addi %add3A_180, %add3A_341 : vector<16xi32>
          %gather3A_343 = tpu.vector_load_idx %arg15[%add3A_342] : memref<40960xi32, #tpu.memory_space<vmem>>[vector<16xi32>], vector<16xi32>,
          %add3A_344 = arith.constant 64 : i32
          %add3A_345 = vector.broadcast %add3A_344 : i32 to vector<16xi32>
          %add3A_346 = arith.addi %add3A_182, %add3A_345 : vector<16xi32>
          %gather3A_347 = tpu.vector_load_idx %arg15[%add3A_346] : memref<40960xi32, #tpu.memory_space<vmem>>[vector<16xi32>], vector<16xi32>,
          %add3A_348 = arith.constant 80 : i32
          %add3A_349 = vector.broadcast %add3A_348 : i32 to vector<16xi32>
          %add3A_350 = arith.addi %add3A_182, %add3A_349 : vector<16xi32>
          %gather3A_351 = tpu.vector_load_idx %arg15[%add3A_350] : memref<40960xi32, #tpu.memory_space<vmem>>[vector<16xi32>], vector<16xi32>,
          %add3A_352 = arith.constant 96 : i32
          %add3A_353 = vector.broadcast %add3A_352 : i32 to vector<16xi32>
          %add3A_354 = arith.addi %add3A_182, %add3A_353 : vector<16xi32>
          %gather3A_355 = tpu.vector_load_idx %arg15[%add3A_354] : memref<40960xi32, #tpu.memory_space<vmem>>[vector<16xi32>], vector<16xi32>,
          %add3A_356 = arith.constant 112 : i32
          %add3A_357 = vector.broadcast %add3A_356 : i32 to vector<16xi32>
          %add3A_358 = arith.addi %add3A_182, %add3A_357 : vector<16xi32>
          %gather3A_359 = tpu.vector_load_idx %arg15[%add3A_358] : memref<40960xi32, #tpu.memory_space<vmem>>[vector<16xi32>], vector<16xi32>,
          %add3A_360 = arith.addi %mul3A_136, %mul3A_164 : i32
          %get3A_361 = arith.index_cast %add3A_360 : i32 to index
          %get3A_362 = arith.constant 64 : index
          %get3A_363 = tpu.vector_load %arg14[%get3A_361, %get3A_362] {strides = array<i32>} : memref<64x128xi32, #tpu.memory_space<vmem>>, vector<16xi32>,
          %bitcast3A_364 = vector.bitcast %get3A_363 : vector<16xi32> to vector<32xbf16>
          %mul3A_365 = arith.mulf %bitcast3A_364, %pack3A : vector<32xbf16>
          %add3A_366 = arith.addi %mul3A_136, %add3A_166 : i32
          %get3A_367 = arith.index_cast %add3A_366 : i32 to index
          %get3A_368 = arith.constant 64 : index
          %get3A_369 = tpu.vector_load %arg14[%get3A_367, %get3A_368] {strides = array<i32>} : memref<64x128xi32, #tpu.memory_space<vmem>>, vector<16xi32>,
          %bitcast3A_370 = vector.bitcast %get3A_369 : vector<16xi32> to vector<32xbf16>
          %mul3A_371 = arith.mulf %bitcast3A_370, %pack3A_178 : vector<32xbf16>
          %max3A_372 = arith.maximumf %mul3A_365, %mul3A_371 : vector<32xbf16>
          %bitcast3A_373 = vector.bitcast %max3A_372 : vector<32xbf16> to vector<16xi32>
          %bitcast3A_374 = vector.bitcast %mul3A_365 : vector<32xbf16> to vector<16xi32>
          %select_n3A_375 = arith.select %eq3A_183, %bitcast3A_373, %bitcast3A_374 : vector<16xi1>, vector<16xi32>
          %bitcast3A_376 = vector.bitcast %select_n3A_375 : vector<16xi32> to vector<32xbf16>
          %bitcast3A_377 = vector.bitcast %gather3A_347 : vector<16xi32> to vector<32xbf16>
          %max3A_378 = arith.maximumf %bitcast3A_377, %mul3A_371 : vector<32xbf16>
          %bitcast3A_379 = vector.bitcast %gather3A_331 : vector<16xi32> to vector<32xbf16>
          %max3A_380 = arith.maximumf %bitcast3A_379, %bitcast3A_376 : vector<32xbf16>
          %add3A_381 = arith.constant 64 : i32
          %add3A_382 = vector.broadcast %add3A_381 : i32 to vector<16xi32>
          %add3A_383 = arith.addi %add3A_182, %add3A_382 : vector<16xi32>
          %bitcast3A_384 = vector.bitcast %max3A_378 : vector<32xbf16> to vector<16xi32>
          tpu.vector_store_idx %arg15[%add3A_383], %bitcast3A_384 : memref<40960xi32, #tpu.memory_space<vmem>>[vector<16xi32>], vector<16xi32>,
          %add3A_385 = arith.constant 64 : i32
          %add3A_386 = vector.broadcast %add3A_385 : i32 to vector<16xi32>
          %add3A_387 = arith.addi %add3A_180, %add3A_386 : vector<16xi32>
          %bitcast3A_388 = vector.bitcast %max3A_380 : vector<32xbf16> to vector<16xi32>
          tpu.vector_store_idx %arg15[%add3A_387], %bitcast3A_388 : memref<40960xi32, #tpu.memory_space<vmem>>[vector<16xi32>], vector<16xi32>,
          %add3A_389 = arith.addi %mul3A_136, %mul3A_164 : i32
          %get3A_390 = arith.index_cast %add3A_389 : i32 to index
          %get3A_391 = arith.constant 80 : index
          %get3A_392 = tpu.vector_load %arg14[%get3A_390, %get3A_391] {strides = array<i32>} : memref<64x128xi32, #tpu.memory_space<vmem>>, vector<16xi32>,
          %bitcast3A_393 = vector.bitcast %get3A_392 : vector<16xi32> to vector<32xbf16>
          %mul3A_394 = arith.mulf %bitcast3A_393, %pack3A : vector<32xbf16>
          %add3A_395 = arith.addi %mul3A_136, %add3A_166 : i32
          %get3A_396 = arith.index_cast %add3A_395 : i32 to index
          %get3A_397 = arith.constant 80 : index
          %get3A_398 = tpu.vector_load %arg14[%get3A_396, %get3A_397] {strides = array<i32>} : memref<64x128xi32, #tpu.memory_space<vmem>>, vector<16xi32>,
          %bitcast3A_399 = vector.bitcast %get3A_398 : vector<16xi32> to vector<32xbf16>
          %mul3A_400 = arith.mulf %bitcast3A_399, %pack3A_178 : vector<32xbf16>
          %max3A_401 = arith.maximumf %mul3A_394, %mul3A_400 : vector<32xbf16>
          %bitcast3A_402 = vector.bitcast %max3A_401 : vector<32xbf16> to vector<16xi32>
          %bitcast3A_403 = vector.bitcast %mul3A_394 : vector<32xbf16> to vector<16xi32>
          %select_n3A_404 = arith.select %eq3A_183, %bitcast3A_402, %bitcast3A_403 : vector<16xi1>, vector<16xi32>
          %bitcast3A_405 = vector.bitcast %select_n3A_404 : vector<16xi32> to vector<32xbf16>
          %bitcast3A_406 = vector.bitcast %gather3A_351 : vector<16xi32> to vector<32xbf16>
          %max3A_407 = arith.maximumf %bitcast3A_406, %mul3A_400 : vector<32xbf16>
          %bitcast3A_408 = vector.bitcast %gather3A_335 : vector<16xi32> to vector<32xbf16>
          %max3A_409 = arith.maximumf %bitcast3A_408, %bitcast3A_405 : vector<32xbf16>
          %add3A_410 = arith.constant 80 : i32
          %add3A_411 = vector.broadcast %add3A_410 : i32 to vector<16xi32>
          %add3A_412 = arith.addi %add3A_182, %add3A_411 : vector<16xi32>
          %bitcast3A_413 = vector.bitcast %max3A_407 : vector<32xbf16> to vector<16xi32>
          tpu.vector_store_idx %arg15[%add3A_412], %bitcast3A_413 : memref<40960xi32, #tpu.memory_space<vmem>>[vector<16xi32>], vector<16xi32>,
          %add3A_414 = arith.constant 80 : i32
          %add3A_415 = vector.broadcast %add3A_414 : i32 to vector<16xi32>
          %add3A_416 = arith.addi %add3A_180, %add3A_415 : vector<16xi32>
          %bitcast3A_417 = vector.bitcast %max3A_409 : vector<32xbf16> to vector<16xi32>
          tpu.vector_store_idx %arg15[%add3A_416], %bitcast3A_417 : memref<40960xi32, #tpu.memory_space<vmem>>[vector<16xi32>], vector<16xi32>,
          %add3A_418 = arith.addi %mul3A_136, %mul3A_164 : i32
          %get3A_419 = arith.index_cast %add3A_418 : i32 to index
          %get3A_420 = arith.constant 96 : index
          %get3A_421 = tpu.vector_load %arg14[%get3A_419, %get3A_420] {strides = array<i32>} : memref<64x128xi32, #tpu.memory_space<vmem>>, vector<16xi32>,
          %bitcast3A_422 = vector.bitcast %get3A_421 : vector<16xi32> to vector<32xbf16>
          %mul3A_423 = arith.mulf %bitcast3A_422, %pack3A : vector<32xbf16>
          %add3A_424 = arith.addi %mul3A_136, %add3A_166 : i32
          %get3A_425 = arith.index_cast %add3A_424 : i32 to index
          %get3A_426 = arith.constant 96 : index
          %get3A_427 = tpu.vector_load %arg14[%get3A_425, %get3A_426] {strides = array<i32>} : memref<64x128xi32, #tpu.memory_space<vmem>>, vector<16xi32>,
          %bitcast3A_428 = vector.bitcast %get3A_427 : vector<16xi32> to vector<32xbf16>
          %mul3A_429 = arith.mulf %bitcast3A_428, %pack3A_178 : vector<32xbf16>
          %max3A_430 = arith.maximumf %mul3A_423, %mul3A_429 : vector<32xbf16>
          %bitcast3A_431 = vector.bitcast %max3A_430 : vector<32xbf16> to vector<16xi32>
          %bitcast3A_432 = vector.bitcast %mul3A_423 : vector<32xbf16> to vector<16xi32>
          %select_n3A_433 = arith.select %eq3A_183, %bitcast3A_431, %bitcast3A_432 : vector<16xi1>, vector<16xi32>
          %bitcast3A_434 = vector.bitcast %select_n3A_433 : vector<16xi32> to vector<32xbf16>
          %bitcast3A_435 = vector.bitcast %gather3A_355 : vector<16xi32> to vector<32xbf16>
          %max3A_436 = arith.maximumf %bitcast3A_435, %mul3A_429 : vector<32xbf16>
          %bitcast3A_437 = vector.bitcast %gather3A_339 : vector<16xi32> to vector<32xbf16>
          %max3A_438 = arith.maximumf %bitcast3A_437, %bitcast3A_434 : vector<32xbf16>
          %add3A_439 = arith.constant 96 : i32
          %add3A_440 = vector.broadcast %add3A_439 : i32 to vector<16xi32>
          %add3A_441 = arith.addi %add3A_182, %add3A_440 : vector<16xi32>
          %bitcast3A_442 = vector.bitcast %max3A_436 : vector<32xbf16> to vector<16xi32>
          tpu.vector_store_idx %arg15[%add3A_441], %bitcast3A_442 : memref<40960xi32, #tpu.memory_space<vmem>>[vector<16xi32>], vector<16xi32>,
          %add3A_443 = arith.constant 96 : i32
          %add3A_444 = vector.broadcast %add3A_443 : i32 to vector<16xi32>
          %add3A_445 = arith.addi %add3A_180, %add3A_444 : vector<16xi32>
          %bitcast3A_446 = vector.bitcast %max3A_438 : vector<32xbf16> to vector<16xi32>
          tpu.vector_store_idx %arg15[%add3A_445], %bitcast3A_446 : memref<40960xi32, #tpu.memory_space<vmem>>[vector<16xi32>], vector<16xi32>,
          %add3A_447 = arith.addi %mul3A_136, %mul3A_164 : i32
          %get3A_448 = arith.index_cast %add3A_447 : i32 to index
          %get3A_449 = arith.constant 112 : index
          %get3A_450 = tpu.vector_load %arg14[%get3A_448, %get3A_449] {strides = array<i32>} : memref<64x128xi32, #tpu.memory_space<vmem>>, vector<16xi32>,
          %bitcast3A_451 = vector.bitcast %get3A_450 : vector<16xi32> to vector<32xbf16>
          %mul3A_452 = arith.mulf %bitcast3A_451, %pack3A : vector<32xbf16>
          %add3A_453 = arith.addi %mul3A_136, %add3A_166 : i32
          %get3A_454 = arith.index_cast %add3A_453 : i32 to index
          %get3A_455 = arith.constant 112 : index
          %get3A_456 = tpu.vector_load %arg14[%get3A_454, %get3A_455] {strides = array<i32>} : memref<64x128xi32, #tpu.memory_space<vmem>>, vector<16xi32>,
          %bitcast3A_457 = vector.bitcast %get3A_456 : vector<16xi32> to vector<32xbf16>
          %mul3A_458 = arith.mulf %bitcast3A_457, %pack3A_178 : vector<32xbf16>
          %max3A_459 = arith.maximumf %mul3A_452, %mul3A_458 : vector<32xbf16>
          %bitcast3A_460 = vector.bitcast %max3A_459 : vector<32xbf16> to vector<16xi32>
          %bitcast3A_461 = vector.bitcast %mul3A_452 : vector<32xbf16> to vector<16xi32>
          %select_n3A_462 = arith.select %eq3A_183, %bitcast3A_460, %bitcast3A_461 : vector<16xi1>, vector<16xi32>
          %bitcast3A_463 = vector.bitcast %select_n3A_462 : vector<16xi32> to vector<32xbf16>
          %bitcast3A_464 = vector.bitcast %gather3A_359 : vector<16xi32> to vector<32xbf16>
          %max3A_465 = arith.maximumf %bitcast3A_464, %mul3A_458 : vector<32xbf16>
          %bitcast3A_466 = vector.bitcast %gather3A_343 : vector<16xi32> to vector<32xbf16>
          %max3A_467 = arith.maximumf %bitcast3A_466, %bitcast3A_463 : vector<32xbf16>
          %add3A_468 = arith.constant 112 : i32
          %add3A_469 = vector.broadcast %add3A_468 : i32 to vector<16xi32>
          %add3A_470 = arith.addi %add3A_182, %add3A_469 : vector<16xi32>
          %bitcast3A_471 = vector.bitcast %max3A_465 : vector<32xbf16> to vector<16xi32>
          tpu.vector_store_idx %arg15[%add3A_470], %bitcast3A_471 : memref<40960xi32, #tpu.memory_space<vmem>>[vector<16xi32>], vector<16xi32>,
          %add3A_472 = arith.constant 112 : i32
          %add3A_473 = vector.broadcast %add3A_472 : i32 to vector<16xi32>
          %add3A_474 = arith.addi %add3A_180, %add3A_473 : vector<16xi32>
          %bitcast3A_475 = vector.bitcast %max3A_467 : vector<32xbf16> to vector<16xi32>
          tpu.vector_store_idx %arg15[%add3A_474], %bitcast3A_475 : memref<40960xi32, #tpu.memory_space<vmem>>[vector<16xi32>], vector<16xi32>,
          %while3A_476 = arith.constant 0 : i32
          scf.yield %while3A_476 : i32
        }
        %and3A_154 = arith.constant 1 : i32
        %and3A_155 = arith.andi %min3A_132, %and3A_154 : i32
        %eq3A = arith.constant 1 : i32
        %eq3A_156 = arith.cmpi eq, %and3A_155, %eq3A : i32
        %convert_element_type3A_157 = arith.extui %eq3A_156 : i1 to i32
        %cond3A_158 = arith.constant 0 : i32
        %cond3A_159 = arith.cmpi ne, %convert_element_type3A_157, %cond3A_158 : i32
        scf.if %cond3A_159 {
          %sub3A_161 = arith.constant 1 : i32
          %sub3A_162 = arith.subi %min3A_132, %sub3A_161 : i32
          %broadcast_in_dim3A_163 = arith.constant 0 : i32
          %broadcast_in_dim3A_164 = vector.broadcast %broadcast_in_dim3A_163 : i32 to vector<16xi32>
          %add3A_165 = arith.addi %multiple_of3A_139, %sub3A_162 : i32
          %add3A_166 = vector.broadcast %add3A_165 : i32 to vector<16xi32>
          %add3A_167 = arith.addi %broadcast_in_dim3A_164, %add3A_166 : vector<16xi32>
          %gather3A = tpu.vector_load_idx %arg11[%add3A_167] : memref<4000xf32, #tpu.memory_space<vmem>>[vector<16xi32>], vector<16xf32>,
          %pack3A = tpu.pack_subelements %gather3A, %gather3A {pack_format = #tpu.pack_format<interleaved>, positions = array<i32: 0, 1>} : vector<16xf32>, vector<16xf32> -> vector<32xbf16>
          %gather3A_168 = tpu.vector_load_idx %arg12[%add3A_167] : memref<4000xi32, #tpu.memory_space<vmem>>[vector<16xi32>], vector<16xi32>,
          %add3A_169 = arith.addi %gather3A_168, %iota3A : vector<16xi32>
          %add3A_170 = arith.constant 0 : i32
          %add3A_171 = vector.broadcast %add3A_170 : i32 to vector<16xi32>
          %add3A_172 = arith.addi %add3A_169, %add3A_171 : vector<16xi32>
          %gather3A_173 = tpu.vector_load_idx %arg15[%add3A_172] : memref<40960xi32, #tpu.memory_space<vmem>>[vector<16xi32>], vector<16xi32>,
          %add3A_174 = arith.constant 16 : i32
          %add3A_175 = vector.broadcast %add3A_174 : i32 to vector<16xi32>
          %add3A_176 = arith.addi %add3A_169, %add3A_175 : vector<16xi32>
          %gather3A_177 = tpu.vector_load_idx %arg15[%add3A_176] : memref<40960xi32, #tpu.memory_space<vmem>>[vector<16xi32>], vector<16xi32>,
          %add3A_178 = arith.constant 32 : i32
          %add3A_179 = vector.broadcast %add3A_178 : i32 to vector<16xi32>
          %add3A_180 = arith.addi %add3A_169, %add3A_179 : vector<16xi32>
          %gather3A_181 = tpu.vector_load_idx %arg15[%add3A_180] : memref<40960xi32, #tpu.memory_space<vmem>>[vector<16xi32>], vector<16xi32>,
          %add3A_182 = arith.constant 48 : i32
          %add3A_183 = vector.broadcast %add3A_182 : i32 to vector<16xi32>
          %add3A_184 = arith.addi %add3A_169, %add3A_183 : vector<16xi32>
          %gather3A_185 = tpu.vector_load_idx %arg15[%add3A_184] : memref<40960xi32, #tpu.memory_space<vmem>>[vector<16xi32>], vector<16xi32>,
          %add3A_186 = arith.constant 64 : i32
          %add3A_187 = vector.broadcast %add3A_186 : i32 to vector<16xi32>
          %add3A_188 = arith.addi %add3A_169, %add3A_187 : vector<16xi32>
          %gather3A_189 = tpu.vector_load_idx %arg15[%add3A_188] : memref<40960xi32, #tpu.memory_space<vmem>>[vector<16xi32>], vector<16xi32>,
          %add3A_190 = arith.constant 80 : i32
          %add3A_191 = vector.broadcast %add3A_190 : i32 to vector<16xi32>
          %add3A_192 = arith.addi %add3A_169, %add3A_191 : vector<16xi32>
          %gather3A_193 = tpu.vector_load_idx %arg15[%add3A_192] : memref<40960xi32, #tpu.memory_space<vmem>>[vector<16xi32>], vector<16xi32>,
          %add3A_194 = arith.constant 96 : i32
          %add3A_195 = vector.broadcast %add3A_194 : i32 to vector<16xi32>
          %add3A_196 = arith.addi %add3A_169, %add3A_195 : vector<16xi32>
          %gather3A_197 = tpu.vector_load_idx %arg15[%add3A_196] : memref<40960xi32, #tpu.memory_space<vmem>>[vector<16xi32>], vector<16xi32>,
          %add3A_198 = arith.constant 112 : i32
          %add3A_199 = vector.broadcast %add3A_198 : i32 to vector<16xi32>
          %add3A_200 = arith.addi %add3A_169, %add3A_199 : vector<16xi32>
          %gather3A_201 = tpu.vector_load_idx %arg15[%add3A_200] : memref<40960xi32, #tpu.memory_space<vmem>>[vector<16xi32>], vector<16xi32>,
          %add3A_202 = arith.addi %mul3A_136, %sub3A_162 : i32
          %get3A = arith.index_cast %add3A_202 : i32 to index
          %get3A_203 = arith.constant 0 : index
          %get3A_204 = tpu.vector_load %arg14[%get3A, %get3A_203] {strides = array<i32>} : memref<64x128xi32, #tpu.memory_space<vmem>>, vector<16xi32>,
          %bitcast3A = vector.bitcast %get3A_204 : vector<16xi32> to vector<32xbf16>
          %mul3A_205 = arith.mulf %bitcast3A, %pack3A : vector<32xbf16>
          %add3A_206 = arith.addi %mul3A_136, %sub3A_162 : i32
          %get3A_207 = arith.index_cast %add3A_206 : i32 to index
          %get3A_208 = arith.constant 16 : index
          %get3A_209 = tpu.vector_load %arg14[%get3A_207, %get3A_208] {strides = array<i32>} : memref<64x128xi32, #tpu.memory_space<vmem>>, vector<16xi32>,
          %bitcast3A_210 = vector.bitcast %get3A_209 : vector<16xi32> to vector<32xbf16>
          %mul3A_211 = arith.mulf %bitcast3A_210, %pack3A : vector<32xbf16>
          %add3A_212 = arith.addi %mul3A_136, %sub3A_162 : i32
          %get3A_213 = arith.index_cast %add3A_212 : i32 to index
          %get3A_214 = arith.constant 32 : index
          %get3A_215 = tpu.vector_load %arg14[%get3A_213, %get3A_214] {strides = array<i32>} : memref<64x128xi32, #tpu.memory_space<vmem>>, vector<16xi32>,
          %bitcast3A_216 = vector.bitcast %get3A_215 : vector<16xi32> to vector<32xbf16>
          %mul3A_217 = arith.mulf %bitcast3A_216, %pack3A : vector<32xbf16>
          %add3A_218 = arith.addi %mul3A_136, %sub3A_162 : i32
          %get3A_219 = arith.index_cast %add3A_218 : i32 to index
          %get3A_220 = arith.constant 48 : index
          %get3A_221 = tpu.vector_load %arg14[%get3A_219, %get3A_220] {strides = array<i32>} : memref<64x128xi32, #tpu.memory_space<vmem>>, vector<16xi32>,
          %bitcast3A_222 = vector.bitcast %get3A_221 : vector<16xi32> to vector<32xbf16>
          %mul3A_223 = arith.mulf %bitcast3A_222, %pack3A : vector<32xbf16>
          %add3A_224 = arith.addi %mul3A_136, %sub3A_162 : i32
          %get3A_225 = arith.index_cast %add3A_224 : i32 to index
          %get3A_226 = arith.constant 64 : index
          %get3A_227 = tpu.vector_load %arg14[%get3A_225, %get3A_226] {strides = array<i32>} : memref<64x128xi32, #tpu.memory_space<vmem>>, vector<16xi32>,
          %bitcast3A_228 = vector.bitcast %get3A_227 : vector<16xi32> to vector<32xbf16>
          %mul3A_229 = arith.mulf %bitcast3A_228, %pack3A : vector<32xbf16>
          %add3A_230 = arith.addi %mul3A_136, %sub3A_162 : i32
          %get3A_231 = arith.index_cast %add3A_230 : i32 to index
          %get3A_232 = arith.constant 80 : index
          %get3A_233 = tpu.vector_load %arg14[%get3A_231, %get3A_232] {strides = array<i32>} : memref<64x128xi32, #tpu.memory_space<vmem>>, vector<16xi32>,
          %bitcast3A_234 = vector.bitcast %get3A_233 : vector<16xi32> to vector<32xbf16>
          %mul3A_235 = arith.mulf %bitcast3A_234, %pack3A : vector<32xbf16>
          %add3A_236 = arith.addi %mul3A_136, %sub3A_162 : i32
          %get3A_237 = arith.index_cast %add3A_236 : i32 to index
          %get3A_238 = arith.constant 96 : index
          %get3A_239 = tpu.vector_load %arg14[%get3A_237, %get3A_238] {strides = array<i32>} : memref<64x128xi32, #tpu.memory_space<vmem>>, vector<16xi32>,
          %bitcast3A_240 = vector.bitcast %get3A_239 : vector<16xi32> to vector<32xbf16>
          %mul3A_241 = arith.mulf %bitcast3A_240, %pack3A : vector<32xbf16>
          %add3A_242 = arith.addi %mul3A_136, %sub3A_162 : i32
          %get3A_243 = arith.index_cast %add3A_242 : i32 to index
          %get3A_244 = arith.constant 112 : index
          %get3A_245 = tpu.vector_load %arg14[%get3A_243, %get3A_244] {strides = array<i32>} : memref<64x128xi32, #tpu.memory_space<vmem>>, vector<16xi32>,
          %bitcast3A_246 = vector.bitcast %get3A_245 : vector<16xi32> to vector<32xbf16>
          %mul3A_247 = arith.mulf %bitcast3A_246, %pack3A : vector<32xbf16>
          %bitcast3A_248 = vector.bitcast %gather3A_173 : vector<16xi32> to vector<32xbf16>
          %max3A = arith.maximumf %bitcast3A_248, %mul3A_205 : vector<32xbf16>
          %add3A_249 = arith.constant 0 : i32
          %add3A_250 = vector.broadcast %add3A_249 : i32 to vector<16xi32>
          %add3A_251 = arith.addi %add3A_169, %add3A_250 : vector<16xi32>
          %bitcast3A_252 = vector.bitcast %max3A : vector<32xbf16> to vector<16xi32>
          tpu.vector_store_idx %arg15[%add3A_251], %bitcast3A_252 : memref<40960xi32, #tpu.memory_space<vmem>>[vector<16xi32>], vector<16xi32>,
          %bitcast3A_253 = vector.bitcast %gather3A_177 : vector<16xi32> to vector<32xbf16>
          %max3A_254 = arith.maximumf %bitcast3A_253, %mul3A_211 : vector<32xbf16>
          %add3A_255 = arith.constant 16 : i32
          %add3A_256 = vector.broadcast %add3A_255 : i32 to vector<16xi32>
          %add3A_257 = arith.addi %add3A_169, %add3A_256 : vector<16xi32>
          %bitcast3A_258 = vector.bitcast %max3A_254 : vector<32xbf16> to vector<16xi32>
          tpu.vector_store_idx %arg15[%add3A_257], %bitcast3A_258 : memref<40960xi32, #tpu.memory_space<vmem>>[vector<16xi32>], vector<16xi32>,
          %bitcast3A_259 = vector.bitcast %gather3A_181 : vector<16xi32> to vector<32xbf16>
          %max3A_260 = arith.maximumf %bitcast3A_259, %mul3A_217 : vector<32xbf16>
          %add3A_261 = arith.constant 32 : i32
          %add3A_262 = vector.broadcast %add3A_261 : i32 to vector<16xi32>
          %add3A_263 = arith.addi %add3A_169, %add3A_262 : vector<16xi32>
          %bitcast3A_264 = vector.bitcast %max3A_260 : vector<32xbf16> to vector<16xi32>
          tpu.vector_store_idx %arg15[%add3A_263], %bitcast3A_264 : memref<40960xi32, #tpu.memory_space<vmem>>[vector<16xi32>], vector<16xi32>,
          %bitcast3A_265 = vector.bitcast %gather3A_185 : vector<16xi32> to vector<32xbf16>
          %max3A_266 = arith.maximumf %bitcast3A_265, %mul3A_223 : vector<32xbf16>
          %add3A_267 = arith.constant 48 : i32
          %add3A_268 = vector.broadcast %add3A_267 : i32 to vector<16xi32>
          %add3A_269 = arith.addi %add3A_169, %add3A_268 : vector<16xi32>
          %bitcast3A_270 = vector.bitcast %max3A_266 : vector<32xbf16> to vector<16xi32>
          tpu.vector_store_idx %arg15[%add3A_269], %bitcast3A_270 : memref<40960xi32, #tpu.memory_space<vmem>>[vector<16xi32>], vector<16xi32>,
          %bitcast3A_271 = vector.bitcast %gather3A_189 : vector<16xi32> to vector<32xbf16>
          %max3A_272 = arith.maximumf %bitcast3A_271, %mul3A_229 : vector<32xbf16>
          %add3A_273 = arith.constant 64 : i32
          %add3A_274 = vector.broadcast %add3A_273 : i32 to vector<16xi32>
          %add3A_275 = arith.addi %add3A_169, %add3A_274 : vector<16xi32>
          %bitcast3A_276 = vector.bitcast %max3A_272 : vector<32xbf16> to vector<16xi32>
          tpu.vector_store_idx %arg15[%add3A_275], %bitcast3A_276 : memref<40960xi32, #tpu.memory_space<vmem>>[vector<16xi32>], vector<16xi32>,
          %bitcast3A_277 = vector.bitcast %gather3A_193 : vector<16xi32> to vector<32xbf16>
          %max3A_278 = arith.maximumf %bitcast3A_277, %mul3A_235 : vector<32xbf16>
          %add3A_279 = arith.constant 80 : i32
          %add3A_280 = vector.broadcast %add3A_279 : i32 to vector<16xi32>
          %add3A_281 = arith.addi %add3A_169, %add3A_280 : vector<16xi32>
          %bitcast3A_282 = vector.bitcast %max3A_278 : vector<32xbf16> to vector<16xi32>
          tpu.vector_store_idx %arg15[%add3A_281], %bitcast3A_282 : memref<40960xi32, #tpu.memory_space<vmem>>[vector<16xi32>], vector<16xi32>,
          %bitcast3A_283 = vector.bitcast %gather3A_197 : vector<16xi32> to vector<32xbf16>
          %max3A_284 = arith.maximumf %bitcast3A_283, %mul3A_241 : vector<32xbf16>
          %add3A_285 = arith.constant 96 : i32
          %add3A_286 = vector.broadcast %add3A_285 : i32 to vector<16xi32>
          %add3A_287 = arith.addi %add3A_169, %add3A_286 : vector<16xi32>
          %bitcast3A_288 = vector.bitcast %max3A_284 : vector<32xbf16> to vector<16xi32>
          tpu.vector_store_idx %arg15[%add3A_287], %bitcast3A_288 : memref<40960xi32, #tpu.memory_space<vmem>>[vector<16xi32>], vector<16xi32>,
          %bitcast3A_289 = vector.bitcast %gather3A_201 : vector<16xi32> to vector<32xbf16>
          %max3A_290 = arith.maximumf %bitcast3A_289, %mul3A_247 : vector<32xbf16>
          %add3A_291 = arith.constant 112 : i32
          %add3A_292 = vector.broadcast %add3A_291 : i32 to vector<16xi32>
          %add3A_293 = arith.addi %add3A_169, %add3A_292 : vector<16xi32>
          %bitcast3A_294 = vector.bitcast %max3A_290 : vector<32xbf16> to vector<16xi32>
          tpu.vector_store_idx %arg15[%add3A_293], %bitcast3A_294 : memref<40960xi32, #tpu.memory_space<vmem>>[vector<16xi32>], vector<16xi32>,
        } else {
        }
        %while3A_160 = arith.constant 0 : i32
        scf.yield %while3A_160 : i32
      }
      %scan3A_110 = arith.constant 0 : i32
      scf.yield %scan3A_110 : i32
    }
    %scan3A_42 = arith.constant 40 : i32
    %mul3A_43 = arith.constant 128 : i32
    %mul3A_44 = arith.muli %mul3A_2, %mul3A_43 : i32
    "tpu.region"() ({
      %run_scoped3A = tpu.sem_alloc : memref<!tpu.dma_semaphore, #tpu.memory_space<semaphore_mem>>
      %dma_start3A_45 = tpu.memref_slice %arg6[%mul3A_44] : memref<1310720xi32, #tpu.memory_space<hbm>> -> memref<40960xi32, #tpu.memory_space<hbm>>
      %dma_start3A_46 = tpu.memref_slice %arg6[%mul3A_44] : memref<1310720xi32, #tpu.memory_space<hbm>> -> memref<40960xi32, #tpu.memory_space<hbm>>
      tpu.enqueue_dma source(%arg15 : memref<40960xi32, #tpu.memory_space<vmem>>) target(%dma_start3A_46 : memref<40960xi32, #tpu.memory_space<hbm>>) target_semaphore(%run_scoped3A : memref<!tpu.dma_semaphore, #tpu.memory_space<semaphore_mem>>)
      %dma_wait3A = tpu.memref_slice %arg6[%mul3A_44] : memref<1310720xi32, #tpu.memory_space<hbm>> -> memref<40960xi32, #tpu.memory_space<hbm>>
      %dma_wait3A_47 = tpu.memref_slice %arg6[%mul3A_44] : memref<1310720xi32, #tpu.memory_space<hbm>> -> memref<40960xi32, #tpu.memory_space<hbm>>
      tpu.wait_dma2 semaphore(%run_scoped3A : memref<!tpu.dma_semaphore, #tpu.memory_space<semaphore_mem>>) src(%arg15 : memref<40960xi32, #tpu.memory_space<vmem>>) dst(%dma_wait3A_47 : memref<40960xi32, #tpu.memory_space<hbm>>)
      tpu.yield
    }) : () -> ()
    return
  }
}

</mosaic_0001>

<sc_bundles>
// kernel: _segment_max.3.cloned.1.call-start
scs
__scs_entry_jumppad:
0x0: {  	(pc) =	sbr.rel $0x88, $3  }
0x1: {  	(tag) =	ssettag $0x0;
	lr =	simm.s32 $0x1  }
0x2: {  	[smem:$0x3F9D] =	sst lr;
	_ =	strace $0xD0000000  }
0x3: {  	_ = 	snop  }
0x4: {  	_ = 	snop  }
0x5: {  	_ = 	snop  }
0x6: {  	_ = 	snop  }
0x7: {  	_ = 	snop  }
__scs_overlays_trampoline_lowered:
0x8: {  	[smem:$0x3FAC] =	sst s0  }
0x9: {  	[smem:$0x3FAD] =	sst s1  }
0xa: {  	[smem:$0x3FAE] =	sst s2  }
0xb: {  	[smem:$0x3FAF] =	sst s3  }
0xc: {  	[smem:$0x3FB0] =	sst s4  }
0xd: {  	[smem:$0x3FB1] =	sst s5  }
0xe: {  	[smem:$0x3FB2] =	sst s6  }
0xf: {  	[smem:$0x3FB3] =	sst s7  }
0x10: {  	[smem:$0x3FB4] =	sst s8  }
0x11: {  	[smem:$0x3FB5] =	sst s9;
	s0 =	simm.s32 @!p0 $0x0  }
0x12: {  	s1 =	sld [smem:$0x3F9B];
	s0 =	simm.s32 @p0 $0x1  }
0x13: {  	[smem:$0x3FB6] =	sst s0;
	s0 =	simm.s32 @!p1 $0x0  }
0x14: {  	s2 =	sld [smem:$0x3F9A];
	s0 =	simm.s32 @p1 $0x1  }
0x15: {  	[smem:$0x3FB7] =	sst s0;
	s0 =	simm.s32 @!p2 $0x0  }
0x16: {  	s3 =	sld [smem:$0x3FDB];
	s0 =	simm.s32 @p2 $0x1  }
0x17: {  	s4 =	simm.s32 $0x1BF5;
	[smem:$0x3FB9] =	sst s0  }
0x18: {  	s0 =	sld [smem:$0x3F9C];
	_ =	swait.ge [sflag:s4], $0x0  }
0x19: {  	s7 =	sld [smem:$0x3F9D]  }
0x1a: {  	s8 =	sadd.s32 $0xFFFFE003, lr  }
0x1b: {  	s9 =	sadd.s32 $0xFFFFFEF7, lr;
	s5 =	simm.s32 $0xFFFFFFFF;
	p2 =	slt.u32 s8, $0xFFFFF086  }
0x1c: {  	p1 =	slt.u32 s9, $0xF7A;
	s5 =	simm.s32 @!p2 $0x0  }
0x1d: {  	s5 =	simm.s32 @p1 $0x1;
	p0 =	seq.s32 s7, s2  }
0x1e: {  	s7 =	smul.u32 @!p0 $0xF7A, s2;
	p2 =	seq.s32 @!p0 s5, $0x0  }
0x1f: {  	s9 =	smul.u32 $0xF7A, s1;
	s8 =	simm.s32 @!p0 $0x1BF5;
	p2 =	por !p2, p0  }
0x20: {  	[sflag:s8] =	ssyncset.s32 @!p0 $0xFFFFF086;
	s6 =	sadd.s32 @!p0 s3, s7;
	s7 =	simm.s32 @!p0 $0x108  }
0x21: {  	s3 =	sadd.s32 s3, s9;
	s6 =	sadd.s32 @!p0 $0x88, s6;
	s7 =	simm.s32 @p2 $0x1082  }
0x22: {  	[simem:s7], [sflag:s8] =	dma.local @!p0 [hbm:s6], $0xF7A  }
0x23: {  	s9 =	sor.u32 $0xD0000000, s2;
	s6 =	simm.s32 $0x108;
	_ =	swait.ge @!p0 [sflag:s8], $0x0  }
0x24: {  	s3 =	sadd.s32 $0x88, s3;
	s6 =	simm.s32 @!p1 $0x1082;
	[sflag:s4] =	ssyncset.s32 $0xFFFFF086  }
0x25: {  	[simem:s6], [sflag:s4] =	dma.local [hbm:s3], $0xF7A  }
0x26: {  	[smem:$0x3F9D] =	sst s1;
	(tag) =	ssettag s2;
	_ =	strace s9  }
0x27: {  	s1 =	sld [smem:$0x3FAD]  }
0x28: {  	s2 =	sld [smem:$0x3FAE]  }
0x29: {  	s4 =	sld [smem:$0x3FB0]  }
0x2a: {  	p0 =	seq.s32 s5, $0x0;
	s5 =	sld [smem:$0x3FB1]  }
0x2b: {  	s6 =	sld [smem:$0x3FB2]  }
0x2c: {  	s7 =	sld [smem:$0x3FB3]  }
0x2d: {  	s3 =	simm.s32 $0x108;
	s8 =	sld [smem:$0x3FB4]  }
0x2e: {  	s3 =	simm.s32 @!p0 $0x1082;
	s9 =	sld [smem:$0x3FB5]  }
0x2f: {  	lr =	sadd.s32 s0, s3;
	s0 =	sld [smem:$0x3FAC]  }
0x30: {  	s3 =	sld [smem:$0x3FAF]  }
0x31: {  	[smem:$0x3FB8] =	sst s10  }
0x32: {  	s10 =	sld [smem:$0x3FB6];
	_ =	sdelay $0x3  }
0x33: {  	p0 =	seq.s32 s10, $0x1;
	s10 =	sld [smem:$0x3FB8];
	_ =	sdelay $0x3  }
0x34: {  	[smem:$0x3FB8] =	sst s10  }
0x35: {  	s10 =	sld [smem:$0x3FB7];
	_ =	sdelay $0x3  }
0x36: {  	p1 =	seq.s32 s10, $0x1;
	s10 =	sld [smem:$0x3FB8];
	_ =	sdelay $0x3  }
0x37: {  	[smem:$0x3FB8] =	sst s10  }
0x38: {  	s10 =	sld [smem:$0x3FB9]  }
0x39: {  	_ = 	snop;
	(pc) =	sbr.ind lr, $3  }
0x3a: {  	_ = 	snop  }
0x3b: {  	_ = 	snop  }
0x3c: {  	p2 =	seq.s32 s10, $0x1;
	s10 =	sld [smem:$0x3FB8]  }
0x3d: {  	_ =	shalt  }
0x3e: {  	_ =	shalt  }
0x3f: {  	_ =	shalt  }
0x40: {  	_ =	shalt  }
0x41: {  	_ =	shalt  }
0x42: {  	_ =	shalt  }
0x43: {  	_ =	shalt  }
0x44: {  	_ =	shalt  }
0x45: {  	_ =	shalt  }
0x46: {  	_ =	shalt  }
0x47: {  	_ =	shalt  }
0x48: {  	_ =	shalt  }
0x49: {  	_ =	shalt  }
0x4a: {  	_ =	shalt  }
0x4b: {  	_ =	shalt  }
0x4c: {  	_ =	shalt  }
0x4d: {  	_ =	shalt  }
0x4e: {  	_ =	shalt  }
0x4f: {  	_ =	shalt  }
0x50: {  	_ =	shalt  }
0x51: {  	_ =	shalt  }
0x52: {  	_ =	shalt  }
0x53: {  	_ =	shalt  }
0x54: {  	_ =	shalt  }
0x55: {  	_ =	shalt  }
0x56: {  	_ =	shalt  }
0x57: {  	_ =	shalt  }
0x58: {  	_ =	shalt  }
0x59: {  	_ =	shalt  }
0x5a: {  	_ =	shalt  }
0x5b: {  	_ =	shalt  }
0x5c: {  	_ =	shalt  }
0x5d: {  	_ =	shalt  }
0x5e: {  	_ =	shalt  }
0x5f: {  	_ =	shalt  }
0x60: {  	_ =	shalt  }
0x61: {  	_ =	shalt  }
0x62: {  	_ =	shalt  }
0x63: {  	_ =	shalt  }
0x64: {  	_ =	shalt  }
0x65: {  	_ =	shalt  }
0x66: {  	_ =	shalt  }
0x67: {  	_ =	shalt  }
0x68: {  	_ =	shalt  }
0x69: {  	_ =	shalt  }
0x6a: {  	_ =	shalt  }
0x6b: {  	_ =	shalt  }
0x6c: {  	_ =	shalt  }
0x6d: {  	_ =	shalt  }
0x6e: {  	_ =	shalt  }
0x6f: {  	_ =	shalt  }
0x70: {  	_ =	shalt  }
0x71: {  	_ =	shalt  }
0x72: {  	_ =	shalt  }
0x73: {  	_ =	shalt  }
0x74: {  	_ =	shalt  }
0x75: {  	_ =	shalt  }
0x76: {  	_ =	shalt  }
0x77: {  	_ =	shalt  }
0x78: {  	_ =	shalt  }
0x79: {  	_ =	shalt  }
0x7a: {  	_ =	shalt  }
0x7b: {  	_ =	shalt  }
0x7c: {  	_ =	shalt  }
0x7d: {  	_ =	shalt  }
0x7e: {  	_ =	shalt  }
0x7f: {  	_ =	shalt  }
0x80: {  	_ =	shalt  }
0x81: {  	_ =	shalt  }
0x82: {  	_ =	shalt  }
0x83: {  	_ =	shalt  }
0x84: {  	_ =	shalt  }
0x85: {  	_ =	shalt  }
0x86: {  	_ =	shalt  }
0x87: {  	_ =	shalt  }
.Lfunc_end0:
.L_simem_size_0:
called_computation_lowered:
.L_overlay_start_0:
0x88: {  	s2 =	sld [smem:$0x3FD9]  }
0x89: {  	s3 =	sld [smem:$0x3FFE];
	_ =	sdelay $0x1  }
0x8a: {  	s1 =	srdreg.scid  }
0x8b: {  	s0 =	sand.u32 $0x1, s1  }
0x8c: {  	s18 =	sshll.u32 s0, $0xA;
	s2 =	sadd.s32 s3, s2  }
0x8d: {  	s2 =	sadd.s32 s2, s18  }
0x8e: {  	[smem:$0x3FC4] =	sst s2  }
0x8f: {  	_ = 	snop  }
0x90: {  	s2 =	sld [smem:$0x3FC9]  }
0x91: {  	s19 =	sld [smem:$0x3FC8]  }
0x92: {  	s4 =	sld [smem:$0x3FC7]  }
0x93: {  	s5 =	sld [smem:$0x3FC6]  }
0x94: {  	s6 =	sld [smem:$0x3FD0];
	(tm) =	ssettm $0x1  }
0x95: {  	s7 =	sld [smem:$0x3FFB];
	_ =	sdelay $0x3  }
0x96: {  	_ =	strace s7  }
0x97: {  	s7 =	sld [smem:$0x3FFC];
	_ =	sdelay $0x3  }
0x98: {  	_ =	strace s7  }
0x99: {  	s7 =	sld [smem:$0x3FFD];
	_ =	sdelay $0x3  }
0x9a: {  	_ =	strace s7  }
0x9b: {  	_ =	strace $0x8FFFFFFF  }
0x9c: {  	s20 =	sld [smem:$0x3FDB];
	_ =	sdelay $0x1  }
0x9d: {  	s8 =	simm.s32 $_scs_section_size  }
0x9e: {  	s9 =	simm.s32 $_size__tile_overlayer_lowered;
	s10 =	simm.s32 $_tile_overlayer_lowered  }
0x9f: {  	s23 =	simm.s32 $0x1BFF;
	s22 =	sshll.u32 s10, $0x1;
	s7 =	sadd.s32 s8, s20  }
0xa0: {  	s11 =	simm.s32 $0x0;
	s21 =	sshll.u32 s9, $0x1;
	s9 =	sadd.s32 s22, s7  }
0xa1: {  	[timem:s11], [sflag:s23] =	dma.local [hbm:s9], s21  }
0xa2: {  	_ =	swait.ge [sflag:s23], s21  }
0xa3: {  	s8 =	ssub.s32 $0x0, s21;
	[sflag:s23] =	ssyncset.done $0x0  }
0xa4: {  	[sflag:s23] =	ssyncadd.s32 s8;
	_ =	sdelay $0x1  }
0xa5: {  	s24 =	simm.s32 $0x1B8B  }
0xa6: {  	_ =	swait.ge [sflag:s24], $0x1  }
0xa7: {  	[sflag:s24] =	ssyncset.done $0x0  }
0xa8: {  	s25 =	simm.s32 $0x1B8E;
	[sflag:s24] =	ssyncadd.s32 $0xFFFFFFFF  }
0xa9: {  	s26 =	simm.s32 $execute0_lowered;
	[smem:$0x3FD2] =	sst s25  }
0xaa: {  	s8 =	sshll.u32 s26, $0x1;
	_ =	strace $0x80000046;
	[dreg:$0x1] =	wrdreg $0xFFFFFFFF  }
0xab: {  	s28 =	simm.s32 $_size_execute0_lowered;
	s7 =	sadd.s32 s7, s8;
	[dreg:$0x0] =	wrdreg $0x0  }
0xac: {  	s8 =	sshll.u32 s28, $0x1;
	[dreg:$0x2] =	wrdreg s7  }
0xad: {  	[dreg:$0x3] =	wrdreg s8  }
0xae: {  	[dreg:$0x4] =	wrdreg $0xC0  }
0xaf: {  	_ =	task [dreg:s11], $0x5FFFF  }
0xb0: {  	[dreg:$0x1] =	wrdreg $0xFFFFFFFF  }
0xb1: {  	[dreg:$0x0] =	wrdreg $0x60  }
0xb2: {  	[dreg:$0x2] =	wrdreg s2  }
0xb3: {  	[dreg:$0x3] =	wrdreg s19  }
0xb4: {  	[dreg:$0x4] =	wrdreg s4  }
0xb5: {  	[dreg:$0x5] =	wrdreg s5  }
0xb6: {  	[dreg:$0x6] =	wrdreg s6  }
0xb7: {  	[dreg:$0x7] =	wrdreg $0x9  }
0xb8: {  	_ =	task.clear_ibuf [dreg:s11], $0x8FFFF;
	_ =	strace $0x90000046  }
0xb9: {  	s29 =	simm.s32 $0x9;
	_ =	strace $0x80000048  }
0xba: {  	_ =	swait.ge [sflag:s29], $0x1  }
0xbb: {  	[sflag:s29] =	ssyncadd.s32 $0xFFFFFFFF  }
0xbc: {  	_ =	strace $0x90000048  }
0xbd: {  	_ =	sfence  }
0xbe: {  	s30 =	sld [smem:$0x0];
	_ =	sdelay $0x2  }
0xbf: {  	s31 =	sshll.u32 s1, $0xD;
	s1 =	sshrl.u32 s1, $0x2  }
0xc0: {  	s3 =	sand.u32 $0x4000, s31;
	s1 =	sadd.s32 s1, s30  }
0xc1: {  	s0 =	sor.u32 s3, s0;
	s1 =	sshll.u32 s1, $0x11  }
0xc2: {  	s0 =	sor.u32 s1, s0  }
0xc3: {  	s0 =	sadd.s32 $0x8F2B, s0  }
0xc4: {  	[sflag:s0] =	ssyncadd.remote.s32 $0x1  }
0xc5: {  	_ =	sfence.sel $0xFFFF  }
0xc6: {  	[dreg:$0x0] =	wrdreg $0xFFFFFFFF;
	(pc) =	sbr.abs _section_cstart, $3  }
0xc7: {  	[dreg:$0x1] =	wrdreg $0xFFFFFFFF  }
0xc8: {  	_ =	task.clear_ibuf [dreg:s11], $0x2FFFF;
	_ =	strace $0x9FFFFFFF  }
0xc9: {  	(tm) =	ssettm $0x7FFFFFFF  }
tec
execute0_lowered:
.L_overlay_start_1:
0x0: {  	(tag) =	ssettag $0x1  }
0x1: {  	s0 =	rddreg [dreg:$0x0]  }
0x2: {  	s2 =	rddreg [dreg:$0x1]  }
0x3: {  	s3 =	rddreg [dreg:$0x2]  }
0x4: {  	s5 =	rddreg [dreg:$0x3]  }
0x5: {  	s1 =	srdreg.scid;
	s6 =	stileid.u32  }
0x6: {  	s4 =	rddreg [dreg:$0x4];
	s10 =	simm.s32 $0x5DC0;
	s12 =	simm.s32 $0x3E80  }
0x7: {  	s13 =	simm.s32 $0x1;
	s14 =	simm.s32 $0x6D60;
	s15 =	simm.s32 $0x7D00  }
0x8: {  	s16 =	simm.s32 $0x20;
	s17 =	simm.s32 $0x8CA0;
	s18 =	simm.s32 $0x8CE0  }
0x9: {  	s19 =	simm.s32 $0x2;
	s1 =	sand.u32 $0x1, s1;
	s6 =	sshll.u32 s6, $0x1  }
.Ltmp0:
0xa: {  	v1 =	vlaneseq.u32;
	v2 =	vimm.s32 $0xFF80FF80;
	v14 =	vimm.s32 $0x0;
	s20 =	simm.s32 $0x3;
	s7 =	sor.u32 s1, s6;
	(pc) =	sbr.rel .LBB2_1-.Ltmp0, $4  }
0xb: {  	v3 =	vor.u32 $0xFFFFFE08, v1;
	v4 =	vor.u32 $0x10, v1;
	v5 =	vor.u32 $0x20, v1;
	s6 =	simm.s32 $0x0;
	s1 =	ssub.s32 $0x2, s1;
	s8 =	smul.u32 $0x140, s7  }
0xc: {  	v6 =	vor.u32 $0x30, v1;
	v7 =	vor.u32 $0x40, v1;
	v8 =	vor.u32 $0x50, v1;
	[smem:$0x7FF] =	sst s6;
	s9 =	sshrl.u32 s1, $0x1;
	s7 =	smul.u32 $0x1400, s7  }
0xd: {  	s21 =	simm.s32 $0x0;
	v9 =	vor.u32 $0x60, v1;
	v10 =	vor.u32 $0x70, v1;
	v11 =	vor.u32 $0xFFFFFE88, v1;
	_ =	strace $0x80000047;
	s1 =	ssub.s32 s1, s9  }
0xe: {  	v12 =	vor.u32 $0xFFFFFF08, v1;
	v13 =	vor.u32 $0xFFFFFF88, v1;
	s9 =	simm.s32 $0xACE0;
	v0 =	vmov s8;
	s7 =	sadd.s32 s4, s7;
	s8 =	smax.u32 s1, $0x1  }
.LBB2_18:
0xf: {  	s21 =	sadd.s32 $0x1, s21  }
0x10: {  	p0 =	sne.s32 s21, s8  }
.Ltmp1:
0x11: {  	_ = 	snop;
	(pc) =	sbr.rel @!p0 .LBB2_19-.Ltmp1, $4  }
0x12: {  	[hbm4b:s7+s6] =	stream.linear.scatter [tilespmem:s9], [sflag:$0x3], $0xA000, $0x38;
	[tilespmem:$0x14CE0] =	vst v63  }
0x13: {  	_ =	swait.ge [sflag:s20], $0xA000  }
0x14: {  	[sflag:s20] =	ssyncset.done $0x0  }
0x15: {  	[sflag:s20] =	ssyncadd.s32 $0xFFFF6000  }
.LBB2_1:
0x16: {  	s4 =	simm.s32 $0x180  }
0x17: {  	s22 =	simm.s32 $0x0;
	v15 =	vor.u32 s4, v1  }
0x18: {  	s1 =	simm.s32 $0x80;
	v16 =	vor.u32 s22, v1;
	v15 =	vand.u32 v13, v15  }
0x19: {  	v17 =	vor.u32 s1, v1;
	v16 =	vand.u32 v3, v16  }
0x1a: {  	v17 =	vand.u32 v11, v17  }
0x1b: {  	v18 =	vor.u32 s1, v4  }
0x1c: {  	v19 =	vor.u32 s1, v5  }
0x1d: {  	v20 =	vor.u32 s1, v6;
	[tilespmem:v15+s9+$0x0] =	vst.idx.msk $0xffff, v2  }
0x1e: {  	s23 =	simm.s32 $0x100;
	v15 =	vor.u32 s1, v7;
	[tilespmem:v16+s9+$0x0] =	vst.idx.msk $0xffff, v2  }
0x1f: {  	v21 =	vor.u32 s1, v8;
	v16 =	vor.u32 s23, v1;
	[tilespmem:v17+s9+$0x0] =	vst.idx.msk $0xffff, v2  }
0x20: {  	v16 =	vand.u32 v12, v16;
	[tilespmem:v18+s9+$0x0] =	vst.idx.msk $0xffff, v2  }
0x21: {  	v17 =	vor.u32 s23, v4;
	[tilespmem:v19+s9+$0x0] =	vst.idx.msk $0xffff, v2  }
0x22: {  	v19 =	vor.u32 s4, v4;
	[tilespmem:v20+s9+$0x0] =	vst.idx.msk $0xffff, v2  }
0x23: {  	v18 =	vor.u32 s23, v5;
	[tilespmem:v15+s9+$0x0] =	vst.idx.msk $0xffff, v2  }
0x24: {  	v15 =	vor.u32 s1, v9;
	[tilespmem:v21+s9+$0x0] =	vst.idx.msk $0xffff, v2  }
0x25: {  	v20 =	vor.u32 s1, v10;
	[tilespmem:v16+s9+$0x0] =	vst.idx.msk $0xffff, v2  }
0x26: {  	v16 =	vor.u32 s22, v4;
	[tilespmem:v17+s9+$0x0] =	vst.idx.msk $0xffff, v2  }
0x27: {  	v17 =	vor.u32 s22, v5;
	[tilespmem:v19+s9+$0x0] =	vst.idx.msk $0xffff, v2  }
0x28: {  	[tilespmem:v18+s9+$0x0] =	vst.idx.msk $0xffff, v2;
	v18 =	vor.u32 s4, v5  }
0x29: {  	[tilespmem:v15+s9+$0x0] =	vst.idx.msk $0xffff, v2;
	v15 =	vor.u32 s4, v6  }
0x2a: {  	v19 =	vor.u32 s4, v7;
	[tilespmem:v20+s9+$0x0] =	vst.idx.msk $0xffff, v2  }
0x2b: {  	[tilespmem:v16+s9+$0x0] =	vst.idx.msk $0xffff, v2;
	v20 =	vor.u32 s23, v6  }
0x2c: {  	v16 =	vor.u32 s4, v8;
	[tilespmem:v17+s9+$0x0] =	vst.idx.msk $0xffff, v2  }
0x2d: {  	v17 =	vor.u32 s22, v6;
	[tilespmem:v18+s9+$0x0] =	vst.idx.msk $0xffff, v2  }
0x2e: {  	v23 =	vor.u32 s23, v7;
	[tilespmem:v15+s9+$0x0] =	vst.idx.msk $0xffff, v2  }
0x2f: {  	v18 =	vor.u32 s4, v9;
	[tilespmem:v19+s9+$0x0] =	vst.idx.msk $0xffff, v2  }
0x30: {  	v22 =	vor.u32 s22, v7;
	[tilespmem:v20+s9+$0x0] =	vst.idx.msk $0xffff, v2  }
0x31: {  	v21 =	vor.u32 s22, v8;
	[tilespmem:v16+s9+$0x0] =	vst.idx.msk $0xffff, v2  }
0x32: {  	v20 =	vor.u32 s22, v9;
	[tilespmem:v17+s9+$0x0] =	vst.idx.msk $0xffff, v2  }
0x33: {  	v19 =	vor.u32 s4, v10;
	[tilespmem:v23+s9+$0x0] =	vst.idx.msk $0xffff, v2  }
0x34: {  	[tilespmem:v18+s9+$0x0] =	vst.idx.msk $0xffff, v2;
	v18 =	vor.u32 s22, v10  }
0x35: {  	s1 =	simm.s32 $0x0;
	v15 =	vor.u32 s23, v10;
	s4 =	simm.s32 $0x30;
	v16 =	vor.u32 s23, v8;
	v17 =	vor.u32 s23, v9;
	[tilespmem:v22+s9+$0x0] =	vst.idx.msk $0xffff, v2;
	s22 =	simm.s32 $0x380  }
.LBB2_2:
0x36: {  	s23 =	sadd.s32 $0xFFFFFE80, s22;
	s24 =	sadd.s32 $0xFFFFFF00, s22;
	v22 =	vor.u32 s22, v1;
	s1 =	sadd.s32 $0x4, s1;
	[tilespmem:v21+s9+$0x0] =	vst.idx.msk $0xffff, v2  }
0x37: {  	v21 =	vor.u32 s23, v1;
	v23 =	vor.u32 s24, v1;
	v22 =	vand.u32 v13, v22;
	p0 =	slt.u32 s1, $0x13C;
	[tilespmem:v20+s9+$0x0] =	vst.idx.msk $0xffff, v2  }
0x38: {  	s25 =	sadd.s32 $0xFFFFFF80, s22;
	v20 =	vand.u32 v3, v21;
	v21 =	vor.u32 s22, v4;
	[tilespmem:v19+s9+$0x0] =	vst.idx.msk $0xffff, v2  }
0x39: {  	v24 =	vor.u32 s25, v1;
	v19 =	vor.u32 s23, v4;
	v23 =	vand.u32 v11, v23;
	[tilespmem:v18+s9+$0x0] =	vst.idx.msk $0xffff, v2  }
0x3a: {  	v24 =	vand.u32 v12, v24;
	v18 =	vor.u32 s24, v4;
	[tilespmem:v16+s9+$0x0] =	vst.idx.msk $0xffff, v2  }
0x3b: {  	v25 =	vor.u32 s24, v5;
	v26 =	vor.u32 s25, v4;
	[tilespmem:v17+s9+$0x0] =	vst.idx.msk $0xffff, v2  }
0x3c: {  	v27 =	vor.u32 s24, v6;
	v28 =	vor.u32 s25, v5;
	[tilespmem:v22+s9+$0x0] =	vst.idx.msk $0xffff, v2  }
0x3d: {  	v29 =	vor.u32 s25, v6;
	v22 =	vor.u32 s24, v7;
	[tilespmem:v15+s9+$0x0] =	vst.idx.msk $0xffff, v2  }
0x3e: {  	v30 =	vor.u32 s25, v7;
	[tilespmem:v20+s9+$0x0] =	vst.idx.msk $0xffff, v2;
	v20 =	vor.u32 s24, v8  }
0x3f: {  	v16 =	vor.u32 s25, v8;
	[tilespmem:v23+s9+$0x0] =	vst.idx.msk $0xffff, v2  }
0x40: {  	v17 =	vor.u32 s25, v9;
	[tilespmem:v18+s9+$0x0] =	vst.idx.msk $0xffff, v2  }
0x41: {  	v15 =	vor.u32 s25, v10;
	[tilespmem:v25+s9+$0x0] =	vst.idx.msk $0xffff, v2  }
0x42: {  	[tilespmem:v27+s9+$0x0] =	vst.idx.msk $0xffff, v2  }
0x43: {  	[tilespmem:v22+s9+$0x0] =	vst.idx.msk $0xffff, v2  }
0x44: {  	v18 =	vor.u32 s24, v9;
	[tilespmem:v20+s9+$0x0] =	vst.idx.msk $0xffff, v2  }
0x45: {  	v20 =	vor.u32 s24, v10;
	[tilespmem:v24+s9+$0x0] =	vst.idx.msk $0xffff, v2  }
0x46: {  	[tilespmem:v26+s9+$0x0] =	vst.idx.msk $0xffff, v2  }
0x47: {  	v22 =	vor.u32 s23, v5;
	[tilespmem:v28+s9+$0x0] =	vst.idx.msk $0xffff, v2  }
0x48: {  	[tilespmem:v21+s9+$0x0] =	vst.idx.msk $0xffff, v2;
	v21 =	vor.u32 s22, v5  }
0x49: {  	[tilespmem:v18+s9+$0x0] =	vst.idx.msk $0xffff, v2;
	v18 =	vor.u32 s22, v6  }
0x4a: {  	[tilespmem:v20+s9+$0x0] =	vst.idx.msk $0xffff, v2;
	v20 =	vor.u32 s22, v7  }
0x4b: {  	[tilespmem:v19+s9+$0x0] =	vst.idx.msk $0xffff, v2;
	v19 =	vor.u32 s22, v8  }
0x4c: {  	[tilespmem:v22+s9+$0x0] =	vst.idx.msk $0xffff, v2;
	v22 =	vor.u32 s23, v6  }
0x4d: {  	v23 =	vor.u32 s22, v9;
	[tilespmem:v21+s9+$0x0] =	vst.idx.msk $0xffff, v2  }
0x4e: {  	[tilespmem:v18+s9+$0x0] =	vst.idx.msk $0xffff, v2  }
0x4f: {  	v18 =	vor.u32 s23, v7;
	[tilespmem:v20+s9+$0x0] =	vst.idx.msk $0xffff, v2  }
0x50: {  	[tilespmem:v19+s9+$0x0] =	vst.idx.msk $0xffff, v2  }
.Ltmp2:
0x51: {  	v21 =	vor.u32 s23, v8;
	[tilespmem:v22+s9+$0x0] =	vst.idx.msk $0xffff, v2;
	(pc) =	sbr.rel @p0 .LBB2_2-.Ltmp2, $4  }
0x52: {  	v20 =	vor.u32 s23, v9;
	[tilespmem:v23+s9+$0x0] =	vst.idx.msk $0xffff, v2  }
0x53: {  	v19 =	vor.u32 s22, v10;
	[tilespmem:v29+s9+$0x0] =	vst.idx.msk $0xffff, v2  }
0x54: {  	[tilespmem:v18+s9+$0x0] =	vst.idx.msk $0xffff, v2;
	v18 =	vor.u32 s23, v10  }
0x55: {  	s22 =	sadd.s32 $0x200, s22;
	[tilespmem:v30+s9+$0x0] =	vst.idx.msk $0xffff, v2  }
0x56: {  	_ =	sdelay $0x3  }
0x57: {  	[tilespmem:v21+s9+$0x0] =	vst.idx.msk $0xffff, v2  }
0x58: {  	[tilespmem:v19+s9+$0x0] =	vst.idx.msk $0xffff, v2  }
0x59: {  	v19 =	vor.u32 s4, v1;
	[tilespmem:v16+s9+$0x0] =	vst.idx.msk $0xffff, v2  }
0x5a: {  	s23 =	simm.s32 $0x20;
	[tilespmem:v20+s9+$0x0] =	vst.idx.msk $0xffff, v2  }
0x5b: {  	s22 =	simm.s32 $0x10;
	[tilespmem:v17+s9+$0x0] =	vst.idx.msk $0xffff, v2;
	v17 =	vor.u32 s23, v1  }
0x5c: {  	s1 =	simm.s32 $0x0;
	v16 =	vor.u32 s22, v1;
	[tilespmem:v18+s9+$0x0] =	vst.idx.msk $0xffff, v2  }
0x5d: {  	[tilespmem:v15+s9+$0x0] =	vst.idx.msk $0xffff, v2;
	v15 =	vor.u32 s1, v1  }
0x5e: {  	s4 =	simm.s32 $0x4;
	s1 =	simm.s32 $0x70;
	[tilespmem:v19+s10+$0x0] =	vst.idx.msk $0xffff, v14  }
.LBB2_4:
0x5f: {  	s22 =	sadd.s32 $0xFFFFFFD0, s1;
	s4 =	sadd.s32 $0x4, s4  }
0x60: {  	s23 =	sadd.s32 $0xFFFFFFE0, s1;
	s24 =	sadd.s32 $0xFFFFFFF0, s1;
	v18 =	vor.u32 s1, v1;
	[tilespmem:v17+s10+$0x0] =	vst.idx.msk $0xffff, v14;
	p0 =	slt.u32 s4, $0xF4  }
.Ltmp3:
0x61: {  	v19 =	vor.u32 s22, v1;
	v17 =	vor.u32 s24, v1;
	[tilespmem:v16+s10+$0x0] =	vst.idx.msk $0xffff, v14;
	v16 =	vor.u32 s23, v1;
	(pc) =	sbr.rel @p0 .LBB2_4-.Ltmp3, $2  }
0x62: {  	[tilespmem:v15+s10+$0x0] =	vst.idx.msk $0xffff, v14;
	v15 =	vmov v19;
	_ =	sdelay $0x2  }
0x63: {  	s1 =	sadd.s32 $0x40, s1;
	[tilespmem:v18+s10+$0x0] =	vst.idx.msk $0xffff, v14  }
0x64: {  	_ =	sdelay $0x1  }
0x65: {  	s4 =	sadd.s32 $0xFFFFFFF0, s1;
	v18 =	vor.u32 s1, v1  }
0x66: {  	s22 =	sadd.s32 $0xFFFFFFE0, s1;
	v19 =	vor.u32 s4, v1  }
0x67: {  	s31 =	sadd.s32 $0xFFFFFFD0, s1;
	[tilespmem:v17+s10+$0x0] =	vst.idx.msk $0xffff, v14;
	v63 =	vor.u32 s22, v1  }
0x68: {  	[tilespmem:v16+s10+$0x0] =	vst.idx.msk $0xffff, v14;
	v20 =	vor.u32 s31, v1  }
0x69: {  	[tilespmem:v15+s10+$0x0] =	vst.idx.msk $0xffff, v14  }
0x6a: {  	[tilespmem:v18+s10+$0x0] =	vst.idx.msk $0xffff, v14  }
0x6b: {  	[tilespmem:v19+s10+$0x0] =	vst.idx.msk $0xffff, v14  }
0x6c: {  	[tilespmem:v63+s10+$0x0] =	vst.idx.msk $0xffff, v14  }
0x6d: {  	s1 =	simm.s32 $0xF80;
	[tilespmem:v20+s10+$0x0] =	vst.idx.msk $0xffff, v14  }
.LBB2_6:
0x6e: {  	v15 =	vor.u32 s1, v1;
	p0 =	sne.s32 s1, $0xF90  }
.Ltmp4:
0x6f: {  	_ = 	snop;
	(pc) =	sbr.rel @p0 .LBB2_6-.Ltmp4, $2  }
0x70: {  	_ =	sdelay $0x2  }
0x71: {  	s1 =	sadd.s32 $0x10, s1;
	[tilespmem:v15+s10+$0x0] =	vst.idx.msk $0xffff, v14  }
0x72: {  	s22 =	simm.s32 $0x0  }
0x73: {  	[tilespmem:s22], [sflag:$0x1] =	stream.linear.gather [hbm4b:s3+s22], $0xFA0, $0x38;
	[tilespmem:$0x14CE0] =	vst v63  }
.Ltmp5:
0x74: {  	_ = 	snop;
	(pc) =	sbr.rel .LBB2_9-.Ltmp5, $4  }
0x75: {  	s1 =	simm.s32 $0x1F40  }
0x76: {  	[tilespmem:s1], [sflag:$0x1] =	stream.linear.gather [hbm4b:s2+s22], $0xFA0, $0x38;
	[tilespmem:$0x14CE0] =	vst v63  }
0x77: {  	_ = 	snop  }
0x78: {  	[tilespmem:s12], [sflag:$0x1] =	stream.linear.gather [hbm4b:s5+s22], $0xFA0, $0x38;
	[tilespmem:$0x14CE0] =	vst v63  }
.LBB2_8:
0x79: {  	p0 =	seq.s32 s22, $0x28  }
.Ltmp6:
0x7a: {  	_ = 	snop;
	(pc) =	sbr.rel @p0 .LBB2_18-.Ltmp6, $1  }
0x7b: {  	_ =	sdelay $0x3  }
.LBB2_9:
0x7c: {  	_ =	swait.ge [sflag:s13], $0xFA0  }
0x7d: {  	[sflag:s13] =	ssyncset.done $0x0  }
0x7e: {  	[sflag:s13] =	ssyncadd.s32 $0xFFFFF060  }
0x7f: {  	s1 =	smov.u32 s22;
	_ =	swait.ge [sflag:s13], $0xFA0  }
0x80: {  	s22 =	sadd.s32 $0x1, s22;
	p0 =	seq.s32 s1, $0x27;
	[sflag:s13] =	ssyncset.done $0x0  }
0x81: {  	s4 =	sand.u32 @!p0 $0x1, s22;
	s23 =	simm.s32 @!p0 $0xFA0;
	[sflag:s13] =	ssyncadd.s32 $0xFFFFF060  }
0x82: {  	p1 =	seq.s32 @!p0 s4, $0x1;
	s4 =	smul.u32 @!p0 $0x1F4, s22;
	_ =	swait.ge [sflag:s13], $0xFA0  }
0x83: {  	s25 =	simm.s32 @!p0 $0x0;
	p1 =	por !p1, p0;
	[sflag:s13] =	ssyncset.done $0x0  }
0x84: {  	s23 =	simm.s32 @p1 $0x0;
	s24 =	sadd.s32 @!p0 s3, s4;
	[sflag:s13] =	ssyncadd.s32 $0xFFFFF060  }
0x85: {  	[tilespmem:s23], [sflag:$0x1] =	stream.linear.gather @!p0 [hbm4b:s24+s25], $0xFA0, $0x38;
	[tilespmem:$0x14CE0] =	vst v63  }
0x86: {  	s26 =	sadd.s32 @!p0 s2, s4;
	s24 =	sadd.s32 @!p0 $0x1F40, s23  }
0x87: {  	[tilespmem:s24], [sflag:$0x1] =	stream.linear.gather @!p0 [hbm4b:s26+s25], $0xFA0, $0x38;
	[tilespmem:$0x14CE0] =	vst v63  }
0x88: {  	s1 =	sand.u32 $0x1, s1;
	s4 =	sadd.s32 @!p0 s5, s4;
	s23 =	sadd.s32 @!p0 $0x3E80, s23  }
0x89: {  	[tilespmem:s23], [sflag:$0x1] =	stream.linear.gather @!p0 [hbm4b:s4+s25], $0xFA0, $0x38;
	[tilespmem:$0x14CE0] =	vst v63  }
0x8a: {  	p0 =	seq.s32 s1, $0x1;
	s23 =	simm.s32 $0xFA0  }
0x8b: {  	s23 =	simm.s32 @!p0 $0x0  }
0x8c: {  	s26 =	sor.u32 $0x40, s23  }
0x8d: {  	v15 =	vld [tilespmem:s26+$0xFFFFFFC0];
	_ =	sdelay $0x4  }
0x8e: {  	v15 =	vsub.s32 v15, v0  }
0x8f: {  	vm0 =	vlt.u32 v15, $0x140  }
0x90: {  	v16 =	vsel vm0, $0x1, v14  }
0x91: {  	(xrf0) =	vadd.scan.msk.s32 $0xffff, v16;
	_ =	sdelay $0x5  }
0x92: {  	v16 =	vimm.s32 $0x0;
	v17, _, _ =	vpop (xrf0)  }
0x93: {  	s24 =	sadd.s32 $0x1F80, s23;
	v17 =	vadd.s32 v17, v16  }
0x94: {  	v18 =	vld [tilespmem:s24+$0xFFFFFFC0];
	v17 =	vadd.s32 $0xFFFFFFFF, v17;
	_ =	sdelay $0x4  }
0x95: {  	s25 =	sadd.s32 $0x3EC0, s23;
	[tilespmem:v17+s10+$0x0] =	vst.idx.msk vm0, v18  }
0x96: {  	v18 =	vld [tilespmem:s25+$0xFFFFFFC0];
	_ =	sdelay $0x3  }
0x97: {  	v19 =	vld [tilespmem:s26+$0xFFFFFFE0]  }
0x98: {  	v15 =	vshll.u32 v15, $0x7;
	[tilespmem:v17+s14+$0x0] =	vst.idx.msk vm0, v18  }
0x99: {  	[tilespmem:v17+s15+$0x0] =	vst.idx.msk vm0, v15  }
0x9a: {  	v15 =	vld [tilespmem:s26+$0xFFFFFFD0];
	_ =	sdelay $0x1  }
0x9b: {  	v17 =	vsub.s32 v19, v0  }
0x9c: {  	vm3 =	vlt.u32 v17, $0x140  }
0x9d: {  	v18 =	vsel vm3, $0x1, v14  }
0x9e: {  	(xrf0) =	vadd.scan.msk.s32 $0xffff, v18;
	v18 =	vsub.s32 v15, v0  }
0x9f: {  	vm1 =	vlt.u32 v18, $0x140  }
0xa0: {  	v19 =	vmpcnt.ones.xlane vm1  }
0xa1: {  	v15 =	vmpcnt.ones.xlane vm0;
	_ =	sdelay $0x1  }
0xa2: {  	v15 =	vadd.s32 v16, v15  }
0xa3: {  	v16 =	vadd.s32 v15, v19;
	v19, _, _ =	vpop (xrf0)  }
0xa4: {  	v19 =	vadd.s32 v19, v16  }
0xa5: {  	v20 =	vld [tilespmem:s24+$0xFFFFFFE0];
	v19 =	vadd.s32 $0xFFFFFFFF, v19;
	_ =	sdelay $0x4  }
0xa6: {  	[tilespmem:v19+s10+$0x0] =	vst.idx.msk vm3, v20  }
0xa7: {  	v20 =	vld [tilespmem:s25+$0xFFFFFFE0];
	_ =	sdelay $0x3  }
0xa8: {  	v21 =	vld [tilespmem:s26+$0x0]  }
0xa9: {  	v17 =	vshll.u32 v17, $0x7;
	[tilespmem:v19+s14+$0x0] =	vst.idx.msk vm3, v20  }
0xaa: {  	[tilespmem:v19+s15+$0x0] =	vst.idx.msk vm3, v17  }
0xab: {  	v17 =	vld [tilespmem:s26+$0xFFFFFFF0];
	_ =	sdelay $0x1  }
0xac: {  	v19 =	vsub.s32 v21, v0  }
0xad: {  	v20 =	vsel vm1, $0x1, v14;
	vm0 =	vlt.u32 v19, $0x140  }
0xae: {  	(xrf0) =	vadd.scan.msk.s32 $0xffff, v20;
	v20 =	vsel vm0, $0x1, v14  }
0xaf: {  	(xrf0) =	vadd.scan.msk.s32 $0xffff, v20;
	v20 =	vsub.s32 v17, v0  }
0xb0: {  	vm2 =	vlt.u32 v20, $0x140  }
0xb1: {  	v17 =	vsel vm2, $0x1, v14  }
0xb2: {  	(xrf0) =	vadd.scan.msk.s32 $0xffff, v17;
	v17 =	vmpcnt.ones.xlane vm2  }
0xb3: {  	v59 =	vmpcnt.ones.xlane vm3  }
0xb4: {  	v22, _, _ =	vpop (xrf0)  }
0xb5: {  	v16 =	vadd.s32 v16, v59;
	v60 =	vadd.s32 v22, v15  }
0xb6: {  	v61 =	vld [tilespmem:s24+$0xFFFFFFD0];
	v21 =	vadd.s32 $0xFFFFFFFF, v60;
	v15 =	vadd.s32 v16, v17;
	v17, _, _ =	vpop (xrf0)  }
0xb7: {  	v17 =	vadd.s32 v17, v15  }
0xb8: {  	v23 =	vadd.s32 $0xFFFFFFFF, v17;
	v17 =	vld [tilespmem:s24+$0x0]  }
0xb9: {  	v24, _, _ =	vpop (xrf0)  }
0xba: {  	v16 =	vadd.s32 v24, v16  }
0xbb: {  	v62 =	vld [tilespmem:s24+$0xFFFFFFF0];
	[tilespmem:v21+s10+$0x0] =	vst.idx.msk vm1, v61;
	v25 =	vadd.s32 $0xFFFFFFFF, v16  }
0xbc: {  	v16 =	vld [tilespmem:s25+$0xFFFFFFD0]  }
0xbd: {  	[tilespmem:v23+s10+$0x0] =	vst.idx.msk vm0, v17  }
0xbe: {  	v17 =	vld [tilespmem:s25+$0x0];
	_ =	sdelay $0x1  }
0xbf: {  	v63 =	vld [tilespmem:s26+$0x20];
	[tilespmem:v25+s10+$0x0] =	vst.idx.msk vm2, v62  }
0xc0: {  	[tilespmem:v21+s14+$0x0] =	vst.idx.msk vm1, v16;
	v16 =	vshll.u32 v18, $0x7  }
0xc1: {  	[tilespmem:v21+s15+$0x0] =	vst.idx.msk vm1, v16  }
0xc2: {  	v24 =	vld [tilespmem:s25+$0xFFFFFFF0];
	v16 =	vshll.u32 v19, $0x7;
	[tilespmem:v23+s14+$0x0] =	vst.idx.msk vm0, v17  }
0xc3: {  	[tilespmem:v23+s15+$0x0] =	vst.idx.msk vm0, v16  }
0xc4: {  	v17 =	vsub.s32 v63, v0;
	v18 =	vld [tilespmem:s26+$0x10]  }
0xc5: {  	vm1 =	vlt.u32 v17, $0x140  }
0xc6: {  	v19 =	vshll.u32 v20, $0x7;
	v20 =	vsel vm1, $0x1, v14  }
0xc7: {  	[tilespmem:v25+s14+$0x0] =	vst.idx.msk vm2, v24;
	(xrf0) =	vadd.scan.msk.s32 $0xffff, v20  }
0xc8: {  	s4 =	simm.s32 $0x0;
	s29 =	smov.u32 s26;
	s28 =	smov.u32 s25;
	v16 =	vld [tilespmem:s24+$0x10];
	[tilespmem:v25+s15+$0x0] =	vst.idx.msk vm2, v19  }
.LBB2_10:
0xc9: {  	s4 =	sadd.s32 $0x4, s4;
	v18 =	vsub.s32 v18, v0  }
0xca: {  	v19 =	vmpcnt.ones.xlane vm0;
	p0 =	slt.u32 s4, $0x78;
	vm2 =	vlt.u32 v18, $0x140;
	v18 =	vshll.u32 v18, $0x7  }
0xcb: {  	v22 =	vsel vm2, $0x1, v14;
	v21 =	vmpcnt.ones.xlane vm2  }
0xcc: {  	v15 =	vadd.s32 v15, v19;
	(xrf0) =	vadd.scan.msk.s32 $0xffff, v22  }
0xcd: {  	v19 =	vadd.s32 v15, v21;
	v20, _, _ =	vpop (xrf0)  }
0xce: {  	v20 =	vadd.s32 v20, v19  }
0xcf: {  	v20 =	vadd.s32 $0xFFFFFFFF, v20;
	v21 =	vld [tilespmem:s24+$0x20];
	_ =	sdelay $0x2  }
0xd0: {  	v22, _, _ =	vpop (xrf0)  }
0xd1: {  	v15 =	vadd.s32 v22, v15  }
0xd2: {  	v15 =	vadd.s32 $0xFFFFFFFF, v15;
	[tilespmem:v20+s10+$0x0] =	vst.idx.msk vm1, v21  }
0xd3: {  	v21 =	vld [tilespmem:s25+$0x20]  }
0xd4: {  	s26 =	sadd.s32 $0x80, s26  }
0xd5: {  	v22 =	vld [tilespmem:s26+$0xFFFFFFC0];
	_ =	sdelay $0x1  }
0xd6: {  	[tilespmem:v15+s10+$0x0] =	vst.idx.msk vm2, v16  }
0xd7: {  	v17 =	vshll.u32 v17, $0x7;
	v16 =	vld [tilespmem:s25+$0x10];
	[tilespmem:v20+s14+$0x0] =	vst.idx.msk vm1, v21  }
0xd8: {  	[tilespmem:v20+s15+$0x0] =	vst.idx.msk vm1, v17  }
0xd9: {  	v17 =	vsub.s32 v22, v0;
	v20 =	vld [tilespmem:s29+$0x30];
	s29 =	smov.u32 s26  }
0xda: {  	vm0 =	vlt.u32 v17, $0x140;
	v21 =	vld [tilespmem:s24+$0x30]  }
0xdb: {  	v22 =	vsel vm0, $0x1, v14  }
0xdc: {  	(xrf0) =	vadd.scan.msk.s32 $0xffff, v22;
	[tilespmem:v15+s14+$0x0] =	vst.idx.msk vm2, v16  }
0xdd: {  	[tilespmem:v15+s15+$0x0] =	vst.idx.msk vm2, v18  }
0xde: {  	v15 =	vsub.s32 v20, v0  }
0xdf: {  	v16 =	vmpcnt.ones.xlane vm1;
	vm2 =	vlt.u32 v15, $0x140;
	v15 =	vshll.u32 v15, $0x7  }
0xe0: {  	v22 =	vsel vm2, $0x1, v14;
	v20 =	vmpcnt.ones.xlane vm2  }
0xe1: {  	v16 =	vadd.s32 v19, v16;
	(xrf0) =	vadd.scan.msk.s32 $0xffff, v22  }
0xe2: {  	v18, _, _ =	vpop (xrf0);
	v19 =	vadd.s32 v16, v20  }
0xe3: {  	s24 =	sadd.s32 $0x80, s24;
	v18 =	vadd.s32 v18, v19  }
0xe4: {  	v18 =	vadd.s32 $0xFFFFFFFF, v18;
	v20 =	vld [tilespmem:s24+$0xFFFFFFC0];
	_ =	sdelay $0x2  }
0xe5: {  	v22, _, _ =	vpop (xrf0)  }
0xe6: {  	v16 =	vadd.s32 v22, v16  }
0xe7: {  	s25 =	sadd.s32 $0x80, s25;
	[tilespmem:v18+s10+$0x0] =	vst.idx.msk vm0, v20;
	v16 =	vadd.s32 $0xFFFFFFFF, v16  }
0xe8: {  	v20 =	vld [tilespmem:s25+$0xFFFFFFC0];
	_ =	sdelay $0x1  }
0xe9: {  	v22 =	vld [tilespmem:s26+$0xFFFFFFE0];
	_ =	sdelay $0x1  }
0xea: {  	[tilespmem:v16+s10+$0x0] =	vst.idx.msk vm2, v21  }
0xeb: {  	v17 =	vshll.u32 v17, $0x7;
	[tilespmem:v18+s14+$0x0] =	vst.idx.msk vm0, v20;
	v20 =	vld [tilespmem:s28+$0x30];
	s28 =	smov.u32 s25  }
0xec: {  	[tilespmem:v18+s15+$0x0] =	vst.idx.msk vm0, v17  }
0xed: {  	v17 =	vld [tilespmem:s26+$0xFFFFFFD0];
	v18 =	vsub.s32 v22, v0  }
0xee: {  	v21 =	vld [tilespmem:s24+$0xFFFFFFD0];
	vm1 =	vlt.u32 v18, $0x140  }
0xef: {  	v22 =	vsel vm1, $0x1, v14  }
0xf0: {  	(xrf0) =	vadd.scan.msk.s32 $0xffff, v22;
	[tilespmem:v16+s14+$0x0] =	vst.idx.msk vm2, v20  }
0xf1: {  	[tilespmem:v16+s15+$0x0] =	vst.idx.msk vm2, v15  }
0xf2: {  	v15 =	vsub.s32 v17, v0  }
0xf3: {  	v16 =	vmpcnt.ones.xlane vm0;
	vm2 =	vlt.u32 v15, $0x140;
	v15 =	vshll.u32 v15, $0x7  }
0xf4: {  	v17 =	vsel vm2, $0x1, v14;
	v20 =	vmpcnt.ones.xlane vm2  }
0xf5: {  	v16 =	vadd.s32 v19, v16;
	(xrf0) =	vadd.scan.msk.s32 $0xffff, v17  }
0xf6: {  	v17 =	vadd.s32 v16, v20;
	v19, _, _ =	vpop (xrf0)  }
0xf7: {  	v19 =	vadd.s32 v19, v17  }
0xf8: {  	v19 =	vadd.s32 $0xFFFFFFFF, v19;
	v20 =	vld [tilespmem:s24+$0xFFFFFFE0];
	_ =	sdelay $0x2  }
0xf9: {  	v22, _, _ =	vpop (xrf0)  }
0xfa: {  	v16 =	vadd.s32 v22, v16  }
0xfb: {  	v16 =	vadd.s32 $0xFFFFFFFF, v16;
	[tilespmem:v19+s10+$0x0] =	vst.idx.msk vm1, v20  }
0xfc: {  	v20 =	vld [tilespmem:s25+$0xFFFFFFE0];
	_ =	sdelay $0x1  }
0xfd: {  	v22 =	vld [tilespmem:s26+$0x0];
	_ =	sdelay $0x1  }
0xfe: {  	[tilespmem:v16+s10+$0x0] =	vst.idx.msk vm2, v21  }
0xff: {  	v18 =	vshll.u32 v18, $0x7;
	v21 =	vld [tilespmem:s25+$0xFFFFFFD0];
	[tilespmem:v19+s14+$0x0] =	vst.idx.msk vm1, v20  }
0x100: {  	[tilespmem:v19+s15+$0x0] =	vst.idx.msk vm1, v18  }
0x101: {  	v18 =	vld [tilespmem:s26+$0xFFFFFFF0];
	v19 =	vsub.s32 v22, v0  }
0x102: {  	v20 =	vld [tilespmem:s24+$0xFFFFFFF0];
	vm0 =	vlt.u32 v19, $0x140  }
0x103: {  	v22 =	vsel vm0, $0x1, v14  }
0x104: {  	[tilespmem:v16+s14+$0x0] =	vst.idx.msk vm2, v21;
	(xrf0) =	vadd.scan.msk.s32 $0xffff, v22  }
0x105: {  	[tilespmem:v16+s15+$0x0] =	vst.idx.msk vm2, v15  }
0x106: {  	v15 =	vsub.s32 v18, v0  }
0x107: {  	v16 =	vmpcnt.ones.xlane vm1;
	vm2 =	vlt.u32 v15, $0x140;
	v21 =	vshll.u32 v15, $0x7  }
0x108: {  	v15 =	vsel vm2, $0x1, v14;
	v18 =	vmpcnt.ones.xlane vm2  }
0x109: {  	v16 =	vadd.s32 v17, v16;
	(xrf0) =	vadd.scan.msk.s32 $0xffff, v15  }
0x10a: {  	v15 =	vadd.s32 v16, v18;
	v17, _, _ =	vpop (xrf0)  }
0x10b: {  	v17 =	vadd.s32 v17, v15  }
0x10c: {  	v17 =	vadd.s32 $0xFFFFFFFF, v17;
	v18 =	vld [tilespmem:s24+$0x0];
	_ =	sdelay $0x2  }
0x10d: {  	v22, _, _ =	vpop (xrf0)  }
0x10e: {  	v16 =	vadd.s32 v22, v16  }
0x10f: {  	v22 =	vadd.s32 $0xFFFFFFFF, v16;
	[tilespmem:v17+s10+$0x0] =	vst.idx.msk vm0, v18  }
0x110: {  	v16 =	vld [tilespmem:s25+$0x0];
	_ =	sdelay $0x1  }
0x111: {  	v23 =	vld [tilespmem:s26+$0x20];
	_ =	sdelay $0x1  }
0x112: {  	[tilespmem:v22+s10+$0x0] =	vst.idx.msk vm2, v20  }
0x113: {  	v20 =	vld [tilespmem:s25+$0xFFFFFFF0];
	[tilespmem:v17+s14+$0x0] =	vst.idx.msk vm0, v16;
	v16 =	vshll.u32 v19, $0x7  }
0x114: {  	[tilespmem:v17+s15+$0x0] =	vst.idx.msk vm0, v16  }
.Ltmp7:
0x115: {  	v18 =	vld [tilespmem:s26+$0x10];
	v17 =	vsub.s32 v23, v0;
	(pc) =	sbr.rel @p0 .LBB2_10-.Ltmp7, $4  }
0x116: {  	v16 =	vld [tilespmem:s24+$0x10];
	vm1 =	vlt.u32 v17, $0x140  }
0x117: {  	v19 =	vsel vm1, $0x1, v14  }
0x118: {  	[tilespmem:v22+s14+$0x0] =	vst.idx.msk vm2, v20;
	(xrf0) =	vadd.scan.msk.s32 $0xffff, v19  }
0x119: {  	[tilespmem:v22+s15+$0x0] =	vst.idx.msk vm2, v21  }
0x11a: {  	v18 =	vsub.s32 v18, v0  }
0x11b: {  	v19 =	vmpcnt.ones.xlane vm0;
	vm13 =	vlt.u32 v18, $0x140  }
0x11c: {  	v20 =	vmpcnt.ones.xlane vm13  }
0x11d: {  	v15 =	vadd.s32 v15, v19  }
0x11e: {  	v19 =	vadd.s32 v15, v20;
	v47, _, _ =	vpop (xrf0)  }
0x11f: {  	v20 =	vadd.s32 v47, v19  }
0x120: {  	v21 =	vld [tilespmem:s24+$0x20];
	v20 =	vadd.s32 $0xFFFFFFFF, v20;
	_ =	sdelay $0x4  }
0x121: {  	[tilespmem:v20+s10+$0x0] =	vst.idx.msk vm1, v21  }
0x122: {  	v21 =	vld [tilespmem:s25+$0x20];
	_ =	sdelay $0x4  }
0x123: {  	v17 =	vshll.u32 v17, $0x7;
	[tilespmem:v20+s14+$0x0] =	vst.idx.msk vm1, v21  }
0x124: {  	[tilespmem:v20+s15+$0x0] =	vst.idx.msk vm1, v17  }
0x125: {  	v17 =	vld [tilespmem:s29+$0x30];
	_ =	sdelay $0x4  }
0x126: {  	v48 =	vsel vm13, $0x1, v14;
	v17 =	vsub.s32 v17, v0  }
0x127: {  	(xrf0) =	vadd.scan.msk.s32 $0xffff, v48;
	vm2 =	vlt.u32 v17, $0x140  }
0x128: {  	v49 =	vsel vm2, $0x1, v14  }
0x129: {  	(xrf0) =	vadd.scan.msk.s32 $0xffff, v49;
	_ =	sdelay $0x3  }
0x12a: {  	v50 =	vmpcnt.ones.xlane vm1;
	v51, _, _ =	vpop (xrf0)  }
0x12b: {  	v15 =	vadd.s32 v51, v15  }
0x12c: {  	v19 =	vadd.s32 v19, v50;
	v15 =	vadd.s32 $0xFFFFFFFF, v15;
	v52, _, _ =	vpop (xrf0)  }
0x12d: {  	v20 =	vadd.s32 v52, v19  }
0x12e: {  	v53 =	vld [tilespmem:s24+$0x30];
	v20 =	vadd.s32 $0xFFFFFFFF, v20;
	_ =	sdelay $0x2  }
0x12f: {  	[tilespmem:v15+s10+$0x0] =	vst.idx.msk vm13, v16  }
0x130: {  	v16 =	vld [tilespmem:s25+$0x10]  }
0x131: {  	[tilespmem:v20+s10+$0x0] =	vst.idx.msk vm2, v53  }
0x132: {  	v21 =	vld [tilespmem:s28+$0x30];
	_ =	sdelay $0x2  }
0x133: {  	v18 =	vshll.u32 v18, $0x7;
	[tilespmem:v15+s14+$0x0] =	vst.idx.msk vm13, v16  }
0x134: {  	[tilespmem:v15+s15+$0x0] =	vst.idx.msk vm13, v18  }
0x135: {  	v15 =	vshll.u32 v17, $0x7;
	[tilespmem:v20+s14+$0x0] =	vst.idx.msk vm2, v21  }
0x136: {  	[tilespmem:v20+s15+$0x0] =	vst.idx.msk vm2, v15  }
0x137: {  	v15 =	vld [tilespmem:s23+$0xF80];
	_ =	sdelay $0x4  }
0x138: {  	v15 =	vsub.s32 v15, v0  }
0x139: {  	vm14 =	vlt.u32 v15, $0x140  }
0x13a: {  	v54 =	vsel vm14, $0x1, v14  }
0x13b: {  	(xrf0) =	vadd.scan.msk.s32 $0xffff, v54;
	_ =	sdelay $0x3  }
0x13c: {  	v55 =	vmpcnt.ones.xlane vm2;
	_ =	sdelay $0x1  }
0x13d: {  	v16 =	vadd.s32 v19, v55;
	v56, _, _ =	vpop (xrf0)  }
0x13e: {  	v17 =	vadd.s32 v56, v16  }
0x13f: {  	v18 =	vld [tilespmem:s23+$0x2EC0];
	v17 =	vadd.s32 $0xFFFFFFFF, v17;
	_ =	sdelay $0x4  }
0x140: {  	[tilespmem:v17+s10+$0x0] =	vst.idx.msk vm14, v18  }
0x141: {  	v18 =	vld [tilespmem:s23+$0x4E00];
	_ =	sdelay $0x4  }
0x142: {  	v15 =	vshll.u32 v15, $0x7;
	[tilespmem:v17+s14+$0x0] =	vst.idx.msk vm14, v18  }
0x143: {  	[tilespmem:v17+s15+$0x0] =	vst.idx.msk vm14, v15  }
0x144: {  	v15 =	vld [tilespmem:s23+$0xF90];
	_ =	sdelay $0x4  }
0x145: {  	v15 =	vsub.s32 v15, v0  }
0x146: {  	v57 =	vmpcnt.ones.xlane vm14;
	vm15 =	vlt.u32 v15, $0x140  }
0x147: {  	v58 =	vmpcnt.ones.xlane vm15  }
0x148: {  	v16 =	vadd.s32 v16, v57  }
0x149: {  	v59 =	vsel vm15, $0x1, v14;
	v18 =	vadd.s32 v16, v58  }
0x14a: {  	(xrf0) =	vadd.scan.msk.s32 $0xffff, v59;
	v60 =	vxor.u32 $0x80000000, v18  }
0x14b: {  	(xrf0) =	vmax.scan.msk.u32 $0xffff, v60;
	_ =	sdelay $0x4  }
0x14c: {  	v61, _, _ =	vpop (xrf0)  }
0x14d: {  	v62, _, _ =	vpop (xrf0)  }
0x14e: {  	(v2sf) =	vpush v62, $0xF;
	_ =	sdelay $0x9  }
0x14f: {  	v16 =	vadd.s32 v61, v16  }
0x150: {  	v63 =	vld [tilespmem:s23+$0x2ED0];
	v16 =	vadd.s32 $0xFFFFFFFF, v16;
	_ =	sdelay $0x3  }
0x151: {  	s1 =	spop (v2sf)  }
0x152: {  	[tilespmem:v16+s10+$0x0] =	vst.idx.msk vm15, v63;
	s4 =	sadd.s32 $0x8000001F, s1  }
0x153: {  	v17 =	vld [tilespmem:s23+$0x4E10];
	s23 =	sshra.s32 s4, $0x5  }
0x154: {  	p0 =	slt.s32 s23, $0x1  }
.Ltmp8:
0x155: {  	_ = 	snop;
	(pc) =	sbr.rel @p0 .LBB2_8-.Ltmp8, $3  }
0x156: {  	_ =	sdelay $0x1  }
0x157: {  	v15 =	vshll.u32 v15, $0x7;
	[tilespmem:v16+s14+$0x0] =	vst.idx.msk vm15, v17  }
0x158: {  	[tilespmem:v16+s15+$0x0] =	vst.idx.msk vm15, v15  }
0x159: {  	v15 =	vld [tilespmem:$0x5DC0]  }
0x15a: {  	v16 =	vld [tilespmem:$0x5DD0];
	_ =	sdelay $0x1  }
.Ltmp9:
0x15b: {  	_ = 	snop;
	(pc) =	sbr.rel .LBB2_13-.Ltmp9, $4  }
0x15c: {  	_ = 	snop  }
0x15d: {  	s24 =	sxor.u32 $0x80000000, s1;
	[tilespmem:$0x8CA0] =	vst v15  }
0x15e: {  	s26 =	simm.s32 $0x0;
	s4 =	simm.s32 $0x1;
	p0 =	por $0x0, $0x0;
	[tilespmem:$0x8CB0] =	vst v16  }
0x15f: {  	[tilespmem:s18], [sflag:$0x2] =	stream.indirect.gather [hbm4b:s0+s16], $0x80, s17, s16, $0xb8;
	[tilespmem:$0x14CE0] =	vst v63  }
.LBB2_16:
0x160: {  	v19 =	vld [tilespmem:s30+$0xFFFFFF90]  }
0x161: {  	v20 =	vld [tilespmem:s30+$0x10];
	_ =	sdelay $0x4  }
0x162: {  	v19 =	vmul.bf16 v19, v16;
	v20 =	vmul.bf16 v20, v15;
	_ =	sdelay $0x1  }
0x163: {  	v33 =	vmax.bf16 v19, v20  }
0x164: {  	v20 =	vmax.bf16 v31, v20;
	v19 =	vsel vm0, v33, v19  }
0x165: {  	[tilespmem:v27+s9+$0x0] =	vst.idx.msk $0xffff, v20;
	v19 =	vmax.bf16 v32, v19  }
0x166: {  	[tilespmem:v30+s9+$0x0] =	vst.idx.msk $0xffff, v19  }
0x167: {  	v19 =	vld [tilespmem:s30+$0xFFFFFFA0]  }
0x168: {  	v20 =	vld [tilespmem:s30+$0x20];
	_ =	sdelay $0x4  }
0x169: {  	v19 =	vmul.bf16 v19, v16;
	v20 =	vmul.bf16 v20, v15;
	_ =	sdelay $0x1  }
0x16a: {  	v45 =	vmax.bf16 v19, v20  }
0x16b: {  	v20 =	vmax.bf16 v28, v20;
	v19 =	vsel vm0, v45, v19  }
0x16c: {  	[tilespmem:v24+s9+$0x0] =	vst.idx.msk $0xffff, v20;
	v19 =	vmax.bf16 v29, v19  }
0x16d: {  	[tilespmem:v25+s9+$0x0] =	vst.idx.msk $0xffff, v19  }
0x16e: {  	v19 =	vld [tilespmem:s30+$0xFFFFFFB0]  }
0x16f: {  	v20 =	vld [tilespmem:s30+$0x30];
	_ =	sdelay $0x4  }
0x170: {  	v19 =	vmul.bf16 v19, v16;
	v20 =	vmul.bf16 v20, v15;
	_ =	sdelay $0x1  }
0x171: {  	v46 =	vmax.bf16 v19, v20  }
0x172: {  	v20 =	vmax.bf16 v23, v20;
	v19 =	vsel vm0, v46, v19  }
0x173: {  	v47 =	vadd.s32 v9, v17;
	[tilespmem:v21+s9+$0x0] =	vst.idx.msk $0xffff, v20;
	v19 =	vmax.bf16 v26, v19  }
0x174: {  	v48 =	vadd.s32 v7, v17;
	[tilespmem:v22+s9+$0x0] =	vst.idx.msk $0xffff, v19  }
0x175: {  	v49 =	vadd.s32 v7, v18;
	v22 =	vld [tilespmem:s30+$0xFFFFFFC0]  }
0x176: {  	v50 =	vadd.s32 v8, v17;
	v25 =	vld [tilespmem:s30+$0x40]  }
0x177: {  	v51 =	vadd.s32 v10, v18  }
0x178: {  	v52 =	vadd.s32 v9, v18;
	v53 =	vld.idx.msk [tilespmem:v47+s9+$0x0], $0xffff  }
0x179: {  	v54 =	vadd.s32 v8, v18;
	v55 =	vld.idx.msk [tilespmem:v48+s9+$0x0], $0xffff  }
0x17a: {  	v57 =	vadd.s32 v10, v17;
	v56 =	vld.idx.msk [tilespmem:v49+s9+$0x0], $0xffff  }
0x17b: {  	v30 =	vld.idx.msk [tilespmem:v50+s9+$0x0], $0xffff;
	v22 =	vmul.bf16 v22, v16;
	v25 =	vmul.bf16 v25, v15  }
0x17c: {  	v58 =	vld.idx.msk [tilespmem:v51+s9+$0x0], $0xffff  }
0x17d: {  	v59 =	vld.idx.msk [tilespmem:v52+s9+$0x0], $0xffff;
	v34 =	vmax.bf16 v22, v25  }
0x17e: {  	v60 =	vld.idx.msk [tilespmem:v54+s9+$0x0], $0xffff;
	v25 =	vmax.bf16 v55, v25;
	v22 =	vsel vm0, v34, v22  }
0x17f: {  	v35 =	vld.idx.msk [tilespmem:v57+s9+$0x0], $0xffff;
	[tilespmem:v48+s9+$0x0] =	vst.idx.msk $0xffff, v25;
	v22 =	vmax.bf16 v56, v22  }
0x180: {  	[tilespmem:v49+s9+$0x0] =	vst.idx.msk $0xffff, v22  }
0x181: {  	v19 =	vld [tilespmem:s30+$0xFFFFFFD0]  }
0x182: {  	v20 =	vld [tilespmem:s30+$0x50];
	_ =	sdelay $0x4  }
0x183: {  	v19 =	vmul.bf16 v19, v16;
	v20 =	vmul.bf16 v20, v15;
	_ =	sdelay $0x1  }
0x184: {  	v61 =	vmax.bf16 v19, v20  }
0x185: {  	v20 =	vmax.bf16 v30, v20;
	v19 =	vsel vm0, v61, v19  }
0x186: {  	[tilespmem:v50+s9+$0x0] =	vst.idx.msk $0xffff, v20;
	v19 =	vmax.bf16 v60, v19  }
0x187: {  	[tilespmem:v54+s9+$0x0] =	vst.idx.msk $0xffff, v19  }
0x188: {  	v18 =	vld [tilespmem:s30+$0xFFFFFFE0]  }
0x189: {  	v19 =	vld [tilespmem:s30+$0x60];
	_ =	sdelay $0x4  }
0x18a: {  	v18 =	vmul.bf16 v18, v16;
	v19 =	vmul.bf16 v19, v15;
	_ =	sdelay $0x1  }
0x18b: {  	v62 =	vmax.bf16 v18, v19  }
0x18c: {  	v19 =	vmax.bf16 v53, v19;
	v18 =	vsel vm0, v62, v18  }
0x18d: {  	[tilespmem:v47+s9+$0x0] =	vst.idx.msk $0xffff, v19;
	v18 =	vmax.bf16 v59, v18  }
0x18e: {  	[tilespmem:v52+s9+$0x0] =	vst.idx.msk $0xffff, v18  }
0x18f: {  	v18 =	vld [tilespmem:s30+$0xFFFFFFF0]  }
0x190: {  	v19 =	vld [tilespmem:s30+$0x70];
	_ =	sdelay $0x4  }
0x191: {  	v63 =	vmul.bf16 v18, v16;
	v15 =	vmul.bf16 v19, v15;
	_ =	sdelay $0x1  }
0x192: {  	v18 =	vmax.bf16 v63, v15  }
0x193: {  	v15 =	vmax.bf16 v35, v15;
	v16 =	vsel vm0, v18, v63  }
0x194: {  	[tilespmem:v57+s9+$0x0] =	vst.idx.msk $0xffff, v15;
	v15 =	vmax.bf16 v58, v16  }
0x195: {  	[tilespmem:v51+s9+$0x0] =	vst.idx.msk $0xffff, v15  }
.LBB2_17:
0x196: {  	s1 =	sand.u32 $0x1, s29  }
0x197: {  	p1 =	seq.s32 s1, $0x0  }
0x198: {  	s1 =	sadd.s32 @!p1 $0xFFFFFFFF, s29  }
0x199: {  	s11 =	sadd.s32 @!p1 s28, s1  }
0x19a: {  	v15 =	vmov @!p1 s11  }
0x19b: {  	v15 =	vand.u32 @!p1 $0xFFFFFFFE, v15  }
0x19c: {  	v15 =	vbroadcast @!p1 v15, $0x0;
	_ =	sdelay $0x2  }
0x19d: {  	s11 =	sand.u32 @!p1 $0x20, s28  }
0x19e: {  	s1 =	sadd.s32 @!p1 s11, s1  }
0x19f: {  	s1 =	sshll.u32 @!p1 s1, $0x9  }
0x1a0: {  	s1 =	sshra.s32 @!p1 s1, $0x2;
	v16 =	vld.idx.msk @!p1 [tilespmem:v15+s15+$0x0], $0xffff  }
0x1a1: {  	v32 =	vld @!p1 [tilespmem:s1+$0x8CE0]  }
0x1a2: {  	v33 =	vld @!p1 [tilespmem:s1+$0x8CF0]  }
0x1a3: {  	v34 =	vld @!p1 [tilespmem:s1+$0x8D00]  }
0x1a4: {  	v35 =	vld @!p1 [tilespmem:s1+$0x8D10]  }
0x1a5: {  	v36 =	vld @!p1 [tilespmem:s1+$0x8D20];
	v17 =	vadd.s32 @!p1 v1, v16  }
0x1a6: {  	v37 =	vld @!p1 [tilespmem:s1+$0x8D30];
	v18 =	vadd.s32 @!p1 v4, v16  }
0x1a7: {  	v38 =	vld @!p1 [tilespmem:s1+$0x8D40];
	v19 =	vadd.s32 @!p1 v5, v16  }
0x1a8: {  	v15 =	vld.idx.msk @!p1 [tilespmem:v15+s14+$0x0], $0xffff;
	v20 =	vadd.s32 @!p1 v6, v16  }
0x1a9: {  	v39 =	vld @!p1 [tilespmem:s1+$0x8D50];
	v21 =	vadd.s32 @!p1 v7, v16  }
0x1aa: {  	v23 =	vadd.s32 @!p1 v8, v16;
	v22 =	vld.idx.msk @!p1 [tilespmem:v17+s9+$0x0], $0xffff  }
0x1ab: {  	v25 =	vadd.s32 @!p1 v9, v16;
	v24 =	vld.idx.msk @!p1 [tilespmem:v18+s9+$0x0], $0xffff  }
0x1ac: {  	v16 =	vadd.s32 @!p1 v10, v16;
	v26 =	vld.idx.msk @!p1 [tilespmem:v19+s9+$0x0], $0xffff  }
0x1ad: {  	v15 =	vpack.i.f32.bf16 @!p1 v15, v15;
	v27 =	vld.idx.msk @!p1 [tilespmem:v20+s9+$0x0], $0xffff  }
0x1ae: {  	v32 =	vmul.bf16 @!p1 v32, v15;
	v28 =	vld.idx.msk @!p1 [tilespmem:v21+s9+$0x0], $0xffff  }
0x1af: {  	v33 =	vmul.bf16 @!p1 v33, v15;
	v29 =	vld.idx.msk @!p1 [tilespmem:v23+s9+$0x0], $0xffff  }
0x1b0: {  	v34 =	vmul.bf16 @!p1 v34, v15;
	v30 =	vld.idx.msk @!p1 [tilespmem:v25+s9+$0x0], $0xffff;
	v22 =	vmax.bf16 @!p1 v22, v32  }
0x1b1: {  	v31 =	vld.idx.msk @!p1 [tilespmem:v16+s9+$0x0], $0xffff;
	v32 =	vmul.bf16 @!p1 v35, v15;
	[tilespmem:v17+s9+$0x0] =	vst.idx.msk @!p1 $0xffff, v22;
	v17 =	vmax.bf16 @!p1 v24, v33  }
0x1b2: {  	v22 =	vmul.bf16 @!p1 v36, v15;
	[tilespmem:v18+s9+$0x0] =	vst.idx.msk @!p1 $0xffff, v17;
	v17 =	vmax.bf16 @!p1 v26, v34  }
0x1b3: {  	v18 =	vmul.bf16 @!p1 v37, v15;
	[tilespmem:v19+s9+$0x0] =	vst.idx.msk @!p1 $0xffff, v17;
	v17 =	vmax.bf16 @!p1 v27, v32  }
0x1b4: {  	v19 =	vmul.bf16 @!p1 v38, v15;
	[tilespmem:v20+s9+$0x0] =	vst.idx.msk @!p1 $0xffff, v17;
	v17 =	vmax.bf16 @!p1 v28, v22  }
0x1b5: {  	v15 =	vmul.bf16 @!p1 v39, v15;
	[tilespmem:v21+s9+$0x0] =	vst.idx.msk @!p1 $0xffff, v17;
	v17 =	vmax.bf16 @!p1 v29, v18  }
0x1b6: {  	[tilespmem:v23+s9+$0x0] =	vst.idx.msk @!p1 $0xffff, v17;
	v17 =	vmax.bf16 @!p1 v30, v19  }
0x1b7: {  	v15 =	vmax.bf16 @!p1 v31, v15;
	[tilespmem:v25+s9+$0x0] =	vst.idx.msk @!p1 $0xffff, v17  }
0x1b8: {  	[tilespmem:v16+s9+$0x0] =	vst.idx.msk @!p1 $0xffff, v15;
	p1 =	seq.s32 s26, s23  }
.Ltmp10:
0x1b9: {  	_ = 	snop;
	(pc) =	sbr.rel @p1 .LBB2_8-.Ltmp10, $2  }
0x1ba: {  	_ =	sdelay $0x2  }
0x1bb: {  	s4 =	sadd.s32 $0x20, s4;
	p0 =	por !p0, !p0  }
.LBB2_13:
0x1bc: {  	s1 =	smov.u32 s26;
	_ =	swait.ge [sflag:s19], $0x1000;
	s26 =	sadd.s32 $0x1, s26  }
0x1bd: {  	[sflag:s19] =	ssyncset.done $0x0;
	p1 =	sge.s32 s26, s23  }
0x1be: {  	[sflag:s19] =	ssyncadd.s32 $0xFFFFF000;
	s25 =	sshll.u32 @!p1 s26, $0x5  }
0x1bf: {  	v15 =	vld @!p1 [tilespmem:s25+$0x5DC0];
	_ =	sdelay $0x3  }
0x1c0: {  	s28 =	sand.u32 @!p1 $0x20, s25  }
0x1c1: {  	[tilespmem:s28+$0x8CA0] =	vst @!p1 v15  }
0x1c2: {  	v15 =	vld @!p1 [tilespmem:s25+$0x5DD0];
	_ =	sdelay $0x3  }
0x1c3: {  	s25 =	sshll.u32 @!p1 s28, $0x7  }
0x1c4: {  	s29 =	sadd.s32 @!p1 $0x8CA0, s28;
	s25 =	sor.u32 @!p1 $0x8CE0, s25;
	[tilespmem:s28+$0x8CB0] =	vst @!p1 v15;
	s28 =	simm.s32 @!p1 $0x20  }
0x1c5: {  	[tilespmem:s25], [sflag:$0x2] =	stream.indirect.gather @!p1 [hbm4b:s0+s28], $0x80, s29, s28, $0xb8;
	[tilespmem:$0x14CE0] =	vst v63  }
0x1c6: {  	s28 =	sshll.u32 s1, $0x5  }
0x1c7: {  	s29 =	ssub.s32 s24, s28  }
0x1c8: {  	p1 =	slt.s32 s29, $0x20  }
0x1c9: {  	s29 =	simm.s32 @!p1 $0x20  }
0x1ca: {  	s1 =	sshra.s32 s29, $0x1  }
0x1cb: {  	p1 =	slt.s32 s1, $0x1  }
.Ltmp11:
0x1cc: {  	_ = 	snop;
	(pc) =	sbr.rel @p1 .LBB2_17-.Ltmp11, $1  }
0x1cd: {  	_ =	sdelay $0x3  }
0x1ce: {  	s25 =	sadd.s32 $0xFFFFFFFF, s4  }
0x1cf: {  	v15 =	vmov s25  }
0x1d0: {  	v16 =	vmov s4;
	v15 =	vand.u32 $0xFFFFFFFE, v15  }
0x1d1: {  	v15 =	vbroadcast v15, $0x0;
	_ =	sdelay $0x3  }
0x1d2: {  	v17 =	vld.idx.msk [tilespmem:v16+s15+$0x0], $0xffff;
	_ =	sdelay $0x1  }
0x1d3: {  	s25 =	simm.s32 $0x1;
	v18 =	vld.idx.msk [tilespmem:v15+s15+$0x0], $0xffff  }
0x1d4: {  	s25 =	simm.s32 @!p0 $0x0  }
0x1d5: {  	s25 =	sshll.u32 s25, $0xC  }
0x1d6: {  	s30 =	sor.u32 $0x8D60, s25;
	v20 =	vld.idx.msk [tilespmem:v16+s14+$0x0], $0xffff;
	v33 =	vadd.s32 v1, v17  }
0x1d7: {  	v26 =	vld [tilespmem:s30+$0x0];
	v21 =	vadd.s32 v6, v17  }
0x1d8: {  	v15 =	vld.idx.msk [tilespmem:v15+s14+$0x0], $0xffff;
	v19 =	vadd.s32 v1, v18  }
0x1d9: {  	v29 =	vld [tilespmem:s30+$0xFFFFFF80];
	v24 =	vadd.s32 v5, v17  }
0x1da: {  	v27 =	vadd.s32 v4, v17  }
0x1db: {  	v25 =	vadd.s32 v5, v18;
	v35 =	vld.idx.msk [tilespmem:v33+s9+$0x0], $0xffff  }
0x1dc: {  	v30 =	vadd.s32 v4, v18;
	v23 =	vld.idx.msk [tilespmem:v21+s9+$0x0], $0xffff  }
0x1dd: {  	v22 =	vadd.s32 v6, v18;
	v16 =	vpack.i.f32.bf16 v15, v15;
	v15 =	vpack.i.f32.bf16 v20, v20;
	v34 =	vld.idx.msk [tilespmem:v19+s9+$0x0], $0xffff  }
0x1de: {  	p1 =	sne.s32 s1, $0x1;
	v28 =	vld.idx.msk [tilespmem:v24+s9+$0x0], $0xffff;
	v20 =	vmul.bf16 v29, v16;
	v36 =	vmul.bf16 v26, v15  }
.Ltmp12:
0x1df: {  	v31 =	vld.idx.msk [tilespmem:v27+s9+$0x0], $0xffff;
	(pc) =	sbr.rel @!p1 .LBB2_16-.Ltmp12, $4  }
0x1e0: {  	vm0 =	veq.s32 v18, v17;
	v26 =	vmax.bf16 v20, v36;
	v29 =	vld.idx.msk [tilespmem:v25+s9+$0x0], $0xffff  }
0x1e1: {  	v20 =	vsel vm0, v26, v20;
	v32 =	vld.idx.msk [tilespmem:v30+s9+$0x0], $0xffff;
	v35 =	vmax.bf16 v35, v36  }
0x1e2: {  	v26 =	vld.idx.msk [tilespmem:v22+s9+$0x0], $0xffff;
	[tilespmem:v33+s9+$0x0] =	vst.idx.msk $0xffff, v35;
	v20 =	vmax.bf16 v34, v20  }
0x1e3: {  	s31 =	sadd.s32 $0xFFFFFFFF, s1;
	s25 =	smov.u32 s4;
	s1 =	smov.u32 s30;
	[tilespmem:v19+s9+$0x0] =	vst.idx.msk $0xffff, v20  }
.LBB2_15:
0x1e4: {  	p1 =	sne.s32 s31, $0x1;
	v33 =	vld [tilespmem:s30+$0xFFFFFF90];
	s25 =	sadd.s32 $0x2, s25;
	s1 =	sadd.s32 $0x100, s1  }
0x1e5: {  	s31 =	sadd.s32 $0xFFFFFFFF, s31;
	s11 =	sadd.s32 $0xFFFFFFFF, s25;
	v34 =	vld [tilespmem:s30+$0x10]  }
0x1e6: {  	v19 =	vmov s11  }
0x1e7: {  	v19 =	vand.u32 $0xFFFFFFFE, v19  }
0x1e8: {  	v20 =	vmov s25;
	v19 =	vbroadcast v19, $0x0;
	_ =	sdelay $0x1  }
0x1e9: {  	v33 =	vmul.bf16 v33, v16;
	v34 =	vmul.bf16 v34, v15;
	_ =	sdelay $0x1  }
0x1ea: {  	v35 =	vmax.bf16 v33, v34;
	v31 =	vmax.bf16 v31, v34  }
0x1eb: {  	v33 =	vsel vm0, v35, v33  }
0x1ec: {  	v32 =	vmax.bf16 v32, v33;
	[tilespmem:v27+s9+$0x0] =	vst.idx.msk $0xffff, v31  }
0x1ed: {  	[tilespmem:v30+s9+$0x0] =	vst.idx.msk $0xffff, v32  }
0x1ee: {  	v27 =	vld [tilespmem:s30+$0xFFFFFFA0]  }
0x1ef: {  	v30 =	vld [tilespmem:s30+$0x20];
	_ =	sdelay $0x3  }
0x1f0: {  	v27 =	vmul.bf16 v27, v16  }
0x1f1: {  	v30 =	vmul.bf16 v30, v15;
	_ =	sdelay $0x1  }
0x1f2: {  	v31 =	vmax.bf16 v27, v30;
	v28 =	vmax.bf16 v28, v30  }
0x1f3: {  	v27 =	vsel vm0, v31, v27;
	[tilespmem:v24+s9+$0x0] =	vst.idx.msk $0xffff, v28  }
0x1f4: {  	v24 =	vmax.bf16 v29, v27  }
0x1f5: {  	[tilespmem:v25+s9+$0x0] =	vst.idx.msk $0xffff, v24  }
0x1f6: {  	v24 =	vld [tilespmem:s30+$0xFFFFFFB0]  }
0x1f7: {  	v25 =	vld [tilespmem:s30+$0x30];
	_ =	sdelay $0x3  }
0x1f8: {  	v24 =	vmul.bf16 v24, v16  }
0x1f9: {  	v25 =	vmul.bf16 v25, v15;
	_ =	sdelay $0x1  }
0x1fa: {  	v27 =	vmax.bf16 v24, v25;
	v23 =	vmax.bf16 v23, v25  }
0x1fb: {  	v24 =	vsel vm0, v27, v24;
	[tilespmem:v21+s9+$0x0] =	vst.idx.msk $0xffff, v23;
	v21 =	vadd.s32 v9, v17  }
0x1fc: {  	v23 =	vmax.bf16 v26, v24;
	v24 =	vadd.s32 v7, v17  }
0x1fd: {  	[tilespmem:v22+s9+$0x0] =	vst.idx.msk $0xffff, v23;
	v22 =	vadd.s32 v7, v18  }
0x1fe: {  	v23 =	vadd.s32 v8, v17;
	v25 =	vld [tilespmem:s30+$0xFFFFFFC0]  }
0x1ff: {  	v26 =	vadd.s32 v10, v18;
	v27 =	vld [tilespmem:s30+$0x40]  }
0x200: {  	v28 =	vadd.s32 v9, v18;
	v29 =	vld.idx.msk [tilespmem:v21+s9+$0x0], $0xffff  }
0x201: {  	v18 =	vadd.s32 v8, v18;
	v30 =	vld.idx.msk [tilespmem:v24+s9+$0x0], $0xffff  }
0x202: {  	v17 =	vadd.s32 v10, v17;
	v31 =	vld.idx.msk [tilespmem:v22+s9+$0x0], $0xffff  }
0x203: {  	v32 =	vld.idx.msk [tilespmem:v23+s9+$0x0], $0xffff;
	v25 =	vmul.bf16 v25, v16  }
0x204: {  	v33 =	vld.idx.msk [tilespmem:v26+s9+$0x0], $0xffff;
	v27 =	vmul.bf16 v27, v15  }
0x205: {  	v34 =	vld.idx.msk [tilespmem:v28+s9+$0x0], $0xffff  }
0x206: {  	v35 =	vld.idx.msk [tilespmem:v18+s9+$0x0], $0xffff;
	v36 =	vmax.bf16 v25, v27  }
0x207: {  	v27 =	vmax.bf16 v30, v27;
	v37 =	vld.idx.msk [tilespmem:v17+s9+$0x0], $0xffff;
	v25 =	vsel vm0, v36, v25  }
0x208: {  	v25 =	vmax.bf16 v31, v25;
	[tilespmem:v24+s9+$0x0] =	vst.idx.msk $0xffff, v27  }
0x209: {  	[tilespmem:v22+s9+$0x0] =	vst.idx.msk $0xffff, v25  }
0x20a: {  	v22 =	vld [tilespmem:s30+$0xFFFFFFD0]  }
0x20b: {  	v24 =	vld [tilespmem:s30+$0x50];
	_ =	sdelay $0x3  }
0x20c: {  	v22 =	vmul.bf16 v22, v16  }
0x20d: {  	v24 =	vmul.bf16 v24, v15;
	_ =	sdelay $0x1  }
0x20e: {  	v25 =	vmax.bf16 v22, v24;
	v24 =	vmax.bf16 v32, v24  }
0x20f: {  	v22 =	vsel vm0, v25, v22;
	[tilespmem:v23+s9+$0x0] =	vst.idx.msk $0xffff, v24  }
0x210: {  	v22 =	vmax.bf16 v35, v22  }
0x211: {  	[tilespmem:v18+s9+$0x0] =	vst.idx.msk $0xffff, v22  }
0x212: {  	v18 =	vld [tilespmem:s30+$0xFFFFFFE0]  }
0x213: {  	v22 =	vld [tilespmem:s30+$0x60];
	_ =	sdelay $0x3  }
0x214: {  	v18 =	vmul.bf16 v18, v16  }
0x215: {  	v22 =	vmul.bf16 v22, v15;
	_ =	sdelay $0x1  }
0x216: {  	v23 =	vmax.bf16 v18, v22;
	v22 =	vmax.bf16 v29, v22  }
0x217: {  	v18 =	vsel vm0, v23, v18;
	[tilespmem:v21+s9+$0x0] =	vst.idx.msk $0xffff, v22  }
0x218: {  	v18 =	vmax.bf16 v34, v18  }
0x219: {  	[tilespmem:v28+s9+$0x0] =	vst.idx.msk $0xffff, v18  }
0x21a: {  	v18 =	vld [tilespmem:s30+$0xFFFFFFF0]  }
0x21b: {  	v21 =	vld [tilespmem:s30+$0x70];
	s30 =	smov.u32 s1;
	_ =	sdelay $0x3  }
0x21c: {  	v16 =	vmul.bf16 v18, v16  }
0x21d: {  	v15 =	vmul.bf16 v21, v15;
	_ =	sdelay $0x1  }
0x21e: {  	v18 =	vmax.bf16 v16, v15;
	v15 =	vmax.bf16 v37, v15  }
0x21f: {  	v16 =	vsel vm0, v18, v16;
	[tilespmem:v17+s9+$0x0] =	vst.idx.msk $0xffff, v15  }
0x220: {  	v15 =	vmax.bf16 v33, v16  }
0x221: {  	[tilespmem:v26+s9+$0x0] =	vst.idx.msk $0xffff, v15  }
0x222: {  	v18 =	vld.idx.msk [tilespmem:v19+s15+$0x0], $0xffff  }
0x223: {  	v17 =	vld.idx.msk [tilespmem:v20+s15+$0x0], $0xffff;
	_ =	sdelay $0x3  }
0x224: {  	v15 =	vld.idx.msk [tilespmem:v20+s14+$0x0], $0xffff  }
0x225: {  	v16 =	vld.idx.msk [tilespmem:v19+s14+$0x0], $0xffff;
	v19 =	vadd.s32 v1, v18  }
0x226: {  	v20 =	vadd.s32 v1, v17;
	v27 =	vadd.s32 v4, v17;
	v24 =	vadd.s32 v5, v17;
	v26 =	vld [tilespmem:s1+$0x0]  }
0x227: {  	v21 =	vadd.s32 v6, v17;
	v28 =	vld [tilespmem:s1+$0xFFFFFF80];
	_ =	sdelay $0x2  }
0x228: {  	v30 =	vadd.s32 v4, v18;
	v25 =	vadd.s32 v5, v18;
	v33 =	vld.idx.msk [tilespmem:v19+s9+$0x0], $0xffff  }
0x229: {  	v22 =	vadd.s32 v6, v18;
	v15 =	vpack.i.f32.bf16 v15, v15;
	v16 =	vpack.i.f32.bf16 v16, v16;
	v34 =	vld.idx.msk [tilespmem:v20+s9+$0x0], $0xffff  }
0x22a: {  	v35 =	vmul.bf16 v26, v15;
	v23 =	vld.idx.msk [tilespmem:v21+s9+$0x0], $0xffff;
	v32 =	vmul.bf16 v28, v16  }
0x22b: {  	v28 =	vld.idx.msk [tilespmem:v24+s9+$0x0], $0xffff  }
0x22c: {  	vm0 =	veq.s32 v18, v17;
	v31 =	vld.idx.msk [tilespmem:v27+s9+$0x0], $0xffff;
	v26 =	vmax.bf16 v32, v35  }
.Ltmp13:
0x22d: {  	v29 =	vld.idx.msk [tilespmem:v25+s9+$0x0], $0xffff;
	v36 =	vsel vm0, v26, v32;
	(pc) =	sbr.rel @p1 .LBB2_15-.Ltmp13, $4  }
0x22e: {  	v32 =	vld.idx.msk [tilespmem:v30+s9+$0x0], $0xffff  }
0x22f: {  	v34 =	vmax.bf16 v34, v35;
	v26 =	vld.idx.msk [tilespmem:v22+s9+$0x0], $0xffff  }
0x230: {  	v33 =	vmax.bf16 v33, v36;
	[tilespmem:v20+s9+$0x0] =	vst.idx.msk $0xffff, v34  }
0x231: {  	[tilespmem:v19+s9+$0x0] =	vst.idx.msk $0xffff, v33  }
.Ltmp14:
0x232: {  	_ = 	snop;
	(pc) =	sbr.rel .LBB2_16-.Ltmp14, $1  }
0x233: {  	_ =	sdelay $0x3  }
.LBB2_19:
0x234: {  	_ =	sfence.sel $0x180000  }
0x235: {  	[bflag:$0x0] =	sbarrier.arrive $0xFFFF  }
0x236: {  	_ =	strace $0x90000047  }
0x237: {  	s0 =	stileid.u32;
	[bflag:$0x2] =	sbarrier.arrive $0xFFFF  }
0x238: {  	p0 =	sne.s32 s0, $0x0;
	s0 =	rddreg [dreg:$0x5]  }
0x239: {  	s0 =	sadd.s32 @!p0 $0x100000, s0  }
0x23a: {  	[sflag:s0] =	ssyncadd.tile.s32 @!p0 $0x1;
	_ =	shalt  }
.Lfunc_end2:
_tile_overlayer_lowered:
.L_overlay_start_2:
0x23b: {  	(tag) =	ssettag $0x2  }
0x23c: {  	s0 =	rddreg [dreg:$0x0];
	s2 =	stileid.u32  }
0x23d: {  	s1 =	rddreg [dreg:$0x1];
	p0 =	sne.s32 s2, $0x0  }
0x23e: {  	s3 =	rddreg [dreg:$0x2];
	[bflag:$0x3] =	sbarrier.arrive $0xFFFF;
	s2 =	simm.s32 @!p0 $0x1C03  }
0x23f: {  	[timem:s3], [sflag:s2] =	dma.local @!p0 [hbm:s0], s1  }
0x240: {  	s0 =	simm.s32 @!p0 $0x3  }
0x241: {  	_ =	swait.ge @!p0 [sflag:s0], s1  }
0x242: {  	s1 =	ssub.s32 @!p0 $0x0, s1;
	[sflag:s0] =	ssyncset.done @!p0 $0x0  }
0x243: {  	[sflag:s0] =	ssyncadd.s32 @!p0 s1  }
0x244: {  	[bflag:$0x3] =	sbarrier.arrive $0xFFFF  }
0x245: {  	_ =	shalt  }

</sc_bundles>
